<compile_context>
chip_gen: v7x
topology: tpu7x:2x2x1
jax: 0.10.2.dev20260603
libtpu: 0.0.44.dev20260713+nightly
codegen_flags: <defaults>
</compile_context>

<pallas_src>
import functools

import jax
import jax.numpy as jnp
from jax import lax
from jax.experimental import pallas as pl
from jax.experimental.pallas import tpu as pltpu
from jax.experimental.pallas import tpu_sc as plsc



def _node_kernel(feat_ref, mass_ref, W1n_ref, b1n_ref, W2n_ref, b2n_ref,
                 gn_ref, bn_ref, latent_ref, ke_ref):
    feat = feat_ref[...]
    pos = feat[:, 0:3]
    v = feat[:, 3:6]
    mass = mass_ref[...]
    W1n = W1n_ref[...]
    h1 = jnp.maximum(pos[:, 0:1] * W1n[0:1, :] + pos[:, 1:2] * W1n[1:2, :]
                     + pos[:, 2:3] * W1n[2:3, :] + b1n_ref[...], 0.0)
    h = jnp.dot(h1, W2n_ref[...], preferred_element_type=jnp.float32) + b2n_ref[...]
    mu = jnp.mean(h, axis=-1, keepdims=True)
    var = jnp.mean((h - mu) ** 2, axis=-1, keepdims=True)
    latent_ref[...] = (h - mu) / jnp.sqrt(var + 1e-5) * gn_ref[...] + bn_ref[...]
    ke_part = 0.5 * jnp.sum(mass * jnp.sum(v * v, axis=-1, keepdims=True), keepdims=True)

    @pl.when(pl.program_id(0) == 0)
    def _():
        ke_ref[...] = jnp.zeros_like(ke_ref)

    ke_ref[...] += ke_part


def _node_stage(feat, mass, W1n, b1n, W2n, b2n, gn, bn, bn_rows):
    n = feat.shape[0]
    grid = (n // bn_rows,)
    latent, ke = pl.pallas_call(
        _node_kernel,
        grid=grid,
        in_specs=[
            pl.BlockSpec((bn_rows, 6), lambda i: (i, 0)),
            pl.BlockSpec((bn_rows, 1), lambda i: (i, 0)),
            pl.BlockSpec((3, 128), lambda i: (0, 0)),
            pl.BlockSpec((1, 128), lambda i: (0, 0)),
            pl.BlockSpec((128, 128), lambda i: (0, 0)),
            pl.BlockSpec((1, 128), lambda i: (0, 0)),
            pl.BlockSpec((1, 128), lambda i: (0, 0)),
            pl.BlockSpec((1, 128), lambda i: (0, 0)),
        ],
        out_specs=[
            pl.BlockSpec((bn_rows, 128), lambda i: (i, 0)),
            pl.BlockSpec((1, 1), lambda i: (0, 0)),
        ],
        out_shape=[
            jax.ShapeDtypeStruct((n, 128), jnp.float32),
            jax.ShapeDtypeStruct((1, 1), jnp.float32),
        ],
    )(feat, mass, W1n, b1n.reshape(1, 128), W2n, b2n.reshape(1, 128),
      gn.reshape(1, 128), bn.reshape(1, 128))
    return latent, ke



def _sc_geometry():
    try:
        info = plsc.get_sparse_core_info()
        return info.num_cores, info.num_subcores
    except Exception:
        return 2, 16


def _gather_sum(latent, idx_flat, e_pad, ce):
    nc, ns = _sc_geometry()
    nw = nc * ns
    e_per_w = e_pad // nw
    n_chunks = e_per_w // ce
    mesh = plsc.VectorSubcoreMesh(core_axis_name="c", subcore_axis_name="s",
                                  num_cores=nc, num_subcores=ns)

    nbuf = 4
    @functools.partial(
        pl.kernel, mesh=mesh,
        out_type=jax.ShapeDtypeStruct((e_pad, 128), jnp.float32),
        scratch_types=[
            pltpu.VMEM((n_chunks * 4 * ce,), jnp.int32),
            [pltpu.VMEM((4 * ce, 128), jnp.float32)] * nbuf,
            [pltpu.VMEM((ce, 128), jnp.float32)] * nbuf,
            [pltpu.SemaphoreType.DMA] * nbuf,
            [pltpu.SemaphoreType.DMA] * nbuf,
        ],
    )
    def k(table_hbm, idx_hbm, out_hbm, idx_all, rows, outs, gsem, ssem):
        wid = lax.axis_index("s") * nc + lax.axis_index("c")
        cb = wid * n_chunks
        pltpu.sync_copy(idx_hbm.at[pl.ds(cb * 4 * ce, n_chunks * 4 * ce)],
                        idx_all)
        for j in range(nbuf - 1):
            pltpu.async_copy(
                table_hbm.at[idx_all.at[pl.ds(j * 4 * ce, 4 * ce)]],
                rows[j], gsem[j])

        def group_body(g, _):
            for j in range(nbuf):
                ci = nbuf * g + j
                r_cur, gs_cur = rows[j], gsem[j]
                jp = (j + nbuf - 1) % nbuf
                r_pre, gs_pre = rows[jp], gsem[jp]
                o_cur, ss_cur = outs[j], ssem[j]

                @pl.when(ci + nbuf - 1 < n_chunks)
                def _():
                    pltpu.async_copy(
                        table_hbm.at[idx_all.at[pl.ds((ci + nbuf - 1) * 4 * ce,
                                                      4 * ce)]],
                        r_pre, gs_pre)

                pltpu.make_async_copy(
                    table_hbm.at[idx_all.at[pl.ds(ci * 4 * ce, 4 * ce)]],
                    r_cur, gs_cur).wait()

                @pl.when(ci >= nbuf)
                def _():
                    pltpu.make_async_copy(o_cur, out_hbm.at[pl.ds(0, ce)],
                                          ss_cur).wait()

                @plsc.parallel_loop(0, ce, unroll=8)
                def _(ei):
                    b = 4 * ei
                    for c in range(8):
                        col = pl.ds(c * 16, 16)
                        o_cur[ei, col] = (r_cur[b, col] + r_cur[b + 1, col]
                                          + r_cur[b + 2, col]
                                          + r_cur[b + 3, col])

                pltpu.async_copy(o_cur, out_hbm.at[pl.ds((cb + ci) * ce, ce)],
                                 ss_cur)
            return 0

        lax.fori_loop(0, n_chunks // nbuf, group_body, 0)
        for j in range(nbuf):
            pltpu.make_async_copy(outs[j], out_hbm.at[pl.ds(0, ce)],
                                  ssem[j]).wait()

    return k(latent, idx_flat)



def _elem_kernel(coords_ref, mat_ref, W1c_ref, w1m_ref, b1e_ref, W2e_ref,
                 b2e_ref, ge_ref, be_ref, ie_ref):
    coords = coords_ref[...]
    mat = mat_ref[...]
    h1 = jnp.maximum(jnp.dot(coords, W1c_ref[...], preferred_element_type=jnp.float32)
                     + mat * w1m_ref[...] + b1e_ref[...], 0.0)
    he = jnp.dot(h1, W2e_ref[...], preferred_element_type=jnp.float32) + b2e_ref[...]
    mu = jnp.mean(he, axis=-1, keepdims=True)
    var = jnp.mean((he - mu) ** 2, axis=-1, keepdims=True)
    pe = (he - mu) / jnp.sqrt(var + 1e-5) * ge_ref[...] + be_ref[...]
    part = jnp.sum(pe, keepdims=True)

    @pl.when(pl.program_id(0) == 0)
    def _():
        ie_ref[...] = jnp.zeros_like(ie_ref)

    ie_ref[...] += part


def _elem_stage(coords, mat, W1e, b1e, W2e, b2e, ge, be, be_rows):
    e = coords.shape[0]
    grid = (e // be_rows,)
    W1c = W1e[:128, :]
    w1m = W1e[128:129, :]
    ie = pl.pallas_call(
        _elem_kernel,
        grid=grid,
        in_specs=[
            pl.BlockSpec((be_rows, 128), lambda i: (i, 0)),
            pl.BlockSpec((be_rows, 1), lambda i: (i, 0)),
            pl.BlockSpec((128, 128), lambda i: (0, 0)),
            pl.BlockSpec((1, 128), lambda i: (0, 0)),
            pl.BlockSpec((1, 128), lambda i: (0, 0)),
            pl.BlockSpec((128, 1), lambda i: (0, 0)),
            pl.BlockSpec((1, 1), lambda i: (0, 0)),
            pl.BlockSpec((1, 1), lambda i: (0, 0)),
            pl.BlockSpec((1, 1), lambda i: (0, 0)),
        ],
        out_specs=pl.BlockSpec((1, 1), lambda i: (0, 0)),
        out_shape=jax.ShapeDtypeStruct((1, 1), jnp.float32),
    )(coords, mat, W1c, w1m, b1e.reshape(1, 128), W2e,
      b2e.reshape(1, 1), ge.reshape(1, 1), be.reshape(1, 1))
    return ie



def kernel(x, node_mass, element_to_nodes, element_materials,
           W1n, b1n, W2n, b2n, gn, bn, W1e, b1e, W2e, b2e, ge, be):
    n = x.shape[0]
    e = element_to_nodes.shape[0]
    feat = x[:, :, -1]

    latent, ke = _node_stage(feat, node_mass, W1n, b1n, W2n, b2n, gn, bn,
                             bn_rows=5000)

    nc, ns = _sc_geometry()
    nw = nc * ns
    ce = 32
    quantum = nw * ce * 4
    e_pad = ((e + quantum - 1) // quantum) * quantum
    idx_flat = jnp.pad(element_to_nodes.reshape(-1), (0, 4 * (e_pad - e)))
    coords = _gather_sum(latent, idx_flat, e_pad, ce)

    mat_pad = jnp.pad(element_materials, ((0, e_pad - e), (0, 0)))
    ie = _elem_stage(coords, mat_pad, W1e, b1e, W2e, b2e, ge, be,
                     be_rows=2048)
    return (ke[0, 0], ie[0, 0])

# --- scband reference (transcript-rebuilt; emitter-appended) ---
"""Pipeline reference for scband-physics-net-22849226014830 (READ-ONLY COPY).

The authoritative reference and input builder live on the scoring server;
editing this copy changes nothing except your own understanding.
"""

import jax, jax.numpy as jnp
import numpy as np


def _ln(h, g, b):
    mu = jnp.mean(h, axis=-1, keepdims=True)
    var = jnp.var(h, axis=-1, keepdims=True)
    return (h - mu) / jnp.sqrt(var + 1e-5) * g + b


def setup_inputs(seed: int = 0) -> dict:
    key = jax.random.key(seed)
    ks = jax.random.split(key, 16)
    N, E, H = 50000, 150000, 128
    x = jax.random.normal(ks[0], (N, 6, 3), dtype=jnp.float32)
    node_mass = jax.random.uniform(ks[1], (N, 1), dtype=jnp.float32)
    element_to_nodes = jax.random.randint(ks[2], (E, 4), 0, N, dtype=jnp.int32)
    element_materials = jax.random.uniform(ks[3], (E, 1), dtype=jnp.float32)

    def lin(k, fi, fo):
        k1, k2 = jax.random.split(k)
        bound = 1.0 / np.sqrt(fi)
        W = jax.random.uniform(k1, (fi, fo), dtype=jnp.float32, minval=-bound, maxval=bound)
        b = jax.random.uniform(k2, (fo,), dtype=jnp.float32, minval=-bound, maxval=bound)
        return W, b

    W1n, b1n = lin(ks[4], 3, H)
    W2n, b2n = lin(ks[5], H, H)
    gn = jnp.ones((H,), dtype=jnp.float32)
    bn = jnp.zeros((H,), dtype=jnp.float32)
    W1e, b1e = lin(ks[6], H + 1, H)
    W2e, b2e = lin(ks[7], H, 1)
    ge = jnp.ones((1,), dtype=jnp.float32)
    be = jnp.zeros((1,), dtype=jnp.float32)
    return {
        "x": x, "node_mass": node_mass,
        "element_to_nodes": element_to_nodes, "element_materials": element_materials,
        "W1n": W1n, "b1n": b1n, "W2n": W2n, "b2n": b2n, "gn": gn, "bn": bn,
        "W1e": W1e, "b1e": b1e, "W2e": W2e, "b2e": b2e, "ge": ge, "be": be,
    }


def reference(x, node_mass, element_to_nodes, element_materials,
              W1n, b1n, W2n, b2n, gn, bn, W1e, b1e, W2e, b2e, ge, be):
    node_feat = x[:, :, -1]
    pos = node_feat[:, :3]
    v = node_feat[:, 3:6]
    kinetic_energy = jnp.sum(0.5 * node_mass * jnp.linalg.norm(v, axis=1, keepdims=True) ** 2)
    # encode_node: Linear(3,H) -> ReLU -> Linear(H,H) -> LayerNorm(H)
    h = jnp.maximum(pos @ W1n + b1n, 0.0) @ W2n + b2n
    node_latent = _ln(h, gn, bn)
    # per-element: sum node latents (gather + segment-style reduce), concat material
    element_coords = jnp.take(node_latent, element_to_nodes, axis=0).sum(axis=1)
    element_feat = jnp.concatenate([element_coords, element_materials], axis=1)
    # encode_element: Linear(H+1,H) -> ReLU -> Linear(H,1) -> LayerNorm(1)
    he = jnp.maximum(element_feat @ W1e + b1e, 0.0) @ W2e + b2e
    element_pe = _ln(he, ge, be)
    internal_energy = jnp.sum(element_pe)
    return (kinetic_energy, internal_energy)

if __name__ == "__main__":
    import jax
    _d = setup_inputs()
    print(jax.jit(kernel)(*tuple(_d.values())))

</pallas_src>

<mosaic_0001>
#map = affine_map<(d0, d1) -> (0, 0)>
#map1 = affine_map<(d0, d1) -> (0)>
module attributes {stable_mosaic.version = 14 : i64} {
  func.func @k(%arg0: i32, %arg1: i32, %arg2: memref<50000x128xf32, #tpu.memory_space<hbm>>, %arg3: memref<606208xi32, #tpu.memory_space<hbm>>, %arg4: memref<151552x128xf32, #tpu.memory_space<hbm>>, %arg5: memref<18944xi32, #tpu.memory_space<vmem>>, %arg6: memref<128x128xf32, #tpu.memory_space<vmem>>, %arg7: memref<128x128xf32, #tpu.memory_space<vmem>>, %arg8: memref<128x128xf32, #tpu.memory_space<vmem>>, %arg9: memref<128x128xf32, #tpu.memory_space<vmem>>, %arg10: memref<32x128xf32, #tpu.memory_space<vmem>>, %arg11: memref<32x128xf32, #tpu.memory_space<vmem>>, %arg12: memref<32x128xf32, #tpu.memory_space<vmem>>, %arg13: memref<32x128xf32, #tpu.memory_space<vmem>>, %arg14: memref<!tpu.dma_semaphore, #tpu.memory_space<semaphore_mem>>, %arg15: memref<!tpu.dma_semaphore, #tpu.memory_space<semaphore_mem>>, %arg16: memref<!tpu.dma_semaphore, #tpu.memory_space<semaphore_mem>>, %arg17: memref<!tpu.dma_semaphore, #tpu.memory_space<semaphore_mem>>, %arg18: memref<!tpu.dma_semaphore, #tpu.memory_space<semaphore_mem>>, %arg19: memref<!tpu.dma_semaphore, #tpu.memory_space<semaphore_mem>>, %arg20: memref<!tpu.dma_semaphore, #tpu.memory_space<semaphore_mem>>, %arg21: memref<!tpu.dma_semaphore, #tpu.memory_space<semaphore_mem>>) attributes {dimension_semantics = [#tpu.dimension_semantics<core_parallel>, #tpu.dimension_semantics<subcore_parallel>], iteration_bounds = array<i64: 2, 16>, scalar_prefetch = 0 : i64, scratch_operands = 17 : i64, tpu.core_type = #tpu.core_type<sc_vector_subcore>, window_params = [{transform_indices = #map}, {transform_indices = #map1}, {transform_indices = #map}]} {
    %mul3A = arith.constant 2 : i32
    %mul3A_0 = arith.muli %arg1, %mul3A : i32
    %add3A = arith.addi %mul3A_0, %arg0 : i32
    %mul3A_1 = arith.constant 148 : i32
    %mul3A_2 = arith.muli %add3A, %mul3A_1 : i32
    %mul3A_3 = arith.constant 4 : i32
    %mul3A_4 = arith.muli %mul3A_2, %mul3A_3 : i32
    %mul3A_5 = arith.constant 32 : i32
    %mul3A_6 = arith.muli %mul3A_4, %mul3A_5 : i32
    "tpu.region"() ({
      %run_scoped3A = tpu.sem_alloc : memref<!tpu.dma_semaphore, #tpu.memory_space<semaphore_mem>>
      %dma_start3A_50 = tpu.memref_slice %arg3[%mul3A_6] : memref<606208xi32, #tpu.memory_space<hbm>> -> memref<18944xi32, #tpu.memory_space<hbm>>
      %dma_start3A_51 = tpu.memref_slice %arg3[%mul3A_6] : memref<606208xi32, #tpu.memory_space<hbm>> -> memref<18944xi32, #tpu.memory_space<hbm>>
      tpu.enqueue_dma source(%dma_start3A_51 : memref<18944xi32, #tpu.memory_space<hbm>>) target(%arg5 : memref<18944xi32, #tpu.memory_space<vmem>>) target_semaphore(%run_scoped3A : memref<!tpu.dma_semaphore, #tpu.memory_space<semaphore_mem>>)
      %dma_wait3A_52 = tpu.memref_slice %arg3[%mul3A_6] : memref<606208xi32, #tpu.memory_space<hbm>> -> memref<18944xi32, #tpu.memory_space<hbm>>
      %dma_wait3A_53 = tpu.memref_slice %arg3[%mul3A_6] : memref<606208xi32, #tpu.memory_space<hbm>> -> memref<18944xi32, #tpu.memory_space<hbm>>
      tpu.wait_dma2 semaphore(%run_scoped3A : memref<!tpu.dma_semaphore, #tpu.memory_space<semaphore_mem>>) src(%dma_wait3A_53 : memref<18944xi32, #tpu.memory_space<hbm>>) dst(%arg5 : memref<18944xi32, #tpu.memory_space<vmem>>)
      tpu.yield
    }) : () -> ()
    %dma_start3A = arith.constant 0 : i32
    %dma_start3A_7 = tpu.memref_slice %arg5[%dma_start3A] : memref<18944xi32, #tpu.memory_space<vmem>> -> memref<128xi32, #tpu.memory_space<vmem>>
    %dma_start3A_8 = arith.constant 0 : i32
    %dma_start3A_9 = arith.constant 0 : i32
    %dma_start3A_10 = tpu.memref_slice %arg2[%dma_start3A_8, %dma_start3A_9] : memref<50000x128xf32, #tpu.memory_space<hbm>> -> memref<50000x128xf32, #tpu.memory_space<hbm>>
    tpu.enqueue_indirect_dma source(%dma_start3A_10 : memref<50000x128xf32, #tpu.memory_space<hbm>>) target(%arg6 : memref<128x128xf32, #tpu.memory_space<vmem>>) offsets(%dma_start3A_7 : memref<128xi32, #tpu.memory_space<vmem>>) semaphore(%arg14 : memref<!tpu.dma_semaphore, #tpu.memory_space<semaphore_mem>>)
    %dma_start3A_11 = arith.constant 128 : i32
    %dma_start3A_12 = tpu.memref_slice %arg5[%dma_start3A_11] : memref<18944xi32, #tpu.memory_space<vmem>> -> memref<128xi32, #tpu.memory_space<vmem>>
    %dma_start3A_13 = arith.constant 0 : i32
    %dma_start3A_14 = arith.constant 0 : i32
    %dma_start3A_15 = tpu.memref_slice %arg2[%dma_start3A_13, %dma_start3A_14] : memref<50000x128xf32, #tpu.memory_space<hbm>> -> memref<50000x128xf32, #tpu.memory_space<hbm>>
    tpu.enqueue_indirect_dma source(%dma_start3A_15 : memref<50000x128xf32, #tpu.memory_space<hbm>>) target(%arg7 : memref<128x128xf32, #tpu.memory_space<vmem>>) offsets(%dma_start3A_12 : memref<128xi32, #tpu.memory_space<vmem>>) semaphore(%arg15 : memref<!tpu.dma_semaphore, #tpu.memory_space<semaphore_mem>>)
    %dma_start3A_16 = arith.constant 256 : i32
    %dma_start3A_17 = tpu.memref_slice %arg5[%dma_start3A_16] : memref<18944xi32, #tpu.memory_space<vmem>> -> memref<128xi32, #tpu.memory_space<vmem>>
    %dma_start3A_18 = arith.constant 0 : i32
    %dma_start3A_19 = arith.constant 0 : i32
    %dma_start3A_20 = tpu.memref_slice %arg2[%dma_start3A_18, %dma_start3A_19] : memref<50000x128xf32, #tpu.memory_space<hbm>> -> memref<50000x128xf32, #tpu.memory_space<hbm>>
    tpu.enqueue_indirect_dma source(%dma_start3A_20 : memref<50000x128xf32, #tpu.memory_space<hbm>>) target(%arg8 : memref<128x128xf32, #tpu.memory_space<vmem>>) offsets(%dma_start3A_17 : memref<128xi32, #tpu.memory_space<vmem>>) semaphore(%arg16 : memref<!tpu.dma_semaphore, #tpu.memory_space<semaphore_mem>>)
    %scan3A = arith.constant 0 : i32
    %scan3A_21 = arith.constant 0 : i32
    %scan3A_22 = arith.constant 37 : i32
    %scan3A_23 = arith.addi %scan3A_21, %scan3A_22 : i32
    %scan3A_24 = arith.constant 1 : i32
    %scan3A_25 = scf.for %scan3A_50 = %scan3A_21 to %scan3A_23 step %scan3A_24 iter_args(%scan3A_51 = %scan3A) -> (i32)  : i32 {
      %mul3A_52 = arith.constant 4 : i32
      %mul3A_53 = arith.muli %mul3A_52, %scan3A_50 : i32
      %add3A_54 = arith.constant 0 : i32
      %add3A_55 = arith.addi %mul3A_53, %add3A_54 : i32
      %add3A_56 = arith.constant 4 : i32
      %add3A_57 = arith.addi %add3A_55, %add3A_56 : i32
      %sub3A = arith.constant 1 : i32
      %sub3A_58 = arith.subi %add3A_57, %sub3A : i32
      %lt3A = arith.constant 148 : i32
      %lt3A_59 = arith.cmpi slt, %sub3A_58, %lt3A : i32
      %convert_element_type3A = arith.extui %lt3A_59 : i1 to i32
      %cond3A = arith.constant 0 : i32
      %cond3A_60 = arith.cmpi ne, %convert_element_type3A, %cond3A : i32
      scf.if %cond3A_60 {
        %add3A_191 = arith.constant 4 : i32
        %add3A_192 = arith.addi %add3A_55, %add3A_191 : i32
        %sub3A_193 = arith.constant 1 : i32
        %sub3A_194 = arith.subi %add3A_192, %sub3A_193 : i32
        %mul3A_195 = arith.constant 4 : i32
        %mul3A_196 = arith.muli %sub3A_194, %mul3A_195 : i32
        %mul3A_197 = arith.constant 32 : i32
        %mul3A_198 = arith.muli %mul3A_196, %mul3A_197 : i32
        %dma_start3A_199 = tpu.memref_slice %arg5[%mul3A_198] : memref<18944xi32, #tpu.memory_space<vmem>> -> memref<128xi32, #tpu.memory_space<vmem>>
        %dma_start3A_200 = arith.constant 0 : i32
        %dma_start3A_201 = arith.constant 0 : i32
        %dma_start3A_202 = tpu.memref_slice %arg2[%dma_start3A_200, %dma_start3A_201] : memref<50000x128xf32, #tpu.memory_space<hbm>> -> memref<50000x128xf32, #tpu.memory_space<hbm>>
        tpu.enqueue_indirect_dma source(%dma_start3A_202 : memref<50000x128xf32, #tpu.memory_space<hbm>>) target(%arg9 : memref<128x128xf32, #tpu.memory_space<vmem>>) offsets(%dma_start3A_199 : memref<128xi32, #tpu.memory_space<vmem>>) semaphore(%arg17 : memref<!tpu.dma_semaphore, #tpu.memory_space<semaphore_mem>>)
      } else {
      }
      %mul3A_61 = arith.constant 4 : i32
      %mul3A_62 = arith.muli %add3A_55, %mul3A_61 : i32
      %mul3A_63 = arith.constant 32 : i32
      %mul3A_64 = arith.muli %mul3A_62, %mul3A_63 : i32
      %dma_wait3A_65 = tpu.memref_slice %arg5[%mul3A_64] : memref<18944xi32, #tpu.memory_space<vmem>> -> memref<128xi32, #tpu.memory_space<vmem>>
      %dma_wait3A_66 = arith.constant 0 : i32
      %dma_wait3A_67 = arith.constant 0 : i32
      %dma_wait3A_68 = tpu.memref_slice %arg2[%dma_wait3A_66, %dma_wait3A_67] : memref<50000x128xf32, #tpu.memory_space<hbm>> -> memref<50000x128xf32, #tpu.memory_space<hbm>>
      tpu.wait_indirect_dma semaphore(%arg14 : memref<!tpu.dma_semaphore, #tpu.memory_space<semaphore_mem>>) src(%dma_wait3A_68 : memref<50000x128xf32, #tpu.memory_space<hbm>>) dst(%arg6 : memref<128x128xf32, #tpu.memory_space<vmem>>)
      %ge3A = arith.constant 4 : i32
      %ge3A_69 = arith.cmpi sge, %add3A_55, %ge3A : i32
      %convert_element_type3A_70 = arith.extui %ge3A_69 : i1 to i32
      %cond3A_71 = arith.constant 0 : i32
      %cond3A_72 = arith.cmpi ne, %convert_element_type3A_70, %cond3A_71 : i32
      scf.if %cond3A_72 {
        %dma_wait3A_191 = arith.constant 0 : i32
        %dma_wait3A_192 = arith.constant 0 : i32
        %dma_wait3A_193 = tpu.memref_slice %arg4[%dma_wait3A_191, %dma_wait3A_192] : memref<151552x128xf32, #tpu.memory_space<hbm>> -> memref<32x128xf32, #tpu.memory_space<hbm>>
        %dma_wait3A_194 = arith.constant 0 : i32
        %dma_wait3A_195 = arith.constant 0 : i32
        %dma_wait3A_196 = tpu.memref_slice %arg4[%dma_wait3A_194, %dma_wait3A_195] : memref<151552x128xf32, #tpu.memory_space<hbm>> -> memref<32x128xf32, #tpu.memory_space<hbm>>
        tpu.wait_dma2 semaphore(%arg18 : memref<!tpu.dma_semaphore, #tpu.memory_space<semaphore_mem>>) src(%arg10 : memref<32x128xf32, #tpu.memory_space<vmem>>) dst(%dma_wait3A_196 : memref<32x128xf32, #tpu.memory_space<hbm>>)
      } else {
      }
      %parallel_loop3A = arith.constant 0 : i32
      %parallel_loop3A_73 = arith.constant 32 : i32
      %parallel_loop3A_74 = arith.constant 1 : i32
      scf.for %parallel_loop3A_191 = %parallel_loop3A to %parallel_loop3A_73 step %parallel_loop3A_74  : i32 {
        %parallel_loop3A_192 = arith.constant 4 : i32
        %parallel_loop3A_193 = arith.muli %parallel_loop3A_192, %parallel_loop3A_191 : i32
        %parallel_loop3A_194 = arith.index_cast %parallel_loop3A_193 : i32 to index
        %parallel_loop3A_195 = arith.constant 0 : index
        %parallel_loop3A_196 = tpu.vector_load %arg6[%parallel_loop3A_194, %parallel_loop3A_195] {strides = array<i32>} : memref<128x128xf32, #tpu.memory_space<vmem>>, vector<1x16xf32>,
        %parallel_loop3A_197 = vector.shape_cast %parallel_loop3A_196 : vector<1x16xf32> to vector<16xf32>
        %parallel_loop3A_198 = arith.constant 1 : i32
        %parallel_loop3A_199 = arith.addi %parallel_loop3A_193, %parallel_loop3A_198 : i32
        %parallel_loop3A_200 = arith.index_cast %parallel_loop3A_199 : i32 to index
        %parallel_loop3A_201 = arith.constant 0 : index
        %parallel_loop3A_202 = tpu.vector_load %arg6[%parallel_loop3A_200, %parallel_loop3A_201] {strides = array<i32>} : memref<128x128xf32, #tpu.memory_space<vmem>>, vector<1x16xf32>,
        %parallel_loop3A_203 = vector.shape_cast %parallel_loop3A_202 : vector<1x16xf32> to vector<16xf32>
        %parallel_loop3A_204 = arith.addf %parallel_loop3A_197, %parallel_loop3A_203 : vector<16xf32>
        %parallel_loop3A_205 = arith.constant 2 : i32
        %parallel_loop3A_206 = arith.addi %parallel_loop3A_193, %parallel_loop3A_205 : i32
        %parallel_loop3A_207 = arith.index_cast %parallel_loop3A_206 : i32 to index
        %parallel_loop3A_208 = arith.constant 0 : index
        %parallel_loop3A_209 = tpu.vector_load %arg6[%parallel_loop3A_207, %parallel_loop3A_208] {strides = array<i32>} : memref<128x128xf32, #tpu.memory_space<vmem>>, vector<1x16xf32>,
        %parallel_loop3A_210 = vector.shape_cast %parallel_loop3A_209 : vector<1x16xf32> to vector<16xf32>
        %parallel_loop3A_211 = arith.addf %parallel_loop3A_204, %parallel_loop3A_210 : vector<16xf32>
        %parallel_loop3A_212 = arith.constant 3 : i32
        %parallel_loop3A_213 = arith.addi %parallel_loop3A_193, %parallel_loop3A_212 : i32
        %parallel_loop3A_214 = arith.index_cast %parallel_loop3A_213 : i32 to index
        %parallel_loop3A_215 = arith.constant 0 : index
        %parallel_loop3A_216 = tpu.vector_load %arg6[%parallel_loop3A_214, %parallel_loop3A_215] {strides = array<i32>} : memref<128x128xf32, #tpu.memory_space<vmem>>, vector<1x16xf32>,
        %parallel_loop3A_217 = vector.shape_cast %parallel_loop3A_216 : vector<1x16xf32> to vector<16xf32>
        %parallel_loop3A_218 = arith.addf %parallel_loop3A_211, %parallel_loop3A_217 : vector<16xf32>
        %parallel_loop3A_219 = arith.index_cast %parallel_loop3A_191 : i32 to index
        %parallel_loop3A_220 = arith.constant 0 : index
        %parallel_loop3A_221 = tpu.vector_load %arg10[%parallel_loop3A_219, %parallel_loop3A_220] {strides = array<i32>} : memref<32x128xf32, #tpu.memory_space<vmem>>, vector<1x16xf32>,
        %parallel_loop3A_222 = vector.shape_cast %parallel_loop3A_221 : vector<1x16xf32> to vector<16xf32>
        %parallel_loop3A_223 = vector.shape_cast %parallel_loop3A_218 : vector<16xf32> to vector<1x16xf32>
        tpu.vector_store %arg10[%parallel_loop3A_219, %parallel_loop3A_220], %parallel_loop3A_223 {strides = array<i32>} : memref<32x128xf32, #tpu.memory_space<vmem>>, vector<1x16xf32>,
        %parallel_loop3A_224 = arith.index_cast %parallel_loop3A_193 : i32 to index
        %parallel_loop3A_225 = arith.constant 16 : index
        %parallel_loop3A_226 = tpu.vector_load %arg6[%parallel_loop3A_224, %parallel_loop3A_225] {strides = array<i32>} : memref<128x128xf32, #tpu.memory_space<vmem>>, vector<1x16xf32>,
        %parallel_loop3A_227 = vector.shape_cast %parallel_loop3A_226 : vector<1x16xf32> to vector<16xf32>
        %parallel_loop3A_228 = arith.constant 1 : i32
        %parallel_loop3A_229 = arith.addi %parallel_loop3A_193, %parallel_loop3A_228 : i32
        %parallel_loop3A_230 = arith.index_cast %parallel_loop3A_229 : i32 to index
        %parallel_loop3A_231 = arith.constant 16 : index
        %parallel_loop3A_232 = tpu.vector_load %arg6[%parallel_loop3A_230, %parallel_loop3A_231] {strides = array<i32>} : memref<128x128xf32, #tpu.memory_space<vmem>>, vector<1x16xf32>,
        %parallel_loop3A_233 = vector.shape_cast %parallel_loop3A_232 : vector<1x16xf32> to vector<16xf32>
        %parallel_loop3A_234 = arith.addf %parallel_loop3A_227, %parallel_loop3A_233 : vector<16xf32>
        %parallel_loop3A_235 = arith.constant 2 : i32
        %parallel_loop3A_236 = arith.addi %parallel_loop3A_193, %parallel_loop3A_235 : i32
        %parallel_loop3A_237 = arith.index_cast %parallel_loop3A_236 : i32 to index
        %parallel_loop3A_238 = arith.constant 16 : index
        %parallel_loop3A_239 = tpu.vector_load %arg6[%parallel_loop3A_237, %parallel_loop3A_238] {strides = array<i32>} : memref<128x128xf32, #tpu.memory_space<vmem>>, vector<1x16xf32>,
        %parallel_loop3A_240 = vector.shape_cast %parallel_loop3A_239 : vector<1x16xf32> to vector<16xf32>
        %parallel_loop3A_241 = arith.addf %parallel_loop3A_234, %parallel_loop3A_240 : vector<16xf32>
        %parallel_loop3A_242 = arith.constant 3 : i32
        %parallel_loop3A_243 = arith.addi %parallel_loop3A_193, %parallel_loop3A_242 : i32
        %parallel_loop3A_244 = arith.index_cast %parallel_loop3A_243 : i32 to index
        %parallel_loop3A_245 = arith.constant 16 : index
        %parallel_loop3A_246 = tpu.vector_load %arg6[%parallel_loop3A_244, %parallel_loop3A_245] {strides = array<i32>} : memref<128x128xf32, #tpu.memory_space<vmem>>, vector<1x16xf32>,
        %parallel_loop3A_247 = vector.shape_cast %parallel_loop3A_246 : vector<1x16xf32> to vector<16xf32>
        %parallel_loop3A_248 = arith.addf %parallel_loop3A_241, %parallel_loop3A_247 : vector<16xf32>
        %parallel_loop3A_249 = arith.index_cast %parallel_loop3A_191 : i32 to index
        %parallel_loop3A_250 = arith.constant 16 : index
        %parallel_loop3A_251 = tpu.vector_load %arg10[%parallel_loop3A_249, %parallel_loop3A_250] {strides = array<i32>} : memref<32x128xf32, #tpu.memory_space<vmem>>, vector<1x16xf32>,
        %parallel_loop3A_252 = vector.shape_cast %parallel_loop3A_251 : vector<1x16xf32> to vector<16xf32>
        %parallel_loop3A_253 = vector.shape_cast %parallel_loop3A_248 : vector<16xf32> to vector<1x16xf32>
        tpu.vector_store %arg10[%parallel_loop3A_249, %parallel_loop3A_250], %parallel_loop3A_253 {strides = array<i32>} : memref<32x128xf32, #tpu.memory_space<vmem>>, vector<1x16xf32>,
        %parallel_loop3A_254 = arith.index_cast %parallel_loop3A_193 : i32 to index
        %parallel_loop3A_255 = arith.constant 32 : index
        %parallel_loop3A_256 = tpu.vector_load %arg6[%parallel_loop3A_254, %parallel_loop3A_255] {strides = array<i32>} : memref<128x128xf32, #tpu.memory_space<vmem>>, vector<1x16xf32>,
        %parallel_loop3A_257 = vector.shape_cast %parallel_loop3A_256 : vector<1x16xf32> to vector<16xf32>
        %parallel_loop3A_258 = arith.constant 1 : i32
        %parallel_loop3A_259 = arith.addi %parallel_loop3A_193, %parallel_loop3A_258 : i32
        %parallel_loop3A_260 = arith.index_cast %parallel_loop3A_259 : i32 to index
        %parallel_loop3A_261 = arith.constant 32 : index
        %parallel_loop3A_262 = tpu.vector_load %arg6[%parallel_loop3A_260, %parallel_loop3A_261] {strides = array<i32>} : memref<128x128xf32, #tpu.memory_space<vmem>>, vector<1x16xf32>,
        %parallel_loop3A_263 = vector.shape_cast %parallel_loop3A_262 : vector<1x16xf32> to vector<16xf32>
        %parallel_loop3A_264 = arith.addf %parallel_loop3A_257, %parallel_loop3A_263 : vector<16xf32>
        %parallel_loop3A_265 = arith.constant 2 : i32
        %parallel_loop3A_266 = arith.addi %parallel_loop3A_193, %parallel_loop3A_265 : i32
        %parallel_loop3A_267 = arith.index_cast %parallel_loop3A_266 : i32 to index
        %parallel_loop3A_268 = arith.constant 32 : index
        %parallel_loop3A_269 = tpu.vector_load %arg6[%parallel_loop3A_267, %parallel_loop3A_268] {strides = array<i32>} : memref<128x128xf32, #tpu.memory_space<vmem>>, vector<1x16xf32>,
        %parallel_loop3A_270 = vector.shape_cast %parallel_loop3A_269 : vector<1x16xf32> to vector<16xf32>
        %parallel_loop3A_271 = arith.addf %parallel_loop3A_264, %parallel_loop3A_270 : vector<16xf32>
        %parallel_loop3A_272 = arith.constant 3 : i32
        %parallel_loop3A_273 = arith.addi %parallel_loop3A_193, %parallel_loop3A_272 : i32
        %parallel_loop3A_274 = arith.index_cast %parallel_loop3A_273 : i32 to index
        %parallel_loop3A_275 = arith.constant 32 : index
        %parallel_loop3A_276 = tpu.vector_load %arg6[%parallel_loop3A_274, %parallel_loop3A_275] {strides = array<i32>} : memref<128x128xf32, #tpu.memory_space<vmem>>, vector<1x16xf32>,
        %parallel_loop3A_277 = vector.shape_cast %parallel_loop3A_276 : vector<1x16xf32> to vector<16xf32>
        %parallel_loop3A_278 = arith.addf %parallel_loop3A_271, %parallel_loop3A_277 : vector<16xf32>
        %parallel_loop3A_279 = arith.index_cast %parallel_loop3A_191 : i32 to index
        %parallel_loop3A_280 = arith.constant 32 : index
        %parallel_loop3A_281 = tpu.vector_load %arg10[%parallel_loop3A_279, %parallel_loop3A_280] {strides = array<i32>} : memref<32x128xf32, #tpu.memory_space<vmem>>, vector<1x16xf32>,
        %parallel_loop3A_282 = vector.shape_cast %parallel_loop3A_281 : vector<1x16xf32> to vector<16xf32>
        %parallel_loop3A_283 = vector.shape_cast %parallel_loop3A_278 : vector<16xf32> to vector<1x16xf32>
        tpu.vector_store %arg10[%parallel_loop3A_279, %parallel_loop3A_280], %parallel_loop3A_283 {strides = array<i32>} : memref<32x128xf32, #tpu.memory_space<vmem>>, vector<1x16xf32>,
        %parallel_loop3A_284 = arith.index_cast %parallel_loop3A_193 : i32 to index
        %parallel_loop3A_285 = arith.constant 48 : index
        %parallel_loop3A_286 = tpu.vector_load %arg6[%parallel_loop3A_284, %parallel_loop3A_285] {strides = array<i32>} : memref<128x128xf32, #tpu.memory_space<vmem>>, vector<1x16xf32>,
        %parallel_loop3A_287 = vector.shape_cast %parallel_loop3A_286 : vector<1x16xf32> to vector<16xf32>
        %parallel_loop3A_288 = arith.constant 1 : i32
        %parallel_loop3A_289 = arith.addi %parallel_loop3A_193, %parallel_loop3A_288 : i32
        %parallel_loop3A_290 = arith.index_cast %parallel_loop3A_289 : i32 to index
        %parallel_loop3A_291 = arith.constant 48 : index
        %parallel_loop3A_292 = tpu.vector_load %arg6[%parallel_loop3A_290, %parallel_loop3A_291] {strides = array<i32>} : memref<128x128xf32, #tpu.memory_space<vmem>>, vector<1x16xf32>,
        %parallel_loop3A_293 = vector.shape_cast %parallel_loop3A_292 : vector<1x16xf32> to vector<16xf32>
        %parallel_loop3A_294 = arith.addf %parallel_loop3A_287, %parallel_loop3A_293 : vector<16xf32>
        %parallel_loop3A_295 = arith.constant 2 : i32
        %parallel_loop3A_296 = arith.addi %parallel_loop3A_193, %parallel_loop3A_295 : i32
        %parallel_loop3A_297 = arith.index_cast %parallel_loop3A_296 : i32 to index
        %parallel_loop3A_298 = arith.constant 48 : index
        %parallel_loop3A_299 = tpu.vector_load %arg6[%parallel_loop3A_297, %parallel_loop3A_298] {strides = array<i32>} : memref<128x128xf32, #tpu.memory_space<vmem>>, vector<1x16xf32>,
        %parallel_loop3A_300 = vector.shape_cast %parallel_loop3A_299 : vector<1x16xf32> to vector<16xf32>
        %parallel_loop3A_301 = arith.addf %parallel_loop3A_294, %parallel_loop3A_300 : vector<16xf32>
        %parallel_loop3A_302 = arith.constant 3 : i32
        %parallel_loop3A_303 = arith.addi %parallel_loop3A_193, %parallel_loop3A_302 : i32
        %parallel_loop3A_304 = arith.index_cast %parallel_loop3A_303 : i32 to index
        %parallel_loop3A_305 = arith.constant 48 : index
        %parallel_loop3A_306 = tpu.vector_load %arg6[%parallel_loop3A_304, %parallel_loop3A_305] {strides = array<i32>} : memref<128x128xf32, #tpu.memory_space<vmem>>, vector<1x16xf32>,
        %parallel_loop3A_307 = vector.shape_cast %parallel_loop3A_306 : vector<1x16xf32> to vector<16xf32>
        %parallel_loop3A_308 = arith.addf %parallel_loop3A_301, %parallel_loop3A_307 : vector<16xf32>
        %parallel_loop3A_309 = arith.index_cast %parallel_loop3A_191 : i32 to index
        %parallel_loop3A_310 = arith.constant 48 : index
        %parallel_loop3A_311 = tpu.vector_load %arg10[%parallel_loop3A_309, %parallel_loop3A_310] {strides = array<i32>} : memref<32x128xf32, #tpu.memory_space<vmem>>, vector<1x16xf32>,
        %parallel_loop3A_312 = vector.shape_cast %parallel_loop3A_311 : vector<1x16xf32> to vector<16xf32>
        %parallel_loop3A_313 = vector.shape_cast %parallel_loop3A_308 : vector<16xf32> to vector<1x16xf32>
        tpu.vector_store %arg10[%parallel_loop3A_309, %parallel_loop3A_310], %parallel_loop3A_313 {strides = array<i32>} : memref<32x128xf32, #tpu.memory_space<vmem>>, vector<1x16xf32>,
        %parallel_loop3A_314 = arith.index_cast %parallel_loop3A_193 : i32 to index
        %parallel_loop3A_315 = arith.constant 64 : index
        %parallel_loop3A_316 = tpu.vector_load %arg6[%parallel_loop3A_314, %parallel_loop3A_315] {strides = array<i32>} : memref<128x128xf32, #tpu.memory_space<vmem>>, vector<1x16xf32>,
        %parallel_loop3A_317 = vector.shape_cast %parallel_loop3A_316 : vector<1x16xf32> to vector<16xf32>
        %parallel_loop3A_318 = arith.constant 1 : i32
        %parallel_loop3A_319 = arith.addi %parallel_loop3A_193, %parallel_loop3A_318 : i32
        %parallel_loop3A_320 = arith.index_cast %parallel_loop3A_319 : i32 to index
        %parallel_loop3A_321 = arith.constant 64 : index
        %parallel_loop3A_322 = tpu.vector_load %arg6[%parallel_loop3A_320, %parallel_loop3A_321] {strides = array<i32>} : memref<128x128xf32, #tpu.memory_space<vmem>>, vector<1x16xf32>,
        %parallel_loop3A_323 = vector.shape_cast %parallel_loop3A_322 : vector<1x16xf32> to vector<16xf32>
        %parallel_loop3A_324 = arith.addf %parallel_loop3A_317, %parallel_loop3A_323 : vector<16xf32>
        %parallel_loop3A_325 = arith.constant 2 : i32
        %parallel_loop3A_326 = arith.addi %parallel_loop3A_193, %parallel_loop3A_325 : i32
        %parallel_loop3A_327 = arith.index_cast %parallel_loop3A_326 : i32 to index
        %parallel_loop3A_328 = arith.constant 64 : index
        %parallel_loop3A_329 = tpu.vector_load %arg6[%parallel_loop3A_327, %parallel_loop3A_328] {strides = array<i32>} : memref<128x128xf32, #tpu.memory_space<vmem>>, vector<1x16xf32>,
        %parallel_loop3A_330 = vector.shape_cast %parallel_loop3A_329 : vector<1x16xf32> to vector<16xf32>
        %parallel_loop3A_331 = arith.addf %parallel_loop3A_324, %parallel_loop3A_330 : vector<16xf32>
        %parallel_loop3A_332 = arith.constant 3 : i32
        %parallel_loop3A_333 = arith.addi %parallel_loop3A_193, %parallel_loop3A_332 : i32
        %parallel_loop3A_334 = arith.index_cast %parallel_loop3A_333 : i32 to index
        %parallel_loop3A_335 = arith.constant 64 : index
        %parallel_loop3A_336 = tpu.vector_load %arg6[%parallel_loop3A_334, %parallel_loop3A_335] {strides = array<i32>} : memref<128x128xf32, #tpu.memory_space<vmem>>, vector<1x16xf32>,
        %parallel_loop3A_337 = vector.shape_cast %parallel_loop3A_336 : vector<1x16xf32> to vector<16xf32>
        %parallel_loop3A_338 = arith.addf %parallel_loop3A_331, %parallel_loop3A_337 : vector<16xf32>
        %parallel_loop3A_339 = arith.index_cast %parallel_loop3A_191 : i32 to index
        %parallel_loop3A_340 = arith.constant 64 : index
        %parallel_loop3A_341 = tpu.vector_load %arg10[%parallel_loop3A_339, %parallel_loop3A_340] {strides = array<i32>} : memref<32x128xf32, #tpu.memory_space<vmem>>, vector<1x16xf32>,
        %parallel_loop3A_342 = vector.shape_cast %parallel_loop3A_341 : vector<1x16xf32> to vector<16xf32>
        %parallel_loop3A_343 = vector.shape_cast %parallel_loop3A_338 : vector<16xf32> to vector<1x16xf32>
        tpu.vector_store %arg10[%parallel_loop3A_339, %parallel_loop3A_340], %parallel_loop3A_343 {strides = array<i32>} : memref<32x128xf32, #tpu.memory_space<vmem>>, vector<1x16xf32>,
        %parallel_loop3A_344 = arith.index_cast %parallel_loop3A_193 : i32 to index
        %parallel_loop3A_345 = arith.constant 80 : index
        %parallel_loop3A_346 = tpu.vector_load %arg6[%parallel_loop3A_344, %parallel_loop3A_345] {strides = array<i32>} : memref<128x128xf32, #tpu.memory_space<vmem>>, vector<1x16xf32>,
        %parallel_loop3A_347 = vector.shape_cast %parallel_loop3A_346 : vector<1x16xf32> to vector<16xf32>
        %parallel_loop3A_348 = arith.constant 1 : i32
        %parallel_loop3A_349 = arith.addi %parallel_loop3A_193, %parallel_loop3A_348 : i32
        %parallel_loop3A_350 = arith.index_cast %parallel_loop3A_349 : i32 to index
        %parallel_loop3A_351 = arith.constant 80 : index
        %parallel_loop3A_352 = tpu.vector_load %arg6[%parallel_loop3A_350, %parallel_loop3A_351] {strides = array<i32>} : memref<128x128xf32, #tpu.memory_space<vmem>>, vector<1x16xf32>,
        %parallel_loop3A_353 = vector.shape_cast %parallel_loop3A_352 : vector<1x16xf32> to vector<16xf32>
        %parallel_loop3A_354 = arith.addf %parallel_loop3A_347, %parallel_loop3A_353 : vector<16xf32>
        %parallel_loop3A_355 = arith.constant 2 : i32
        %parallel_loop3A_356 = arith.addi %parallel_loop3A_193, %parallel_loop3A_355 : i32
        %parallel_loop3A_357 = arith.index_cast %parallel_loop3A_356 : i32 to index
        %parallel_loop3A_358 = arith.constant 80 : index
        %parallel_loop3A_359 = tpu.vector_load %arg6[%parallel_loop3A_357, %parallel_loop3A_358] {strides = array<i32>} : memref<128x128xf32, #tpu.memory_space<vmem>>, vector<1x16xf32>,
        %parallel_loop3A_360 = vector.shape_cast %parallel_loop3A_359 : vector<1x16xf32> to vector<16xf32>
        %parallel_loop3A_361 = arith.addf %parallel_loop3A_354, %parallel_loop3A_360 : vector<16xf32>
        %parallel_loop3A_362 = arith.constant 3 : i32
        %parallel_loop3A_363 = arith.addi %parallel_loop3A_193, %parallel_loop3A_362 : i32
        %parallel_loop3A_364 = arith.index_cast %parallel_loop3A_363 : i32 to index
        %parallel_loop3A_365 = arith.constant 80 : index
        %parallel_loop3A_366 = tpu.vector_load %arg6[%parallel_loop3A_364, %parallel_loop3A_365] {strides = array<i32>} : memref<128x128xf32, #tpu.memory_space<vmem>>, vector<1x16xf32>,
        %parallel_loop3A_367 = vector.shape_cast %parallel_loop3A_366 : vector<1x16xf32> to vector<16xf32>
        %parallel_loop3A_368 = arith.addf %parallel_loop3A_361, %parallel_loop3A_367 : vector<16xf32>
        %parallel_loop3A_369 = arith.index_cast %parallel_loop3A_191 : i32 to index
        %parallel_loop3A_370 = arith.constant 80 : index
        %parallel_loop3A_371 = tpu.vector_load %arg10[%parallel_loop3A_369, %parallel_loop3A_370] {strides = array<i32>} : memref<32x128xf32, #tpu.memory_space<vmem>>, vector<1x16xf32>,
        %parallel_loop3A_372 = vector.shape_cast %parallel_loop3A_371 : vector<1x16xf32> to vector<16xf32>
        %parallel_loop3A_373 = vector.shape_cast %parallel_loop3A_368 : vector<16xf32> to vector<1x16xf32>
        tpu.vector_store %arg10[%parallel_loop3A_369, %parallel_loop3A_370], %parallel_loop3A_373 {strides = array<i32>} : memref<32x128xf32, #tpu.memory_space<vmem>>, vector<1x16xf32>,
        %parallel_loop3A_374 = arith.index_cast %parallel_loop3A_193 : i32 to index
        %parallel_loop3A_375 = arith.constant 96 : index
        %parallel_loop3A_376 = tpu.vector_load %arg6[%parallel_loop3A_374, %parallel_loop3A_375] {strides = array<i32>} : memref<128x128xf32, #tpu.memory_space<vmem>>, vector<1x16xf32>,
        %parallel_loop3A_377 = vector.shape_cast %parallel_loop3A_376 : vector<1x16xf32> to vector<16xf32>
        %parallel_loop3A_378 = arith.constant 1 : i32
        %parallel_loop3A_379 = arith.addi %parallel_loop3A_193, %parallel_loop3A_378 : i32
        %parallel_loop3A_380 = arith.index_cast %parallel_loop3A_379 : i32 to index
        %parallel_loop3A_381 = arith.constant 96 : index
        %parallel_loop3A_382 = tpu.vector_load %arg6[%parallel_loop3A_380, %parallel_loop3A_381] {strides = array<i32>} : memref<128x128xf32, #tpu.memory_space<vmem>>, vector<1x16xf32>,
        %parallel_loop3A_383 = vector.shape_cast %parallel_loop3A_382 : vector<1x16xf32> to vector<16xf32>
        %parallel_loop3A_384 = arith.addf %parallel_loop3A_377, %parallel_loop3A_383 : vector<16xf32>
        %parallel_loop3A_385 = arith.constant 2 : i32
        %parallel_loop3A_386 = arith.addi %parallel_loop3A_193, %parallel_loop3A_385 : i32
        %parallel_loop3A_387 = arith.index_cast %parallel_loop3A_386 : i32 to index
        %parallel_loop3A_388 = arith.constant 96 : index
        %parallel_loop3A_389 = tpu.vector_load %arg6[%parallel_loop3A_387, %parallel_loop3A_388] {strides = array<i32>} : memref<128x128xf32, #tpu.memory_space<vmem>>, vector<1x16xf32>,
        %parallel_loop3A_390 = vector.shape_cast %parallel_loop3A_389 : vector<1x16xf32> to vector<16xf32>
        %parallel_loop3A_391 = arith.addf %parallel_loop3A_384, %parallel_loop3A_390 : vector<16xf32>
        %parallel_loop3A_392 = arith.constant 3 : i32
        %parallel_loop3A_393 = arith.addi %parallel_loop3A_193, %parallel_loop3A_392 : i32
        %parallel_loop3A_394 = arith.index_cast %parallel_loop3A_393 : i32 to index
        %parallel_loop3A_395 = arith.constant 96 : index
        %parallel_loop3A_396 = tpu.vector_load %arg6[%parallel_loop3A_394, %parallel_loop3A_395] {strides = array<i32>} : memref<128x128xf32, #tpu.memory_space<vmem>>, vector<1x16xf32>,
        %parallel_loop3A_397 = vector.shape_cast %parallel_loop3A_396 : vector<1x16xf32> to vector<16xf32>
        %parallel_loop3A_398 = arith.addf %parallel_loop3A_391, %parallel_loop3A_397 : vector<16xf32>
        %parallel_loop3A_399 = arith.index_cast %parallel_loop3A_191 : i32 to index
        %parallel_loop3A_400 = arith.constant 96 : index
        %parallel_loop3A_401 = tpu.vector_load %arg10[%parallel_loop3A_399, %parallel_loop3A_400] {strides = array<i32>} : memref<32x128xf32, #tpu.memory_space<vmem>>, vector<1x16xf32>,
        %parallel_loop3A_402 = vector.shape_cast %parallel_loop3A_401 : vector<1x16xf32> to vector<16xf32>
        %parallel_loop3A_403 = vector.shape_cast %parallel_loop3A_398 : vector<16xf32> to vector<1x16xf32>
        tpu.vector_store %arg10[%parallel_loop3A_399, %parallel_loop3A_400], %parallel_loop3A_403 {strides = array<i32>} : memref<32x128xf32, #tpu.memory_space<vmem>>, vector<1x16xf32>,
        %parallel_loop3A_404 = arith.index_cast %parallel_loop3A_193 : i32 to index
        %parallel_loop3A_405 = arith.constant 112 : index
        %parallel_loop3A_406 = tpu.vector_load %arg6[%parallel_loop3A_404, %parallel_loop3A_405] {strides = array<i32>} : memref<128x128xf32, #tpu.memory_space<vmem>>, vector<1x16xf32>,
        %parallel_loop3A_407 = vector.shape_cast %parallel_loop3A_406 : vector<1x16xf32> to vector<16xf32>
        %parallel_loop3A_408 = arith.constant 1 : i32
        %parallel_loop3A_409 = arith.addi %parallel_loop3A_193, %parallel_loop3A_408 : i32
        %parallel_loop3A_410 = arith.index_cast %parallel_loop3A_409 : i32 to index
        %parallel_loop3A_411 = arith.constant 112 : index
        %parallel_loop3A_412 = tpu.vector_load %arg6[%parallel_loop3A_410, %parallel_loop3A_411] {strides = array<i32>} : memref<128x128xf32, #tpu.memory_space<vmem>>, vector<1x16xf32>,
        %parallel_loop3A_413 = vector.shape_cast %parallel_loop3A_412 : vector<1x16xf32> to vector<16xf32>
        %parallel_loop3A_414 = arith.addf %parallel_loop3A_407, %parallel_loop3A_413 : vector<16xf32>
        %parallel_loop3A_415 = arith.constant 2 : i32
        %parallel_loop3A_416 = arith.addi %parallel_loop3A_193, %parallel_loop3A_415 : i32
        %parallel_loop3A_417 = arith.index_cast %parallel_loop3A_416 : i32 to index
        %parallel_loop3A_418 = arith.constant 112 : index
        %parallel_loop3A_419 = tpu.vector_load %arg6[%parallel_loop3A_417, %parallel_loop3A_418] {strides = array<i32>} : memref<128x128xf32, #tpu.memory_space<vmem>>, vector<1x16xf32>,
        %parallel_loop3A_420 = vector.shape_cast %parallel_loop3A_419 : vector<1x16xf32> to vector<16xf32>
        %parallel_loop3A_421 = arith.addf %parallel_loop3A_414, %parallel_loop3A_420 : vector<16xf32>
        %parallel_loop3A_422 = arith.constant 3 : i32
        %parallel_loop3A_423 = arith.addi %parallel_loop3A_193, %parallel_loop3A_422 : i32
        %parallel_loop3A_424 = arith.index_cast %parallel_loop3A_423 : i32 to index
        %parallel_loop3A_425 = arith.constant 112 : index
        %parallel_loop3A_426 = tpu.vector_load %arg6[%parallel_loop3A_424, %parallel_loop3A_425] {strides = array<i32>} : memref<128x128xf32, #tpu.memory_space<vmem>>, vector<1x16xf32>,
        %parallel_loop3A_427 = vector.shape_cast %parallel_loop3A_426 : vector<1x16xf32> to vector<16xf32>
        %parallel_loop3A_428 = arith.addf %parallel_loop3A_421, %parallel_loop3A_427 : vector<16xf32>
        %parallel_loop3A_429 = arith.index_cast %parallel_loop3A_191 : i32 to index
        %parallel_loop3A_430 = arith.constant 112 : index
        %parallel_loop3A_431 = tpu.vector_load %arg10[%parallel_loop3A_429, %parallel_loop3A_430] {strides = array<i32>} : memref<32x128xf32, #tpu.memory_space<vmem>>, vector<1x16xf32>,
        %parallel_loop3A_432 = vector.shape_cast %parallel_loop3A_431 : vector<1x16xf32> to vector<16xf32>
        %parallel_loop3A_433 = vector.shape_cast %parallel_loop3A_428 : vector<16xf32> to vector<1x16xf32>
        tpu.vector_store %arg10[%parallel_loop3A_429, %parallel_loop3A_430], %parallel_loop3A_433 {strides = array<i32>} : memref<32x128xf32, #tpu.memory_space<vmem>>, vector<1x16xf32>,
      } {sc.loop_unroll_factor = 8 : i64, sc.parallel_access}
      %add3A_75 = arith.addi %mul3A_2, %add3A_55 : i32
      %mul3A_76 = arith.constant 32 : i32
      %mul3A_77 = arith.muli %add3A_75, %mul3A_76 : i32
      %dma_start3A_78 = arith.constant 0 : i32
      %dma_start3A_79 = tpu.memref_slice %arg4[%mul3A_77, %dma_start3A_78] : memref<151552x128xf32, #tpu.memory_space<hbm>> -> memref<32x128xf32, #tpu.memory_space<hbm>>
      %dma_start3A_80 = arith.constant 0 : i32
      %dma_start3A_81 = tpu.memref_slice %arg4[%mul3A_77, %dma_start3A_80] : memref<151552x128xf32, #tpu.memory_space<hbm>> -> memref<32x128xf32, #tpu.memory_space<hbm>>
      tpu.enqueue_dma source(%arg10 : memref<32x128xf32, #tpu.memory_space<vmem>>) target(%dma_start3A_81 : memref<32x128xf32, #tpu.memory_space<hbm>>) target_semaphore(%arg18 : memref<!tpu.dma_semaphore, #tpu.memory_space<semaphore_mem>>)
      %mul3A_82 = arith.constant 4 : i32
      %mul3A_83 = arith.muli %mul3A_82, %scan3A_50 : i32
      %add3A_84 = arith.constant 1 : i32
      %add3A_85 = arith.addi %mul3A_83, %add3A_84 : i32
      %add3A_86 = arith.constant 4 : i32
      %add3A_87 = arith.addi %add3A_85, %add3A_86 : i32
      %sub3A_88 = arith.constant 1 : i32
      %sub3A_89 = arith.subi %add3A_87, %sub3A_88 : i32
      %lt3A_90 = arith.constant 148 : i32
      %lt3A_91 = arith.cmpi slt, %sub3A_89, %lt3A_90 : i32
      %convert_element_type3A_92 = arith.extui %lt3A_91 : i1 to i32
      %cond3A_93 = arith.constant 0 : i32
      %cond3A_94 = arith.cmpi ne, %convert_element_type3A_92, %cond3A_93 : i32
      scf.if %cond3A_94 {
        %add3A_191 = arith.constant 4 : i32
        %add3A_192 = arith.addi %add3A_85, %add3A_191 : i32
        %sub3A_193 = arith.constant 1 : i32
        %sub3A_194 = arith.subi %add3A_192, %sub3A_193 : i32
        %mul3A_195 = arith.constant 4 : i32
        %mul3A_196 = arith.muli %sub3A_194, %mul3A_195 : i32
        %mul3A_197 = arith.constant 32 : i32
        %mul3A_198 = arith.muli %mul3A_196, %mul3A_197 : i32
        %dma_start3A_199 = tpu.memref_slice %arg5[%mul3A_198] : memref<18944xi32, #tpu.memory_space<vmem>> -> memref<128xi32, #tpu.memory_space<vmem>>
        %dma_start3A_200 = arith.constant 0 : i32
        %dma_start3A_201 = arith.constant 0 : i32
        %dma_start3A_202 = tpu.memref_slice %arg2[%dma_start3A_200, %dma_start3A_201] : memref<50000x128xf32, #tpu.memory_space<hbm>> -> memref<50000x128xf32, #tpu.memory_space<hbm>>
        tpu.enqueue_indirect_dma source(%dma_start3A_202 : memref<50000x128xf32, #tpu.memory_space<hbm>>) target(%arg6 : memref<128x128xf32, #tpu.memory_space<vmem>>) offsets(%dma_start3A_199 : memref<128xi32, #tpu.memory_space<vmem>>) semaphore(%arg14 : memref<!tpu.dma_semaphore, #tpu.memory_space<semaphore_mem>>)
      } else {
      }
      %mul3A_95 = arith.constant 4 : i32
      %mul3A_96 = arith.muli %add3A_85, %mul3A_95 : i32
      %mul3A_97 = arith.constant 32 : i32
      %mul3A_98 = arith.muli %mul3A_96, %mul3A_97 : i32
      %dma_wait3A_99 = tpu.memref_slice %arg5[%mul3A_98] : memref<18944xi32, #tpu.memory_space<vmem>> -> memref<128xi32, #tpu.memory_space<vmem>>
      %dma_wait3A_100 = arith.constant 0 : i32
      %dma_wait3A_101 = arith.constant 0 : i32
      %dma_wait3A_102 = tpu.memref_slice %arg2[%dma_wait3A_100, %dma_wait3A_101] : memref<50000x128xf32, #tpu.memory_space<hbm>> -> memref<50000x128xf32, #tpu.memory_space<hbm>>
      tpu.wait_indirect_dma semaphore(%arg15 : memref<!tpu.dma_semaphore, #tpu.memory_space<semaphore_mem>>) src(%dma_wait3A_102 : memref<50000x128xf32, #tpu.memory_space<hbm>>) dst(%arg7 : memref<128x128xf32, #tpu.memory_space<vmem>>)
      %ge3A_103 = arith.constant 4 : i32
      %ge3A_104 = arith.cmpi sge, %add3A_85, %ge3A_103 : i32
      %convert_element_type3A_105 = arith.extui %ge3A_104 : i1 to i32
      %cond3A_106 = arith.constant 0 : i32
      %cond3A_107 = arith.cmpi ne, %convert_element_type3A_105, %cond3A_106 : i32
      scf.if %cond3A_107 {
        %dma_wait3A_191 = arith.constant 0 : i32
        %dma_wait3A_192 = arith.constant 0 : i32
        %dma_wait3A_193 = tpu.memref_slice %arg4[%dma_wait3A_191, %dma_wait3A_192] : memref<151552x128xf32, #tpu.memory_space<hbm>> -> memref<32x128xf32, #tpu.memory_space<hbm>>
        %dma_wait3A_194 = arith.constant 0 : i32
        %dma_wait3A_195 = arith.constant 0 : i32
        %dma_wait3A_196 = tpu.memref_slice %arg4[%dma_wait3A_194, %dma_wait3A_195] : memref<151552x128xf32, #tpu.memory_space<hbm>> -> memref<32x128xf32, #tpu.memory_space<hbm>>
        tpu.wait_dma2 semaphore(%arg19 : memref<!tpu.dma_semaphore, #tpu.memory_space<semaphore_mem>>) src(%arg11 : memref<32x128xf32, #tpu.memory_space<vmem>>) dst(%dma_wait3A_196 : memref<32x128xf32, #tpu.memory_space<hbm>>)
      } else {
      }
      %parallel_loop3A_108 = arith.constant 0 : i32
      %parallel_loop3A_109 = arith.constant 32 : i32
      %parallel_loop3A_110 = arith.constant 1 : i32
      scf.for %parallel_loop3A_191 = %parallel_loop3A_108 to %parallel_loop3A_109 step %parallel_loop3A_110  : i32 {
        %parallel_loop3A_192 = arith.constant 4 : i32
        %parallel_loop3A_193 = arith.muli %parallel_loop3A_192, %parallel_loop3A_191 : i32
        %parallel_loop3A_194 = arith.index_cast %parallel_loop3A_193 : i32 to index
        %parallel_loop3A_195 = arith.constant 0 : index
        %parallel_loop3A_196 = tpu.vector_load %arg7[%parallel_loop3A_194, %parallel_loop3A_195] {strides = array<i32>} : memref<128x128xf32, #tpu.memory_space<vmem>>, vector<1x16xf32>,
        %parallel_loop3A_197 = vector.shape_cast %parallel_loop3A_196 : vector<1x16xf32> to vector<16xf32>
        %parallel_loop3A_198 = arith.constant 1 : i32
        %parallel_loop3A_199 = arith.addi %parallel_loop3A_193, %parallel_loop3A_198 : i32
        %parallel_loop3A_200 = arith.index_cast %parallel_loop3A_199 : i32 to index
        %parallel_loop3A_201 = arith.constant 0 : index
        %parallel_loop3A_202 = tpu.vector_load %arg7[%parallel_loop3A_200, %parallel_loop3A_201] {strides = array<i32>} : memref<128x128xf32, #tpu.memory_space<vmem>>, vector<1x16xf32>,
        %parallel_loop3A_203 = vector.shape_cast %parallel_loop3A_202 : vector<1x16xf32> to vector<16xf32>
        %parallel_loop3A_204 = arith.addf %parallel_loop3A_197, %parallel_loop3A_203 : vector<16xf32>
        %parallel_loop3A_205 = arith.constant 2 : i32
        %parallel_loop3A_206 = arith.addi %parallel_loop3A_193, %parallel_loop3A_205 : i32
        %parallel_loop3A_207 = arith.index_cast %parallel_loop3A_206 : i32 to index
        %parallel_loop3A_208 = arith.constant 0 : index
        %parallel_loop3A_209 = tpu.vector_load %arg7[%parallel_loop3A_207, %parallel_loop3A_208] {strides = array<i32>} : memref<128x128xf32, #tpu.memory_space<vmem>>, vector<1x16xf32>,
        %parallel_loop3A_210 = vector.shape_cast %parallel_loop3A_209 : vector<1x16xf32> to vector<16xf32>
        %parallel_loop3A_211 = arith.addf %parallel_loop3A_204, %parallel_loop3A_210 : vector<16xf32>
        %parallel_loop3A_212 = arith.constant 3 : i32
        %parallel_loop3A_213 = arith.addi %parallel_loop3A_193, %parallel_loop3A_212 : i32
        %parallel_loop3A_214 = arith.index_cast %parallel_loop3A_213 : i32 to index
        %parallel_loop3A_215 = arith.constant 0 : index
        %parallel_loop3A_216 = tpu.vector_load %arg7[%parallel_loop3A_214, %parallel_loop3A_215] {strides = array<i32>} : memref<128x128xf32, #tpu.memory_space<vmem>>, vector<1x16xf32>,
        %parallel_loop3A_217 = vector.shape_cast %parallel_loop3A_216 : vector<1x16xf32> to vector<16xf32>
        %parallel_loop3A_218 = arith.addf %parallel_loop3A_211, %parallel_loop3A_217 : vector<16xf32>
        %parallel_loop3A_219 = arith.index_cast %parallel_loop3A_191 : i32 to index
        %parallel_loop3A_220 = arith.constant 0 : index
        %parallel_loop3A_221 = tpu.vector_load %arg11[%parallel_loop3A_219, %parallel_loop3A_220] {strides = array<i32>} : memref<32x128xf32, #tpu.memory_space<vmem>>, vector<1x16xf32>,
        %parallel_loop3A_222 = vector.shape_cast %parallel_loop3A_221 : vector<1x16xf32> to vector<16xf32>
        %parallel_loop3A_223 = vector.shape_cast %parallel_loop3A_218 : vector<16xf32> to vector<1x16xf32>
        tpu.vector_store %arg11[%parallel_loop3A_219, %parallel_loop3A_220], %parallel_loop3A_223 {strides = array<i32>} : memref<32x128xf32, #tpu.memory_space<vmem>>, vector<1x16xf32>,
        %parallel_loop3A_224 = arith.index_cast %parallel_loop3A_193 : i32 to index
        %parallel_loop3A_225 = arith.constant 16 : index
        %parallel_loop3A_226 = tpu.vector_load %arg7[%parallel_loop3A_224, %parallel_loop3A_225] {strides = array<i32>} : memref<128x128xf32, #tpu.memory_space<vmem>>, vector<1x16xf32>,
        %parallel_loop3A_227 = vector.shape_cast %parallel_loop3A_226 : vector<1x16xf32> to vector<16xf32>
        %parallel_loop3A_228 = arith.constant 1 : i32
        %parallel_loop3A_229 = arith.addi %parallel_loop3A_193, %parallel_loop3A_228 : i32
        %parallel_loop3A_230 = arith.index_cast %parallel_loop3A_229 : i32 to index
        %parallel_loop3A_231 = arith.constant 16 : index
        %parallel_loop3A_232 = tpu.vector_load %arg7[%parallel_loop3A_230, %parallel_loop3A_231] {strides = array<i32>} : memref<128x128xf32, #tpu.memory_space<vmem>>, vector<1x16xf32>,
        %parallel_loop3A_233 = vector.shape_cast %parallel_loop3A_232 : vector<1x16xf32> to vector<16xf32>
        %parallel_loop3A_234 = arith.addf %parallel_loop3A_227, %parallel_loop3A_233 : vector<16xf32>
        %parallel_loop3A_235 = arith.constant 2 : i32
        %parallel_loop3A_236 = arith.addi %parallel_loop3A_193, %parallel_loop3A_235 : i32
        %parallel_loop3A_237 = arith.index_cast %parallel_loop3A_236 : i32 to index
        %parallel_loop3A_238 = arith.constant 16 : index
        %parallel_loop3A_239 = tpu.vector_load %arg7[%parallel_loop3A_237, %parallel_loop3A_238] {strides = array<i32>} : memref<128x128xf32, #tpu.memory_space<vmem>>, vector<1x16xf32>,
        %parallel_loop3A_240 = vector.shape_cast %parallel_loop3A_239 : vector<1x16xf32> to vector<16xf32>
        %parallel_loop3A_241 = arith.addf %parallel_loop3A_234, %parallel_loop3A_240 : vector<16xf32>
        %parallel_loop3A_242 = arith.constant 3 : i32
        %parallel_loop3A_243 = arith.addi %parallel_loop3A_193, %parallel_loop3A_242 : i32
        %parallel_loop3A_244 = arith.index_cast %parallel_loop3A_243 : i32 to index
        %parallel_loop3A_245 = arith.constant 16 : index
        %parallel_loop3A_246 = tpu.vector_load %arg7[%parallel_loop3A_244, %parallel_loop3A_245] {strides = array<i32>} : memref<128x128xf32, #tpu.memory_space<vmem>>, vector<1x16xf32>,
        %parallel_loop3A_247 = vector.shape_cast %parallel_loop3A_246 : vector<1x16xf32> to vector<16xf32>
        %parallel_loop3A_248 = arith.addf %parallel_loop3A_241, %parallel_loop3A_247 : vector<16xf32>
        %parallel_loop3A_249 = arith.index_cast %parallel_loop3A_191 : i32 to index
        %parallel_loop3A_250 = arith.constant 16 : index
        %parallel_loop3A_251 = tpu.vector_load %arg11[%parallel_loop3A_249, %parallel_loop3A_250] {strides = array<i32>} : memref<32x128xf32, #tpu.memory_space<vmem>>, vector<1x16xf32>,
        %parallel_loop3A_252 = vector.shape_cast %parallel_loop3A_251 : vector<1x16xf32> to vector<16xf32>
        %parallel_loop3A_253 = vector.shape_cast %parallel_loop3A_248 : vector<16xf32> to vector<1x16xf32>
        tpu.vector_store %arg11[%parallel_loop3A_249, %parallel_loop3A_250], %parallel_loop3A_253 {strides = array<i32>} : memref<32x128xf32, #tpu.memory_space<vmem>>, vector<1x16xf32>,
        %parallel_loop3A_254 = arith.index_cast %parallel_loop3A_193 : i32 to index
        %parallel_loop3A_255 = arith.constant 32 : index
        %parallel_loop3A_256 = tpu.vector_load %arg7[%parallel_loop3A_254, %parallel_loop3A_255] {strides = array<i32>} : memref<128x128xf32, #tpu.memory_space<vmem>>, vector<1x16xf32>,
        %parallel_loop3A_257 = vector.shape_cast %parallel_loop3A_256 : vector<1x16xf32> to vector<16xf32>
        %parallel_loop3A_258 = arith.constant 1 : i32
        %parallel_loop3A_259 = arith.addi %parallel_loop3A_193, %parallel_loop3A_258 : i32
        %parallel_loop3A_260 = arith.index_cast %parallel_loop3A_259 : i32 to index
        %parallel_loop3A_261 = arith.constant 32 : index
        %parallel_loop3A_262 = tpu.vector_load %arg7[%parallel_loop3A_260, %parallel_loop3A_261] {strides = array<i32>} : memref<128x128xf32, #tpu.memory_space<vmem>>, vector<1x16xf32>,
        %parallel_loop3A_263 = vector.shape_cast %parallel_loop3A_262 : vector<1x16xf32> to vector<16xf32>
        %parallel_loop3A_264 = arith.addf %parallel_loop3A_257, %parallel_loop3A_263 : vector<16xf32>
        %parallel_loop3A_265 = arith.constant 2 : i32
        %parallel_loop3A_266 = arith.addi %parallel_loop3A_193, %parallel_loop3A_265 : i32
        %parallel_loop3A_267 = arith.index_cast %parallel_loop3A_266 : i32 to index
        %parallel_loop3A_268 = arith.constant 32 : index
        %parallel_loop3A_269 = tpu.vector_load %arg7[%parallel_loop3A_267, %parallel_loop3A_268] {strides = array<i32>} : memref<128x128xf32, #tpu.memory_space<vmem>>, vector<1x16xf32>,
        %parallel_loop3A_270 = vector.shape_cast %parallel_loop3A_269 : vector<1x16xf32> to vector<16xf32>
        %parallel_loop3A_271 = arith.addf %parallel_loop3A_264, %parallel_loop3A_270 : vector<16xf32>
        %parallel_loop3A_272 = arith.constant 3 : i32
        %parallel_loop3A_273 = arith.addi %parallel_loop3A_193, %parallel_loop3A_272 : i32
        %parallel_loop3A_274 = arith.index_cast %parallel_loop3A_273 : i32 to index
        %parallel_loop3A_275 = arith.constant 32 : index
        %parallel_loop3A_276 = tpu.vector_load %arg7[%parallel_loop3A_274, %parallel_loop3A_275] {strides = array<i32>} : memref<128x128xf32, #tpu.memory_space<vmem>>, vector<1x16xf32>,
        %parallel_loop3A_277 = vector.shape_cast %parallel_loop3A_276 : vector<1x16xf32> to vector<16xf32>
        %parallel_loop3A_278 = arith.addf %parallel_loop3A_271, %parallel_loop3A_277 : vector<16xf32>
        %parallel_loop3A_279 = arith.index_cast %parallel_loop3A_191 : i32 to index
        %parallel_loop3A_280 = arith.constant 32 : index
        %parallel_loop3A_281 = tpu.vector_load %arg11[%parallel_loop3A_279, %parallel_loop3A_280] {strides = array<i32>} : memref<32x128xf32, #tpu.memory_space<vmem>>, vector<1x16xf32>,
        %parallel_loop3A_282 = vector.shape_cast %parallel_loop3A_281 : vector<1x16xf32> to vector<16xf32>
        %parallel_loop3A_283 = vector.shape_cast %parallel_loop3A_278 : vector<16xf32> to vector<1x16xf32>
        tpu.vector_store %arg11[%parallel_loop3A_279, %parallel_loop3A_280], %parallel_loop3A_283 {strides = array<i32>} : memref<32x128xf32, #tpu.memory_space<vmem>>, vector<1x16xf32>,
        %parallel_loop3A_284 = arith.index_cast %parallel_loop3A_193 : i32 to index
        %parallel_loop3A_285 = arith.constant 48 : index
        %parallel_loop3A_286 = tpu.vector_load %arg7[%parallel_loop3A_284, %parallel_loop3A_285] {strides = array<i32>} : memref<128x128xf32, #tpu.memory_space<vmem>>, vector<1x16xf32>,
        %parallel_loop3A_287 = vector.shape_cast %parallel_loop3A_286 : vector<1x16xf32> to vector<16xf32>
        %parallel_loop3A_288 = arith.constant 1 : i32
        %parallel_loop3A_289 = arith.addi %parallel_loop3A_193, %parallel_loop3A_288 : i32
        %parallel_loop3A_290 = arith.index_cast %parallel_loop3A_289 : i32 to index
        %parallel_loop3A_291 = arith.constant 48 : index
        %parallel_loop3A_292 = tpu.vector_load %arg7[%parallel_loop3A_290, %parallel_loop3A_291] {strides = array<i32>} : memref<128x128xf32, #tpu.memory_space<vmem>>, vector<1x16xf32>,
        %parallel_loop3A_293 = vector.shape_cast %parallel_loop3A_292 : vector<1x16xf32> to vector<16xf32>
        %parallel_loop3A_294 = arith.addf %parallel_loop3A_287, %parallel_loop3A_293 : vector<16xf32>
        %parallel_loop3A_295 = arith.constant 2 : i32
        %parallel_loop3A_296 = arith.addi %parallel_loop3A_193, %parallel_loop3A_295 : i32
        %parallel_loop3A_297 = arith.index_cast %parallel_loop3A_296 : i32 to index
        %parallel_loop3A_298 = arith.constant 48 : index
        %parallel_loop3A_299 = tpu.vector_load %arg7[%parallel_loop3A_297, %parallel_loop3A_298] {strides = array<i32>} : memref<128x128xf32, #tpu.memory_space<vmem>>, vector<1x16xf32>,
        %parallel_loop3A_300 = vector.shape_cast %parallel_loop3A_299 : vector<1x16xf32> to vector<16xf32>
        %parallel_loop3A_301 = arith.addf %parallel_loop3A_294, %parallel_loop3A_300 : vector<16xf32>
        %parallel_loop3A_302 = arith.constant 3 : i32
        %parallel_loop3A_303 = arith.addi %parallel_loop3A_193, %parallel_loop3A_302 : i32
        %parallel_loop3A_304 = arith.index_cast %parallel_loop3A_303 : i32 to index
        %parallel_loop3A_305 = arith.constant 48 : index
        %parallel_loop3A_306 = tpu.vector_load %arg7[%parallel_loop3A_304, %parallel_loop3A_305] {strides = array<i32>} : memref<128x128xf32, #tpu.memory_space<vmem>>, vector<1x16xf32>,
        %parallel_loop3A_307 = vector.shape_cast %parallel_loop3A_306 : vector<1x16xf32> to vector<16xf32>
        %parallel_loop3A_308 = arith.addf %parallel_loop3A_301, %parallel_loop3A_307 : vector<16xf32>
        %parallel_loop3A_309 = arith.index_cast %parallel_loop3A_191 : i32 to index
        %parallel_loop3A_310 = arith.constant 48 : index
        %parallel_loop3A_311 = tpu.vector_load %arg11[%parallel_loop3A_309, %parallel_loop3A_310] {strides = array<i32>} : memref<32x128xf32, #tpu.memory_space<vmem>>, vector<1x16xf32>,
        %parallel_loop3A_312 = vector.shape_cast %parallel_loop3A_311 : vector<1x16xf32> to vector<16xf32>
        %parallel_loop3A_313 = vector.shape_cast %parallel_loop3A_308 : vector<16xf32> to vector<1x16xf32>
        tpu.vector_store %arg11[%parallel_loop3A_309, %parallel_loop3A_310], %parallel_loop3A_313 {strides = array<i32>} : memref<32x128xf32, #tpu.memory_space<vmem>>, vector<1x16xf32>,
        %parallel_loop3A_314 = arith.index_cast %parallel_loop3A_193 : i32 to index
        %parallel_loop3A_315 = arith.constant 64 : index
        %parallel_loop3A_316 = tpu.vector_load %arg7[%parallel_loop3A_314, %parallel_loop3A_315] {strides = array<i32>} : memref<128x128xf32, #tpu.memory_space<vmem>>, vector<1x16xf32>,
        %parallel_loop3A_317 = vector.shape_cast %parallel_loop3A_316 : vector<1x16xf32> to vector<16xf32>
        %parallel_loop3A_318 = arith.constant 1 : i32
        %parallel_loop3A_319 = arith.addi %parallel_loop3A_193, %parallel_loop3A_318 : i32
        %parallel_loop3A_320 = arith.index_cast %parallel_loop3A_319 : i32 to index
        %parallel_loop3A_321 = arith.constant 64 : index
        %parallel_loop3A_322 = tpu.vector_load %arg7[%parallel_loop3A_320, %parallel_loop3A_321] {strides = array<i32>} : memref<128x128xf32, #tpu.memory_space<vmem>>, vector<1x16xf32>,
        %parallel_loop3A_323 = vector.shape_cast %parallel_loop3A_322 : vector<1x16xf32> to vector<16xf32>
        %parallel_loop3A_324 = arith.addf %parallel_loop3A_317, %parallel_loop3A_323 : vector<16xf32>
        %parallel_loop3A_325 = arith.constant 2 : i32
        %parallel_loop3A_326 = arith.addi %parallel_loop3A_193, %parallel_loop3A_325 : i32
        %parallel_loop3A_327 = arith.index_cast %parallel_loop3A_326 : i32 to index
        %parallel_loop3A_328 = arith.constant 64 : index
        %parallel_loop3A_329 = tpu.vector_load %arg7[%parallel_loop3A_327, %parallel_loop3A_328] {strides = array<i32>} : memref<128x128xf32, #tpu.memory_space<vmem>>, vector<1x16xf32>,
        %parallel_loop3A_330 = vector.shape_cast %parallel_loop3A_329 : vector<1x16xf32> to vector<16xf32>
        %parallel_loop3A_331 = arith.addf %parallel_loop3A_324, %parallel_loop3A_330 : vector<16xf32>
        %parallel_loop3A_332 = arith.constant 3 : i32
        %parallel_loop3A_333 = arith.addi %parallel_loop3A_193, %parallel_loop3A_332 : i32
        %parallel_loop3A_334 = arith.index_cast %parallel_loop3A_333 : i32 to index
        %parallel_loop3A_335 = arith.constant 64 : index
        %parallel_loop3A_336 = tpu.vector_load %arg7[%parallel_loop3A_334, %parallel_loop3A_335] {strides = array<i32>} : memref<128x128xf32, #tpu.memory_space<vmem>>, vector<1x16xf32>,
        %parallel_loop3A_337 = vector.shape_cast %parallel_loop3A_336 : vector<1x16xf32> to vector<16xf32>
        %parallel_loop3A_338 = arith.addf %parallel_loop3A_331, %parallel_loop3A_337 : vector<16xf32>
        %parallel_loop3A_339 = arith.index_cast %parallel_loop3A_191 : i32 to index
        %parallel_loop3A_340 = arith.constant 64 : index
        %parallel_loop3A_341 = tpu.vector_load %arg11[%parallel_loop3A_339, %parallel_loop3A_340] {strides = array<i32>} : memref<32x128xf32, #tpu.memory_space<vmem>>, vector<1x16xf32>,
        %parallel_loop3A_342 = vector.shape_cast %parallel_loop3A_341 : vector<1x16xf32> to vector<16xf32>
        %parallel_loop3A_343 = vector.shape_cast %parallel_loop3A_338 : vector<16xf32> to vector<1x16xf32>
        tpu.vector_store %arg11[%parallel_loop3A_339, %parallel_loop3A_340], %parallel_loop3A_343 {strides = array<i32>} : memref<32x128xf32, #tpu.memory_space<vmem>>, vector<1x16xf32>,
        %parallel_loop3A_344 = arith.index_cast %parallel_loop3A_193 : i32 to index
        %parallel_loop3A_345 = arith.constant 80 : index
        %parallel_loop3A_346 = tpu.vector_load %arg7[%parallel_loop3A_344, %parallel_loop3A_345] {strides = array<i32>} : memref<128x128xf32, #tpu.memory_space<vmem>>, vector<1x16xf32>,
        %parallel_loop3A_347 = vector.shape_cast %parallel_loop3A_346 : vector<1x16xf32> to vector<16xf32>
        %parallel_loop3A_348 = arith.constant 1 : i32
        %parallel_loop3A_349 = arith.addi %parallel_loop3A_193, %parallel_loop3A_348 : i32
        %parallel_loop3A_350 = arith.index_cast %parallel_loop3A_349 : i32 to index
        %parallel_loop3A_351 = arith.constant 80 : index
        %parallel_loop3A_352 = tpu.vector_load %arg7[%parallel_loop3A_350, %parallel_loop3A_351] {strides = array<i32>} : memref<128x128xf32, #tpu.memory_space<vmem>>, vector<1x16xf32>,
        %parallel_loop3A_353 = vector.shape_cast %parallel_loop3A_352 : vector<1x16xf32> to vector<16xf32>
        %parallel_loop3A_354 = arith.addf %parallel_loop3A_347, %parallel_loop3A_353 : vector<16xf32>
        %parallel_loop3A_355 = arith.constant 2 : i32
        %parallel_loop3A_356 = arith.addi %parallel_loop3A_193, %parallel_loop3A_355 : i32
        %parallel_loop3A_357 = arith.index_cast %parallel_loop3A_356 : i32 to index
        %parallel_loop3A_358 = arith.constant 80 : index
        %parallel_loop3A_359 = tpu.vector_load %arg7[%parallel_loop3A_357, %parallel_loop3A_358] {strides = array<i32>} : memref<128x128xf32, #tpu.memory_space<vmem>>, vector<1x16xf32>,
        %parallel_loop3A_360 = vector.shape_cast %parallel_loop3A_359 : vector<1x16xf32> to vector<16xf32>
        %parallel_loop3A_361 = arith.addf %parallel_loop3A_354, %parallel_loop3A_360 : vector<16xf32>
        %parallel_loop3A_362 = arith.constant 3 : i32
        %parallel_loop3A_363 = arith.addi %parallel_loop3A_193, %parallel_loop3A_362 : i32
        %parallel_loop3A_364 = arith.index_cast %parallel_loop3A_363 : i32 to index
        %parallel_loop3A_365 = arith.constant 80 : index
        %parallel_loop3A_366 = tpu.vector_load %arg7[%parallel_loop3A_364, %parallel_loop3A_365] {strides = array<i32>} : memref<128x128xf32, #tpu.memory_space<vmem>>, vector<1x16xf32>,
        %parallel_loop3A_367 = vector.shape_cast %parallel_loop3A_366 : vector<1x16xf32> to vector<16xf32>
        %parallel_loop3A_368 = arith.addf %parallel_loop3A_361, %parallel_loop3A_367 : vector<16xf32>
        %parallel_loop3A_369 = arith.index_cast %parallel_loop3A_191 : i32 to index
        %parallel_loop3A_370 = arith.constant 80 : index
        %parallel_loop3A_371 = tpu.vector_load %arg11[%parallel_loop3A_369, %parallel_loop3A_370] {strides = array<i32>} : memref<32x128xf32, #tpu.memory_space<vmem>>, vector<1x16xf32>,
        %parallel_loop3A_372 = vector.shape_cast %parallel_loop3A_371 : vector<1x16xf32> to vector<16xf32>
        %parallel_loop3A_373 = vector.shape_cast %parallel_loop3A_368 : vector<16xf32> to vector<1x16xf32>
        tpu.vector_store %arg11[%parallel_loop3A_369, %parallel_loop3A_370], %parallel_loop3A_373 {strides = array<i32>} : memref<32x128xf32, #tpu.memory_space<vmem>>, vector<1x16xf32>,
        %parallel_loop3A_374 = arith.index_cast %parallel_loop3A_193 : i32 to index
        %parallel_loop3A_375 = arith.constant 96 : index
        %parallel_loop3A_376 = tpu.vector_load %arg7[%parallel_loop3A_374, %parallel_loop3A_375] {strides = array<i32>} : memref<128x128xf32, #tpu.memory_space<vmem>>, vector<1x16xf32>,
        %parallel_loop3A_377 = vector.shape_cast %parallel_loop3A_376 : vector<1x16xf32> to vector<16xf32>
        %parallel_loop3A_378 = arith.constant 1 : i32
        %parallel_loop3A_379 = arith.addi %parallel_loop3A_193, %parallel_loop3A_378 : i32
        %parallel_loop3A_380 = arith.index_cast %parallel_loop3A_379 : i32 to index
        %parallel_loop3A_381 = arith.constant 96 : index
        %parallel_loop3A_382 = tpu.vector_load %arg7[%parallel_loop3A_380, %parallel_loop3A_381] {strides = array<i32>} : memref<128x128xf32, #tpu.memory_space<vmem>>, vector<1x16xf32>,
        %parallel_loop3A_383 = vector.shape_cast %parallel_loop3A_382 : vector<1x16xf32> to vector<16xf32>
        %parallel_loop3A_384 = arith.addf %parallel_loop3A_377, %parallel_loop3A_383 : vector<16xf32>
        %parallel_loop3A_385 = arith.constant 2 : i32
        %parallel_loop3A_386 = arith.addi %parallel_loop3A_193, %parallel_loop3A_385 : i32
        %parallel_loop3A_387 = arith.index_cast %parallel_loop3A_386 : i32 to index
        %parallel_loop3A_388 = arith.constant 96 : index
        %parallel_loop3A_389 = tpu.vector_load %arg7[%parallel_loop3A_387, %parallel_loop3A_388] {strides = array<i32>} : memref<128x128xf32, #tpu.memory_space<vmem>>, vector<1x16xf32>,
        %parallel_loop3A_390 = vector.shape_cast %parallel_loop3A_389 : vector<1x16xf32> to vector<16xf32>
        %parallel_loop3A_391 = arith.addf %parallel_loop3A_384, %parallel_loop3A_390 : vector<16xf32>
        %parallel_loop3A_392 = arith.constant 3 : i32
        %parallel_loop3A_393 = arith.addi %parallel_loop3A_193, %parallel_loop3A_392 : i32
        %parallel_loop3A_394 = arith.index_cast %parallel_loop3A_393 : i32 to index
        %parallel_loop3A_395 = arith.constant 96 : index
        %parallel_loop3A_396 = tpu.vector_load %arg7[%parallel_loop3A_394, %parallel_loop3A_395] {strides = array<i32>} : memref<128x128xf32, #tpu.memory_space<vmem>>, vector<1x16xf32>,
        %parallel_loop3A_397 = vector.shape_cast %parallel_loop3A_396 : vector<1x16xf32> to vector<16xf32>
        %parallel_loop3A_398 = arith.addf %parallel_loop3A_391, %parallel_loop3A_397 : vector<16xf32>
        %parallel_loop3A_399 = arith.index_cast %parallel_loop3A_191 : i32 to index
        %parallel_loop3A_400 = arith.constant 96 : index
        %parallel_loop3A_401 = tpu.vector_load %arg11[%parallel_loop3A_399, %parallel_loop3A_400] {strides = array<i32>} : memref<32x128xf32, #tpu.memory_space<vmem>>, vector<1x16xf32>,
        %parallel_loop3A_402 = vector.shape_cast %parallel_loop3A_401 : vector<1x16xf32> to vector<16xf32>
        %parallel_loop3A_403 = vector.shape_cast %parallel_loop3A_398 : vector<16xf32> to vector<1x16xf32>
        tpu.vector_store %arg11[%parallel_loop3A_399, %parallel_loop3A_400], %parallel_loop3A_403 {strides = array<i32>} : memref<32x128xf32, #tpu.memory_space<vmem>>, vector<1x16xf32>,
        %parallel_loop3A_404 = arith.index_cast %parallel_loop3A_193 : i32 to index
        %parallel_loop3A_405 = arith.constant 112 : index
        %parallel_loop3A_406 = tpu.vector_load %arg7[%parallel_loop3A_404, %parallel_loop3A_405] {strides = array<i32>} : memref<128x128xf32, #tpu.memory_space<vmem>>, vector<1x16xf32>,
        %parallel_loop3A_407 = vector.shape_cast %parallel_loop3A_406 : vector<1x16xf32> to vector<16xf32>
        %parallel_loop3A_408 = arith.constant 1 : i32
        %parallel_loop3A_409 = arith.addi %parallel_loop3A_193, %parallel_loop3A_408 : i32
        %parallel_loop3A_410 = arith.index_cast %parallel_loop3A_409 : i32 to index
        %parallel_loop3A_411 = arith.constant 112 : index
        %parallel_loop3A_412 = tpu.vector_load %arg7[%parallel_loop3A_410, %parallel_loop3A_411] {strides = array<i32>} : memref<128x128xf32, #tpu.memory_space<vmem>>, vector<1x16xf32>,
        %parallel_loop3A_413 = vector.shape_cast %parallel_loop3A_412 : vector<1x16xf32> to vector<16xf32>
        %parallel_loop3A_414 = arith.addf %parallel_loop3A_407, %parallel_loop3A_413 : vector<16xf32>
        %parallel_loop3A_415 = arith.constant 2 : i32
        %parallel_loop3A_416 = arith.addi %parallel_loop3A_193, %parallel_loop3A_415 : i32
        %parallel_loop3A_417 = arith.index_cast %parallel_loop3A_416 : i32 to index
        %parallel_loop3A_418 = arith.constant 112 : index
        %parallel_loop3A_419 = tpu.vector_load %arg7[%parallel_loop3A_417, %parallel_loop3A_418] {strides = array<i32>} : memref<128x128xf32, #tpu.memory_space<vmem>>, vector<1x16xf32>,
        %parallel_loop3A_420 = vector.shape_cast %parallel_loop3A_419 : vector<1x16xf32> to vector<16xf32>
        %parallel_loop3A_421 = arith.addf %parallel_loop3A_414, %parallel_loop3A_420 : vector<16xf32>
        %parallel_loop3A_422 = arith.constant 3 : i32
        %parallel_loop3A_423 = arith.addi %parallel_loop3A_193, %parallel_loop3A_422 : i32
        %parallel_loop3A_424 = arith.index_cast %parallel_loop3A_423 : i32 to index
        %parallel_loop3A_425 = arith.constant 112 : index
        %parallel_loop3A_426 = tpu.vector_load %arg7[%parallel_loop3A_424, %parallel_loop3A_425] {strides = array<i32>} : memref<128x128xf32, #tpu.memory_space<vmem>>, vector<1x16xf32>,
        %parallel_loop3A_427 = vector.shape_cast %parallel_loop3A_426 : vector<1x16xf32> to vector<16xf32>
        %parallel_loop3A_428 = arith.addf %parallel_loop3A_421, %parallel_loop3A_427 : vector<16xf32>
        %parallel_loop3A_429 = arith.index_cast %parallel_loop3A_191 : i32 to index
        %parallel_loop3A_430 = arith.constant 112 : index
        %parallel_loop3A_431 = tpu.vector_load %arg11[%parallel_loop3A_429, %parallel_loop3A_430] {strides = array<i32>} : memref<32x128xf32, #tpu.memory_space<vmem>>, vector<1x16xf32>,
        %parallel_loop3A_432 = vector.shape_cast %parallel_loop3A_431 : vector<1x16xf32> to vector<16xf32>
        %parallel_loop3A_433 = vector.shape_cast %parallel_loop3A_428 : vector<16xf32> to vector<1x16xf32>
        tpu.vector_store %arg11[%parallel_loop3A_429, %parallel_loop3A_430], %parallel_loop3A_433 {strides = array<i32>} : memref<32x128xf32, #tpu.memory_space<vmem>>, vector<1x16xf32>,
      } {sc.loop_unroll_factor = 8 : i64, sc.parallel_access}
      %add3A_111 = arith.addi %mul3A_2, %add3A_85 : i32
      %mul3A_112 = arith.constant 32 : i32
      %mul3A_113 = arith.muli %add3A_111, %mul3A_112 : i32
      %dma_start3A_114 = arith.constant 0 : i32
      %dma_start3A_115 = tpu.memref_slice %arg4[%mul3A_113, %dma_start3A_114] : memref<151552x128xf32, #tpu.memory_space<hbm>> -> memref<32x128xf32, #tpu.memory_space<hbm>>
      %dma_start3A_116 = arith.constant 0 : i32
      %dma_start3A_117 = tpu.memref_slice %arg4[%mul3A_113, %dma_start3A_116] : memref<151552x128xf32, #tpu.memory_space<hbm>> -> memref<32x128xf32, #tpu.memory_space<hbm>>
      tpu.enqueue_dma source(%arg11 : memref<32x128xf32, #tpu.memory_space<vmem>>) target(%dma_start3A_117 : memref<32x128xf32, #tpu.memory_space<hbm>>) target_semaphore(%arg19 : memref<!tpu.dma_semaphore, #tpu.memory_space<semaphore_mem>>)
      %mul3A_118 = arith.constant 4 : i32
      %mul3A_119 = arith.muli %mul3A_118, %scan3A_50 : i32
      %add3A_120 = arith.constant 2 : i32
      %add3A_121 = arith.addi %mul3A_119, %add3A_120 : i32
      %add3A_122 = arith.constant 4 : i32
      %add3A_123 = arith.addi %add3A_121, %add3A_122 : i32
      %sub3A_124 = arith.constant 1 : i32
      %sub3A_125 = arith.subi %add3A_123, %sub3A_124 : i32
      %lt3A_126 = arith.constant 148 : i32
      %lt3A_127 = arith.cmpi slt, %sub3A_125, %lt3A_126 : i32
      %convert_element_type3A_128 = arith.extui %lt3A_127 : i1 to i32
      %cond3A_129 = arith.constant 0 : i32
      %cond3A_130 = arith.cmpi ne, %convert_element_type3A_128, %cond3A_129 : i32
      scf.if %cond3A_130 {
        %add3A_191 = arith.constant 4 : i32
        %add3A_192 = arith.addi %add3A_121, %add3A_191 : i32
        %sub3A_193 = arith.constant 1 : i32
        %sub3A_194 = arith.subi %add3A_192, %sub3A_193 : i32
        %mul3A_195 = arith.constant 4 : i32
        %mul3A_196 = arith.muli %sub3A_194, %mul3A_195 : i32
        %mul3A_197 = arith.constant 32 : i32
        %mul3A_198 = arith.muli %mul3A_196, %mul3A_197 : i32
        %dma_start3A_199 = tpu.memref_slice %arg5[%mul3A_198] : memref<18944xi32, #tpu.memory_space<vmem>> -> memref<128xi32, #tpu.memory_space<vmem>>
        %dma_start3A_200 = arith.constant 0 : i32
        %dma_start3A_201 = arith.constant 0 : i32
        %dma_start3A_202 = tpu.memref_slice %arg2[%dma_start3A_200, %dma_start3A_201] : memref<50000x128xf32, #tpu.memory_space<hbm>> -> memref<50000x128xf32, #tpu.memory_space<hbm>>
        tpu.enqueue_indirect_dma source(%dma_start3A_202 : memref<50000x128xf32, #tpu.memory_space<hbm>>) target(%arg7 : memref<128x128xf32, #tpu.memory_space<vmem>>) offsets(%dma_start3A_199 : memref<128xi32, #tpu.memory_space<vmem>>) semaphore(%arg15 : memref<!tpu.dma_semaphore, #tpu.memory_space<semaphore_mem>>)
      } else {
      }
      %mul3A_131 = arith.constant 4 : i32
      %mul3A_132 = arith.muli %add3A_121, %mul3A_131 : i32
      %mul3A_133 = arith.constant 32 : i32
      %mul3A_134 = arith.muli %mul3A_132, %mul3A_133 : i32
      %dma_wait3A_135 = tpu.memref_slice %arg5[%mul3A_134] : memref<18944xi32, #tpu.memory_space<vmem>> -> memref<128xi32, #tpu.memory_space<vmem>>
      %dma_wait3A_136 = arith.constant 0 : i32
      %dma_wait3A_137 = arith.constant 0 : i32
      %dma_wait3A_138 = tpu.memref_slice %arg2[%dma_wait3A_136, %dma_wait3A_137] : memref<50000x128xf32, #tpu.memory_space<hbm>> -> memref<50000x128xf32, #tpu.memory_space<hbm>>
      tpu.wait_indirect_dma semaphore(%arg16 : memref<!tpu.dma_semaphore, #tpu.memory_space<semaphore_mem>>) src(%dma_wait3A_138 : memref<50000x128xf32, #tpu.memory_space<hbm>>) dst(%arg8 : memref<128x128xf32, #tpu.memory_space<vmem>>)
      %ge3A_139 = arith.constant 4 : i32
      %ge3A_140 = arith.cmpi sge, %add3A_121, %ge3A_139 : i32
      %convert_element_type3A_141 = arith.extui %ge3A_140 : i1 to i32
      %cond3A_142 = arith.constant 0 : i32
      %cond3A_143 = arith.cmpi ne, %convert_element_type3A_141, %cond3A_142 : i32
      scf.if %cond3A_143 {
        %dma_wait3A_191 = arith.constant 0 : i32
        %dma_wait3A_192 = arith.constant 0 : i32
        %dma_wait3A_193 = tpu.memref_slice %arg4[%dma_wait3A_191, %dma_wait3A_192] : memref<151552x128xf32, #tpu.memory_space<hbm>> -> memref<32x128xf32, #tpu.memory_space<hbm>>
        %dma_wait3A_194 = arith.constant 0 : i32
        %dma_wait3A_195 = arith.constant 0 : i32
        %dma_wait3A_196 = tpu.memref_slice %arg4[%dma_wait3A_194, %dma_wait3A_195] : memref<151552x128xf32, #tpu.memory_space<hbm>> -> memref<32x128xf32, #tpu.memory_space<hbm>>
        tpu.wait_dma2 semaphore(%arg20 : memref<!tpu.dma_semaphore, #tpu.memory_space<semaphore_mem>>) src(%arg12 : memref<32x128xf32, #tpu.memory_space<vmem>>) dst(%dma_wait3A_196 : memref<32x128xf32, #tpu.memory_space<hbm>>)
      } else {
      }
      %parallel_loop3A_144 = arith.constant 0 : i32
      %parallel_loop3A_145 = arith.constant 32 : i32
      %parallel_loop3A_146 = arith.constant 1 : i32
      scf.for %parallel_loop3A_191 = %parallel_loop3A_144 to %parallel_loop3A_145 step %parallel_loop3A_146  : i32 {
        %parallel_loop3A_192 = arith.constant 4 : i32
        %parallel_loop3A_193 = arith.muli %parallel_loop3A_192, %parallel_loop3A_191 : i32
        %parallel_loop3A_194 = arith.index_cast %parallel_loop3A_193 : i32 to index
        %parallel_loop3A_195 = arith.constant 0 : index
        %parallel_loop3A_196 = tpu.vector_load %arg8[%parallel_loop3A_194, %parallel_loop3A_195] {strides = array<i32>} : memref<128x128xf32, #tpu.memory_space<vmem>>, vector<1x16xf32>,
        %parallel_loop3A_197 = vector.shape_cast %parallel_loop3A_196 : vector<1x16xf32> to vector<16xf32>
        %parallel_loop3A_198 = arith.constant 1 : i32
        %parallel_loop3A_199 = arith.addi %parallel_loop3A_193, %parallel_loop3A_198 : i32
        %parallel_loop3A_200 = arith.index_cast %parallel_loop3A_199 : i32 to index
        %parallel_loop3A_201 = arith.constant 0 : index
        %parallel_loop3A_202 = tpu.vector_load %arg8[%parallel_loop3A_200, %parallel_loop3A_201] {strides = array<i32>} : memref<128x128xf32, #tpu.memory_space<vmem>>, vector<1x16xf32>,
        %parallel_loop3A_203 = vector.shape_cast %parallel_loop3A_202 : vector<1x16xf32> to vector<16xf32>
        %parallel_loop3A_204 = arith.addf %parallel_loop3A_197, %parallel_loop3A_203 : vector<16xf32>
        %parallel_loop3A_205 = arith.constant 2 : i32
        %parallel_loop3A_206 = arith.addi %parallel_loop3A_193, %parallel_loop3A_205 : i32
        %parallel_loop3A_207 = arith.index_cast %parallel_loop3A_206 : i32 to index
        %parallel_loop3A_208 = arith.constant 0 : index
        %parallel_loop3A_209 = tpu.vector_load %arg8[%parallel_loop3A_207, %parallel_loop3A_208] {strides = array<i32>} : memref<128x128xf32, #tpu.memory_space<vmem>>, vector<1x16xf32>,
        %parallel_loop3A_210 = vector.shape_cast %parallel_loop3A_209 : vector<1x16xf32> to vector<16xf32>
        %parallel_loop3A_211 = arith.addf %parallel_loop3A_204, %parallel_loop3A_210 : vector<16xf32>
        %parallel_loop3A_212 = arith.constant 3 : i32
        %parallel_loop3A_213 = arith.addi %parallel_loop3A_193, %parallel_loop3A_212 : i32
        %parallel_loop3A_214 = arith.index_cast %parallel_loop3A_213 : i32 to index
        %parallel_loop3A_215 = arith.constant 0 : index
        %parallel_loop3A_216 = tpu.vector_load %arg8[%parallel_loop3A_214, %parallel_loop3A_215] {strides = array<i32>} : memref<128x128xf32, #tpu.memory_space<vmem>>, vector<1x16xf32>,
        %parallel_loop3A_217 = vector.shape_cast %parallel_loop3A_216 : vector<1x16xf32> to vector<16xf32>
        %parallel_loop3A_218 = arith.addf %parallel_loop3A_211, %parallel_loop3A_217 : vector<16xf32>
        %parallel_loop3A_219 = arith.index_cast %parallel_loop3A_191 : i32 to index
        %parallel_loop3A_220 = arith.constant 0 : index
        %parallel_loop3A_221 = tpu.vector_load %arg12[%parallel_loop3A_219, %parallel_loop3A_220] {strides = array<i32>} : memref<32x128xf32, #tpu.memory_space<vmem>>, vector<1x16xf32>,
        %parallel_loop3A_222 = vector.shape_cast %parallel_loop3A_221 : vector<1x16xf32> to vector<16xf32>
        %parallel_loop3A_223 = vector.shape_cast %parallel_loop3A_218 : vector<16xf32> to vector<1x16xf32>
        tpu.vector_store %arg12[%parallel_loop3A_219, %parallel_loop3A_220], %parallel_loop3A_223 {strides = array<i32>} : memref<32x128xf32, #tpu.memory_space<vmem>>, vector<1x16xf32>,
        %parallel_loop3A_224 = arith.index_cast %parallel_loop3A_193 : i32 to index
        %parallel_loop3A_225 = arith.constant 16 : index
        %parallel_loop3A_226 = tpu.vector_load %arg8[%parallel_loop3A_224, %parallel_loop3A_225] {strides = array<i32>} : memref<128x128xf32, #tpu.memory_space<vmem>>, vector<1x16xf32>,
        %parallel_loop3A_227 = vector.shape_cast %parallel_loop3A_226 : vector<1x16xf32> to vector<16xf32>
        %parallel_loop3A_228 = arith.constant 1 : i32
        %parallel_loop3A_229 = arith.addi %parallel_loop3A_193, %parallel_loop3A_228 : i32
        %parallel_loop3A_230 = arith.index_cast %parallel_loop3A_229 : i32 to index
        %parallel_loop3A_231 = arith.constant 16 : index
        %parallel_loop3A_232 = tpu.vector_load %arg8[%parallel_loop3A_230, %parallel_loop3A_231] {strides = array<i32>} : memref<128x128xf32, #tpu.memory_space<vmem>>, vector<1x16xf32>,
        %parallel_loop3A_233 = vector.shape_cast %parallel_loop3A_232 : vector<1x16xf32> to vector<16xf32>
        %parallel_loop3A_234 = arith.addf %parallel_loop3A_227, %parallel_loop3A_233 : vector<16xf32>
        %parallel_loop3A_235 = arith.constant 2 : i32
        %parallel_loop3A_236 = arith.addi %parallel_loop3A_193, %parallel_loop3A_235 : i32
        %parallel_loop3A_237 = arith.index_cast %parallel_loop3A_236 : i32 to index
        %parallel_loop3A_238 = arith.constant 16 : index
        %parallel_loop3A_239 = tpu.vector_load %arg8[%parallel_loop3A_237, %parallel_loop3A_238] {strides = array<i32>} : memref<128x128xf32, #tpu.memory_space<vmem>>, vector<1x16xf32>,
        %parallel_loop3A_240 = vector.shape_cast %parallel_loop3A_239 : vector<1x16xf32> to vector<16xf32>
        %parallel_loop3A_241 = arith.addf %parallel_loop3A_234, %parallel_loop3A_240 : vector<16xf32>
        %parallel_loop3A_242 = arith.constant 3 : i32
        %parallel_loop3A_243 = arith.addi %parallel_loop3A_193, %parallel_loop3A_242 : i32
        %parallel_loop3A_244 = arith.index_cast %parallel_loop3A_243 : i32 to index
        %parallel_loop3A_245 = arith.constant 16 : index
        %parallel_loop3A_246 = tpu.vector_load %arg8[%parallel_loop3A_244, %parallel_loop3A_245] {strides = array<i32>} : memref<128x128xf32, #tpu.memory_space<vmem>>, vector<1x16xf32>,
        %parallel_loop3A_247 = vector.shape_cast %parallel_loop3A_246 : vector<1x16xf32> to vector<16xf32>
        %parallel_loop3A_248 = arith.addf %parallel_loop3A_241, %parallel_loop3A_247 : vector<16xf32>
        %parallel_loop3A_249 = arith.index_cast %parallel_loop3A_191 : i32 to index
        %parallel_loop3A_250 = arith.constant 16 : index
        %parallel_loop3A_251 = tpu.vector_load %arg12[%parallel_loop3A_249, %parallel_loop3A_250] {strides = array<i32>} : memref<32x128xf32, #tpu.memory_space<vmem>>, vector<1x16xf32>,
        %parallel_loop3A_252 = vector.shape_cast %parallel_loop3A_251 : vector<1x16xf32> to vector<16xf32>
        %parallel_loop3A_253 = vector.shape_cast %parallel_loop3A_248 : vector<16xf32> to vector<1x16xf32>
        tpu.vector_store %arg12[%parallel_loop3A_249, %parallel_loop3A_250], %parallel_loop3A_253 {strides = array<i32>} : memref<32x128xf32, #tpu.memory_space<vmem>>, vector<1x16xf32>,
        %parallel_loop3A_254 = arith.index_cast %parallel_loop3A_193 : i32 to index
        %parallel_loop3A_255 = arith.constant 32 : index
        %parallel_loop3A_256 = tpu.vector_load %arg8[%parallel_loop3A_254, %parallel_loop3A_255] {strides = array<i32>} : memref<128x128xf32, #tpu.memory_space<vmem>>, vector<1x16xf32>,
        %parallel_loop3A_257 = vector.shape_cast %parallel_loop3A_256 : vector<1x16xf32> to vector<16xf32>
        %parallel_loop3A_258 = arith.constant 1 : i32
        %parallel_loop3A_259 = arith.addi %parallel_loop3A_193, %parallel_loop3A_258 : i32
        %parallel_loop3A_260 = arith.index_cast %parallel_loop3A_259 : i32 to index
        %parallel_loop3A_261 = arith.constant 32 : index
        %parallel_loop3A_262 = tpu.vector_load %arg8[%parallel_loop3A_260, %parallel_loop3A_261] {strides = array<i32>} : memref<128x128xf32, #tpu.memory_space<vmem>>, vector<1x16xf32>,
        %parallel_loop3A_263 = vector.shape_cast %parallel_loop3A_262 : vector<1x16xf32> to vector<16xf32>
        %parallel_loop3A_264 = arith.addf %parallel_loop3A_257, %parallel_loop3A_263 : vector<16xf32>
        %parallel_loop3A_265 = arith.constant 2 : i32
        %parallel_loop3A_266 = arith.addi %parallel_loop3A_193, %parallel_loop3A_265 : i32
        %parallel_loop3A_267 = arith.index_cast %parallel_loop3A_266 : i32 to index
        %parallel_loop3A_268 = arith.constant 32 : index
        %parallel_loop3A_269 = tpu.vector_load %arg8[%parallel_loop3A_267, %parallel_loop3A_268] {strides = array<i32>} : memref<128x128xf32, #tpu.memory_space<vmem>>, vector<1x16xf32>,
        %parallel_loop3A_270 = vector.shape_cast %parallel_loop3A_269 : vector<1x16xf32> to vector<16xf32>
        %parallel_loop3A_271 = arith.addf %parallel_loop3A_264, %parallel_loop3A_270 : vector<16xf32>
        %parallel_loop3A_272 = arith.constant 3 : i32
        %parallel_loop3A_273 = arith.addi %parallel_loop3A_193, %parallel_loop3A_272 : i32
        %parallel_loop3A_274 = arith.index_cast %parallel_loop3A_273 : i32 to index
        %parallel_loop3A_275 = arith.constant 32 : index
        %parallel_loop3A_276 = tpu.vector_load %arg8[%parallel_loop3A_274, %parallel_loop3A_275] {strides = array<i32>} : memref<128x128xf32, #tpu.memory_space<vmem>>, vector<1x16xf32>,
        %parallel_loop3A_277 = vector.shape_cast %parallel_loop3A_276 : vector<1x16xf32> to vector<16xf32>
        %parallel_loop3A_278 = arith.addf %parallel_loop3A_271, %parallel_loop3A_277 : vector<16xf32>
        %parallel_loop3A_279 = arith.index_cast %parallel_loop3A_191 : i32 to index
        %parallel_loop3A_280 = arith.constant 32 : index
        %parallel_loop3A_281 = tpu.vector_load %arg12[%parallel_loop3A_279, %parallel_loop3A_280] {strides = array<i32>} : memref<32x128xf32, #tpu.memory_space<vmem>>, vector<1x16xf32>,
        %parallel_loop3A_282 = vector.shape_cast %parallel_loop3A_281 : vector<1x16xf32> to vector<16xf32>
        %parallel_loop3A_283 = vector.shape_cast %parallel_loop3A_278 : vector<16xf32> to vector<1x16xf32>
        tpu.vector_store %arg12[%parallel_loop3A_279, %parallel_loop3A_280], %parallel_loop3A_283 {strides = array<i32>} : memref<32x128xf32, #tpu.memory_space<vmem>>, vector<1x16xf32>,
        %parallel_loop3A_284 = arith.index_cast %parallel_loop3A_193 : i32 to index
        %parallel_loop3A_285 = arith.constant 48 : index
        %parallel_loop3A_286 = tpu.vector_load %arg8[%parallel_loop3A_284, %parallel_loop3A_285] {strides = array<i32>} : memref<128x128xf32, #tpu.memory_space<vmem>>, vector<1x16xf32>,
        %parallel_loop3A_287 = vector.shape_cast %parallel_loop3A_286 : vector<1x16xf32> to vector<16xf32>
        %parallel_loop3A_288 = arith.constant 1 : i32
        %parallel_loop3A_289 = arith.addi %parallel_loop3A_193, %parallel_loop3A_288 : i32
        %parallel_loop3A_290 = arith.index_cast %parallel_loop3A_289 : i32 to index
        %parallel_loop3A_291 = arith.constant 48 : index
        %parallel_loop3A_292 = tpu.vector_load %arg8[%parallel_loop3A_290, %parallel_loop3A_291] {strides = array<i32>} : memref<128x128xf32, #tpu.memory_space<vmem>>, vector<1x16xf32>,
        %parallel_loop3A_293 = vector.shape_cast %parallel_loop3A_292 : vector<1x16xf32> to vector<16xf32>
        %parallel_loop3A_294 = arith.addf %parallel_loop3A_287, %parallel_loop3A_293 : vector<16xf32>
        %parallel_loop3A_295 = arith.constant 2 : i32
        %parallel_loop3A_296 = arith.addi %parallel_loop3A_193, %parallel_loop3A_295 : i32
        %parallel_loop3A_297 = arith.index_cast %parallel_loop3A_296 : i32 to index
        %parallel_loop3A_298 = arith.constant 48 : index
        %parallel_loop3A_299 = tpu.vector_load %arg8[%parallel_loop3A_297, %parallel_loop3A_298] {strides = array<i32>} : memref<128x128xf32, #tpu.memory_space<vmem>>, vector<1x16xf32>,
        %parallel_loop3A_300 = vector.shape_cast %parallel_loop3A_299 : vector<1x16xf32> to vector<16xf32>
        %parallel_loop3A_301 = arith.addf %parallel_loop3A_294, %parallel_loop3A_300 : vector<16xf32>
        %parallel_loop3A_302 = arith.constant 3 : i32
        %parallel_loop3A_303 = arith.addi %parallel_loop3A_193, %parallel_loop3A_302 : i32
        %parallel_loop3A_304 = arith.index_cast %parallel_loop3A_303 : i32 to index
        %parallel_loop3A_305 = arith.constant 48 : index
        %parallel_loop3A_306 = tpu.vector_load %arg8[%parallel_loop3A_304, %parallel_loop3A_305] {strides = array<i32>} : memref<128x128xf32, #tpu.memory_space<vmem>>, vector<1x16xf32>,
        %parallel_loop3A_307 = vector.shape_cast %parallel_loop3A_306 : vector<1x16xf32> to vector<16xf32>
        %parallel_loop3A_308 = arith.addf %parallel_loop3A_301, %parallel_loop3A_307 : vector<16xf32>
        %parallel_loop3A_309 = arith.index_cast %parallel_loop3A_191 : i32 to index
        %parallel_loop3A_310 = arith.constant 48 : index
        %parallel_loop3A_311 = tpu.vector_load %arg12[%parallel_loop3A_309, %parallel_loop3A_310] {strides = array<i32>} : memref<32x128xf32, #tpu.memory_space<vmem>>, vector<1x16xf32>,
        %parallel_loop3A_312 = vector.shape_cast %parallel_loop3A_311 : vector<1x16xf32> to vector<16xf32>
        %parallel_loop3A_313 = vector.shape_cast %parallel_loop3A_308 : vector<16xf32> to vector<1x16xf32>
        tpu.vector_store %arg12[%parallel_loop3A_309, %parallel_loop3A_310], %parallel_loop3A_313 {strides = array<i32>} : memref<32x128xf32, #tpu.memory_space<vmem>>, vector<1x16xf32>,
        %parallel_loop3A_314 = arith.index_cast %parallel_loop3A_193 : i32 to index
        %parallel_loop3A_315 = arith.constant 64 : index
        %parallel_loop3A_316 = tpu.vector_load %arg8[%parallel_loop3A_314, %parallel_loop3A_315] {strides = array<i32>} : memref<128x128xf32, #tpu.memory_space<vmem>>, vector<1x16xf32>,
        %parallel_loop3A_317 = vector.shape_cast %parallel_loop3A_316 : vector<1x16xf32> to vector<16xf32>
        %parallel_loop3A_318 = arith.constant 1 : i32
        %parallel_loop3A_319 = arith.addi %parallel_loop3A_193, %parallel_loop3A_318 : i32
        %parallel_loop3A_320 = arith.index_cast %parallel_loop3A_319 : i32 to index
        %parallel_loop3A_321 = arith.constant 64 : index
        %parallel_loop3A_322 = tpu.vector_load %arg8[%parallel_loop3A_320, %parallel_loop3A_321] {strides = array<i32>} : memref<128x128xf32, #tpu.memory_space<vmem>>, vector<1x16xf32>,
        %parallel_loop3A_323 = vector.shape_cast %parallel_loop3A_322 : vector<1x16xf32> to vector<16xf32>
        %parallel_loop3A_324 = arith.addf %parallel_loop3A_317, %parallel_loop3A_323 : vector<16xf32>
        %parallel_loop3A_325 = arith.constant 2 : i32
        %parallel_loop3A_326 = arith.addi %parallel_loop3A_193, %parallel_loop3A_325 : i32
        %parallel_loop3A_327 = arith.index_cast %parallel_loop3A_326 : i32 to index
        %parallel_loop3A_328 = arith.constant 64 : index
        %parallel_loop3A_329 = tpu.vector_load %arg8[%parallel_loop3A_327, %parallel_loop3A_328] {strides = array<i32>} : memref<128x128xf32, #tpu.memory_space<vmem>>, vector<1x16xf32>,
        %parallel_loop3A_330 = vector.shape_cast %parallel_loop3A_329 : vector<1x16xf32> to vector<16xf32>
        %parallel_loop3A_331 = arith.addf %parallel_loop3A_324, %parallel_loop3A_330 : vector<16xf32>
        %parallel_loop3A_332 = arith.constant 3 : i32
        %parallel_loop3A_333 = arith.addi %parallel_loop3A_193, %parallel_loop3A_332 : i32
        %parallel_loop3A_334 = arith.index_cast %parallel_loop3A_333 : i32 to index
        %parallel_loop3A_335 = arith.constant 64 : index
        %parallel_loop3A_336 = tpu.vector_load %arg8[%parallel_loop3A_334, %parallel_loop3A_335] {strides = array<i32>} : memref<128x128xf32, #tpu.memory_space<vmem>>, vector<1x16xf32>,
        %parallel_loop3A_337 = vector.shape_cast %parallel_loop3A_336 : vector<1x16xf32> to vector<16xf32>
        %parallel_loop3A_338 = arith.addf %parallel_loop3A_331, %parallel_loop3A_337 : vector<16xf32>
        %parallel_loop3A_339 = arith.index_cast %parallel_loop3A_191 : i32 to index
        %parallel_loop3A_340 = arith.constant 64 : index
        %parallel_loop3A_341 = tpu.vector_load %arg12[%parallel_loop3A_339, %parallel_loop3A_340] {strides = array<i32>} : memref<32x128xf32, #tpu.memory_space<vmem>>, vector<1x16xf32>,
        %parallel_loop3A_342 = vector.shape_cast %parallel_loop3A_341 : vector<1x16xf32> to vector<16xf32>
        %parallel_loop3A_343 = vector.shape_cast %parallel_loop3A_338 : vector<16xf32> to vector<1x16xf32>
        tpu.vector_store %arg12[%parallel_loop3A_339, %parallel_loop3A_340], %parallel_loop3A_343 {strides = array<i32>} : memref<32x128xf32, #tpu.memory_space<vmem>>, vector<1x16xf32>,
        %parallel_loop3A_344 = arith.index_cast %parallel_loop3A_193 : i32 to index
        %parallel_loop3A_345 = arith.constant 80 : index
        %parallel_loop3A_346 = tpu.vector_load %arg8[%parallel_loop3A_344, %parallel_loop3A_345] {strides = array<i32>} : memref<128x128xf32, #tpu.memory_space<vmem>>, vector<1x16xf32>,
        %parallel_loop3A_347 = vector.shape_cast %parallel_loop3A_346 : vector<1x16xf32> to vector<16xf32>
        %parallel_loop3A_348 = arith.constant 1 : i32
        %parallel_loop3A_349 = arith.addi %parallel_loop3A_193, %parallel_loop3A_348 : i32
        %parallel_loop3A_350 = arith.index_cast %parallel_loop3A_349 : i32 to index
        %parallel_loop3A_351 = arith.constant 80 : index
        %parallel_loop3A_352 = tpu.vector_load %arg8[%parallel_loop3A_350, %parallel_loop3A_351] {strides = array<i32>} : memref<128x128xf32, #tpu.memory_space<vmem>>, vector<1x16xf32>,
        %parallel_loop3A_353 = vector.shape_cast %parallel_loop3A_352 : vector<1x16xf32> to vector<16xf32>
        %parallel_loop3A_354 = arith.addf %parallel_loop3A_347, %parallel_loop3A_353 : vector<16xf32>
        %parallel_loop3A_355 = arith.constant 2 : i32
        %parallel_loop3A_356 = arith.addi %parallel_loop3A_193, %parallel_loop3A_355 : i32
        %parallel_loop3A_357 = arith.index_cast %parallel_loop3A_356 : i32 to index
        %parallel_loop3A_358 = arith.constant 80 : index
        %parallel_loop3A_359 = tpu.vector_load %arg8[%parallel_loop3A_357, %parallel_loop3A_358] {strides = array<i32>} : memref<128x128xf32, #tpu.memory_space<vmem>>, vector<1x16xf32>,
        %parallel_loop3A_360 = vector.shape_cast %parallel_loop3A_359 : vector<1x16xf32> to vector<16xf32>
        %parallel_loop3A_361 = arith.addf %parallel_loop3A_354, %parallel_loop3A_360 : vector<16xf32>
        %parallel_loop3A_362 = arith.constant 3 : i32
        %parallel_loop3A_363 = arith.addi %parallel_loop3A_193, %parallel_loop3A_362 : i32
        %parallel_loop3A_364 = arith.index_cast %parallel_loop3A_363 : i32 to index
        %parallel_loop3A_365 = arith.constant 80 : index
        %parallel_loop3A_366 = tpu.vector_load %arg8[%parallel_loop3A_364, %parallel_loop3A_365] {strides = array<i32>} : memref<128x128xf32, #tpu.memory_space<vmem>>, vector<1x16xf32>,
        %parallel_loop3A_367 = vector.shape_cast %parallel_loop3A_366 : vector<1x16xf32> to vector<16xf32>
        %parallel_loop3A_368 = arith.addf %parallel_loop3A_361, %parallel_loop3A_367 : vector<16xf32>
        %parallel_loop3A_369 = arith.index_cast %parallel_loop3A_191 : i32 to index
        %parallel_loop3A_370 = arith.constant 80 : index
        %parallel_loop3A_371 = tpu.vector_load %arg12[%parallel_loop3A_369, %parallel_loop3A_370] {strides = array<i32>} : memref<32x128xf32, #tpu.memory_space<vmem>>, vector<1x16xf32>,
        %parallel_loop3A_372 = vector.shape_cast %parallel_loop3A_371 : vector<1x16xf32> to vector<16xf32>
        %parallel_loop3A_373 = vector.shape_cast %parallel_loop3A_368 : vector<16xf32> to vector<1x16xf32>
        tpu.vector_store %arg12[%parallel_loop3A_369, %parallel_loop3A_370], %parallel_loop3A_373 {strides = array<i32>} : memref<32x128xf32, #tpu.memory_space<vmem>>, vector<1x16xf32>,
        %parallel_loop3A_374 = arith.index_cast %parallel_loop3A_193 : i32 to index
        %parallel_loop3A_375 = arith.constant 96 : index
        %parallel_loop3A_376 = tpu.vector_load %arg8[%parallel_loop3A_374, %parallel_loop3A_375] {strides = array<i32>} : memref<128x128xf32, #tpu.memory_space<vmem>>, vector<1x16xf32>,
        %parallel_loop3A_377 = vector.shape_cast %parallel_loop3A_376 : vector<1x16xf32> to vector<16xf32>
        %parallel_loop3A_378 = arith.constant 1 : i32
        %parallel_loop3A_379 = arith.addi %parallel_loop3A_193, %parallel_loop3A_378 : i32
        %parallel_loop3A_380 = arith.index_cast %parallel_loop3A_379 : i32 to index
        %parallel_loop3A_381 = arith.constant 96 : index
        %parallel_loop3A_382 = tpu.vector_load %arg8[%parallel_loop3A_380, %parallel_loop3A_381] {strides = array<i32>} : memref<128x128xf32, #tpu.memory_space<vmem>>, vector<1x16xf32>,
        %parallel_loop3A_383 = vector.shape_cast %parallel_loop3A_382 : vector<1x16xf32> to vector<16xf32>
        %parallel_loop3A_384 = arith.addf %parallel_loop3A_377, %parallel_loop3A_383 : vector<16xf32>
        %parallel_loop3A_385 = arith.constant 2 : i32
        %parallel_loop3A_386 = arith.addi %parallel_loop3A_193, %parallel_loop3A_385 : i32
        %parallel_loop3A_387 = arith.index_cast %parallel_loop3A_386 : i32 to index
        %parallel_loop3A_388 = arith.constant 96 : index
        %parallel_loop3A_389 = tpu.vector_load %arg8[%parallel_loop3A_387, %parallel_loop3A_388] {strides = array<i32>} : memref<128x128xf32, #tpu.memory_space<vmem>>, vector<1x16xf32>,
        %parallel_loop3A_390 = vector.shape_cast %parallel_loop3A_389 : vector<1x16xf32> to vector<16xf32>
        %parallel_loop3A_391 = arith.addf %parallel_loop3A_384, %parallel_loop3A_390 : vector<16xf32>
        %parallel_loop3A_392 = arith.constant 3 : i32
        %parallel_loop3A_393 = arith.addi %parallel_loop3A_193, %parallel_loop3A_392 : i32
        %parallel_loop3A_394 = arith.index_cast %parallel_loop3A_393 : i32 to index
        %parallel_loop3A_395 = arith.constant 96 : index
        %parallel_loop3A_396 = tpu.vector_load %arg8[%parallel_loop3A_394, %parallel_loop3A_395] {strides = array<i32>} : memref<128x128xf32, #tpu.memory_space<vmem>>, vector<1x16xf32>,
        %parallel_loop3A_397 = vector.shape_cast %parallel_loop3A_396 : vector<1x16xf32> to vector<16xf32>
        %parallel_loop3A_398 = arith.addf %parallel_loop3A_391, %parallel_loop3A_397 : vector<16xf32>
        %parallel_loop3A_399 = arith.index_cast %parallel_loop3A_191 : i32 to index
        %parallel_loop3A_400 = arith.constant 96 : index
        %parallel_loop3A_401 = tpu.vector_load %arg12[%parallel_loop3A_399, %parallel_loop3A_400] {strides = array<i32>} : memref<32x128xf32, #tpu.memory_space<vmem>>, vector<1x16xf32>,
        %parallel_loop3A_402 = vector.shape_cast %parallel_loop3A_401 : vector<1x16xf32> to vector<16xf32>
        %parallel_loop3A_403 = vector.shape_cast %parallel_loop3A_398 : vector<16xf32> to vector<1x16xf32>
        tpu.vector_store %arg12[%parallel_loop3A_399, %parallel_loop3A_400], %parallel_loop3A_403 {strides = array<i32>} : memref<32x128xf32, #tpu.memory_space<vmem>>, vector<1x16xf32>,
        %parallel_loop3A_404 = arith.index_cast %parallel_loop3A_193 : i32 to index
        %parallel_loop3A_405 = arith.constant 112 : index
        %parallel_loop3A_406 = tpu.vector_load %arg8[%parallel_loop3A_404, %parallel_loop3A_405] {strides = array<i32>} : memref<128x128xf32, #tpu.memory_space<vmem>>, vector<1x16xf32>,
        %parallel_loop3A_407 = vector.shape_cast %parallel_loop3A_406 : vector<1x16xf32> to vector<16xf32>
        %parallel_loop3A_408 = arith.constant 1 : i32
        %parallel_loop3A_409 = arith.addi %parallel_loop3A_193, %parallel_loop3A_408 : i32
        %parallel_loop3A_410 = arith.index_cast %parallel_loop3A_409 : i32 to index
        %parallel_loop3A_411 = arith.constant 112 : index
        %parallel_loop3A_412 = tpu.vector_load %arg8[%parallel_loop3A_410, %parallel_loop3A_411] {strides = array<i32>} : memref<128x128xf32, #tpu.memory_space<vmem>>, vector<1x16xf32>,
        %parallel_loop3A_413 = vector.shape_cast %parallel_loop3A_412 : vector<1x16xf32> to vector<16xf32>
        %parallel_loop3A_414 = arith.addf %parallel_loop3A_407, %parallel_loop3A_413 : vector<16xf32>
        %parallel_loop3A_415 = arith.constant 2 : i32
        %parallel_loop3A_416 = arith.addi %parallel_loop3A_193, %parallel_loop3A_415 : i32
        %parallel_loop3A_417 = arith.index_cast %parallel_loop3A_416 : i32 to index
        %parallel_loop3A_418 = arith.constant 112 : index
        %parallel_loop3A_419 = tpu.vector_load %arg8[%parallel_loop3A_417, %parallel_loop3A_418] {strides = array<i32>} : memref<128x128xf32, #tpu.memory_space<vmem>>, vector<1x16xf32>,
        %parallel_loop3A_420 = vector.shape_cast %parallel_loop3A_419 : vector<1x16xf32> to vector<16xf32>
        %parallel_loop3A_421 = arith.addf %parallel_loop3A_414, %parallel_loop3A_420 : vector<16xf32>
        %parallel_loop3A_422 = arith.constant 3 : i32
        %parallel_loop3A_423 = arith.addi %parallel_loop3A_193, %parallel_loop3A_422 : i32
        %parallel_loop3A_424 = arith.index_cast %parallel_loop3A_423 : i32 to index
        %parallel_loop3A_425 = arith.constant 112 : index
        %parallel_loop3A_426 = tpu.vector_load %arg8[%parallel_loop3A_424, %parallel_loop3A_425] {strides = array<i32>} : memref<128x128xf32, #tpu.memory_space<vmem>>, vector<1x16xf32>,
        %parallel_loop3A_427 = vector.shape_cast %parallel_loop3A_426 : vector<1x16xf32> to vector<16xf32>
        %parallel_loop3A_428 = arith.addf %parallel_loop3A_421, %parallel_loop3A_427 : vector<16xf32>
        %parallel_loop3A_429 = arith.index_cast %parallel_loop3A_191 : i32 to index
        %parallel_loop3A_430 = arith.constant 112 : index
        %parallel_loop3A_431 = tpu.vector_load %arg12[%parallel_loop3A_429, %parallel_loop3A_430] {strides = array<i32>} : memref<32x128xf32, #tpu.memory_space<vmem>>, vector<1x16xf32>,
        %parallel_loop3A_432 = vector.shape_cast %parallel_loop3A_431 : vector<1x16xf32> to vector<16xf32>
        %parallel_loop3A_433 = vector.shape_cast %parallel_loop3A_428 : vector<16xf32> to vector<1x16xf32>
        tpu.vector_store %arg12[%parallel_loop3A_429, %parallel_loop3A_430], %parallel_loop3A_433 {strides = array<i32>} : memref<32x128xf32, #tpu.memory_space<vmem>>, vector<1x16xf32>,
      } {sc.loop_unroll_factor = 8 : i64, sc.parallel_access}
      %add3A_147 = arith.addi %mul3A_2, %add3A_121 : i32
      %mul3A_148 = arith.constant 32 : i32
      %mul3A_149 = arith.muli %add3A_147, %mul3A_148 : i32
      %dma_start3A_150 = arith.constant 0 : i32
      %dma_start3A_151 = tpu.memref_slice %arg4[%mul3A_149, %dma_start3A_150] : memref<151552x128xf32, #tpu.memory_space<hbm>> -> memref<32x128xf32, #tpu.memory_space<hbm>>
      %dma_start3A_152 = arith.constant 0 : i32
      %dma_start3A_153 = tpu.memref_slice %arg4[%mul3A_149, %dma_start3A_152] : memref<151552x128xf32, #tpu.memory_space<hbm>> -> memref<32x128xf32, #tpu.memory_space<hbm>>
      tpu.enqueue_dma source(%arg12 : memref<32x128xf32, #tpu.memory_space<vmem>>) target(%dma_start3A_153 : memref<32x128xf32, #tpu.memory_space<hbm>>) target_semaphore(%arg20 : memref<!tpu.dma_semaphore, #tpu.memory_space<semaphore_mem>>)
      %mul3A_154 = arith.constant 4 : i32
      %mul3A_155 = arith.muli %mul3A_154, %scan3A_50 : i32
      %add3A_156 = arith.constant 3 : i32
      %add3A_157 = arith.addi %mul3A_155, %add3A_156 : i32
      %add3A_158 = arith.constant 4 : i32
      %add3A_159 = arith.addi %add3A_157, %add3A_158 : i32
      %sub3A_160 = arith.constant 1 : i32
      %sub3A_161 = arith.subi %add3A_159, %sub3A_160 : i32
      %lt3A_162 = arith.constant 148 : i32
      %lt3A_163 = arith.cmpi slt, %sub3A_161, %lt3A_162 : i32
      %convert_element_type3A_164 = arith.extui %lt3A_163 : i1 to i32
      %cond3A_165 = arith.constant 0 : i32
      %cond3A_166 = arith.cmpi ne, %convert_element_type3A_164, %cond3A_165 : i32
      scf.if %cond3A_166 {
        %add3A_191 = arith.constant 4 : i32
        %add3A_192 = arith.addi %add3A_157, %add3A_191 : i32
        %sub3A_193 = arith.constant 1 : i32
        %sub3A_194 = arith.subi %add3A_192, %sub3A_193 : i32
        %mul3A_195 = arith.constant 4 : i32
        %mul3A_196 = arith.muli %sub3A_194, %mul3A_195 : i32
        %mul3A_197 = arith.constant 32 : i32
        %mul3A_198 = arith.muli %mul3A_196, %mul3A_197 : i32
        %dma_start3A_199 = tpu.memref_slice %arg5[%mul3A_198] : memref<18944xi32, #tpu.memory_space<vmem>> -> memref<128xi32, #tpu.memory_space<vmem>>
        %dma_start3A_200 = arith.constant 0 : i32
        %dma_start3A_201 = arith.constant 0 : i32
        %dma_start3A_202 = tpu.memref_slice %arg2[%dma_start3A_200, %dma_start3A_201] : memref<50000x128xf32, #tpu.memory_space<hbm>> -> memref<50000x128xf32, #tpu.memory_space<hbm>>
        tpu.enqueue_indirect_dma source(%dma_start3A_202 : memref<50000x128xf32, #tpu.memory_space<hbm>>) target(%arg8 : memref<128x128xf32, #tpu.memory_space<vmem>>) offsets(%dma_start3A_199 : memref<128xi32, #tpu.memory_space<vmem>>) semaphore(%arg16 : memref<!tpu.dma_semaphore, #tpu.memory_space<semaphore_mem>>)
      } else {
      }
      %mul3A_167 = arith.constant 4 : i32
      %mul3A_168 = arith.muli %add3A_157, %mul3A_167 : i32
      %mul3A_169 = arith.constant 32 : i32
      %mul3A_170 = arith.muli %mul3A_168, %mul3A_169 : i32
      %dma_wait3A_171 = tpu.memref_slice %arg5[%mul3A_170] : memref<18944xi32, #tpu.memory_space<vmem>> -> memref<128xi32, #tpu.memory_space<vmem>>
      %dma_wait3A_172 = arith.constant 0 : i32
      %dma_wait3A_173 = arith.constant 0 : i32
      %dma_wait3A_174 = tpu.memref_slice %arg2[%dma_wait3A_172, %dma_wait3A_173] : memref<50000x128xf32, #tpu.memory_space<hbm>> -> memref<50000x128xf32, #tpu.memory_space<hbm>>
      tpu.wait_indirect_dma semaphore(%arg17 : memref<!tpu.dma_semaphore, #tpu.memory_space<semaphore_mem>>) src(%dma_wait3A_174 : memref<50000x128xf32, #tpu.memory_space<hbm>>) dst(%arg9 : memref<128x128xf32, #tpu.memory_space<vmem>>)
      %ge3A_175 = arith.constant 4 : i32
      %ge3A_176 = arith.cmpi sge, %add3A_157, %ge3A_175 : i32
      %convert_element_type3A_177 = arith.extui %ge3A_176 : i1 to i32
      %cond3A_178 = arith.constant 0 : i32
      %cond3A_179 = arith.cmpi ne, %convert_element_type3A_177, %cond3A_178 : i32
      scf.if %cond3A_179 {
        %dma_wait3A_191 = arith.constant 0 : i32
        %dma_wait3A_192 = arith.constant 0 : i32
        %dma_wait3A_193 = tpu.memref_slice %arg4[%dma_wait3A_191, %dma_wait3A_192] : memref<151552x128xf32, #tpu.memory_space<hbm>> -> memref<32x128xf32, #tpu.memory_space<hbm>>
        %dma_wait3A_194 = arith.constant 0 : i32
        %dma_wait3A_195 = arith.constant 0 : i32
        %dma_wait3A_196 = tpu.memref_slice %arg4[%dma_wait3A_194, %dma_wait3A_195] : memref<151552x128xf32, #tpu.memory_space<hbm>> -> memref<32x128xf32, #tpu.memory_space<hbm>>
        tpu.wait_dma2 semaphore(%arg21 : memref<!tpu.dma_semaphore, #tpu.memory_space<semaphore_mem>>) src(%arg13 : memref<32x128xf32, #tpu.memory_space<vmem>>) dst(%dma_wait3A_196 : memref<32x128xf32, #tpu.memory_space<hbm>>)
      } else {
      }
      %parallel_loop3A_180 = arith.constant 0 : i32
      %parallel_loop3A_181 = arith.constant 32 : i32
      %parallel_loop3A_182 = arith.constant 1 : i32
      scf.for %parallel_loop3A_191 = %parallel_loop3A_180 to %parallel_loop3A_181 step %parallel_loop3A_182  : i32 {
        %parallel_loop3A_192 = arith.constant 4 : i32
        %parallel_loop3A_193 = arith.muli %parallel_loop3A_192, %parallel_loop3A_191 : i32
        %parallel_loop3A_194 = arith.index_cast %parallel_loop3A_193 : i32 to index
        %parallel_loop3A_195 = arith.constant 0 : index
        %parallel_loop3A_196 = tpu.vector_load %arg9[%parallel_loop3A_194, %parallel_loop3A_195] {strides = array<i32>} : memref<128x128xf32, #tpu.memory_space<vmem>>, vector<1x16xf32>,
        %parallel_loop3A_197 = vector.shape_cast %parallel_loop3A_196 : vector<1x16xf32> to vector<16xf32>
        %parallel_loop3A_198 = arith.constant 1 : i32
        %parallel_loop3A_199 = arith.addi %parallel_loop3A_193, %parallel_loop3A_198 : i32
        %parallel_loop3A_200 = arith.index_cast %parallel_loop3A_199 : i32 to index
        %parallel_loop3A_201 = arith.constant 0 : index
        %parallel_loop3A_202 = tpu.vector_load %arg9[%parallel_loop3A_200, %parallel_loop3A_201] {strides = array<i32>} : memref<128x128xf32, #tpu.memory_space<vmem>>, vector<1x16xf32>,
        %parallel_loop3A_203 = vector.shape_cast %parallel_loop3A_202 : vector<1x16xf32> to vector<16xf32>
        %parallel_loop3A_204 = arith.addf %parallel_loop3A_197, %parallel_loop3A_203 : vector<16xf32>
        %parallel_loop3A_205 = arith.constant 2 : i32
        %parallel_loop3A_206 = arith.addi %parallel_loop3A_193, %parallel_loop3A_205 : i32
        %parallel_loop3A_207 = arith.index_cast %parallel_loop3A_206 : i32 to index
        %parallel_loop3A_208 = arith.constant 0 : index
        %parallel_loop3A_209 = tpu.vector_load %arg9[%parallel_loop3A_207, %parallel_loop3A_208] {strides = array<i32>} : memref<128x128xf32, #tpu.memory_space<vmem>>, vector<1x16xf32>,
        %parallel_loop3A_210 = vector.shape_cast %parallel_loop3A_209 : vector<1x16xf32> to vector<16xf32>
        %parallel_loop3A_211 = arith.addf %parallel_loop3A_204, %parallel_loop3A_210 : vector<16xf32>
        %parallel_loop3A_212 = arith.constant 3 : i32
        %parallel_loop3A_213 = arith.addi %parallel_loop3A_193, %parallel_loop3A_212 : i32
        %parallel_loop3A_214 = arith.index_cast %parallel_loop3A_213 : i32 to index
        %parallel_loop3A_215 = arith.constant 0 : index
        %parallel_loop3A_216 = tpu.vector_load %arg9[%parallel_loop3A_214, %parallel_loop3A_215] {strides = array<i32>} : memref<128x128xf32, #tpu.memory_space<vmem>>, vector<1x16xf32>,
        %parallel_loop3A_217 = vector.shape_cast %parallel_loop3A_216 : vector<1x16xf32> to vector<16xf32>
        %parallel_loop3A_218 = arith.addf %parallel_loop3A_211, %parallel_loop3A_217 : vector<16xf32>
        %parallel_loop3A_219 = arith.index_cast %parallel_loop3A_191 : i32 to index
        %parallel_loop3A_220 = arith.constant 0 : index
        %parallel_loop3A_221 = tpu.vector_load %arg13[%parallel_loop3A_219, %parallel_loop3A_220] {strides = array<i32>} : memref<32x128xf32, #tpu.memory_space<vmem>>, vector<1x16xf32>,
        %parallel_loop3A_222 = vector.shape_cast %parallel_loop3A_221 : vector<1x16xf32> to vector<16xf32>
        %parallel_loop3A_223 = vector.shape_cast %parallel_loop3A_218 : vector<16xf32> to vector<1x16xf32>
        tpu.vector_store %arg13[%parallel_loop3A_219, %parallel_loop3A_220], %parallel_loop3A_223 {strides = array<i32>} : memref<32x128xf32, #tpu.memory_space<vmem>>, vector<1x16xf32>,
        %parallel_loop3A_224 = arith.index_cast %parallel_loop3A_193 : i32 to index
        %parallel_loop3A_225 = arith.constant 16 : index
        %parallel_loop3A_226 = tpu.vector_load %arg9[%parallel_loop3A_224, %parallel_loop3A_225] {strides = array<i32>} : memref<128x128xf32, #tpu.memory_space<vmem>>, vector<1x16xf32>,
        %parallel_loop3A_227 = vector.shape_cast %parallel_loop3A_226 : vector<1x16xf32> to vector<16xf32>
        %parallel_loop3A_228 = arith.constant 1 : i32
        %parallel_loop3A_229 = arith.addi %parallel_loop3A_193, %parallel_loop3A_228 : i32
        %parallel_loop3A_230 = arith.index_cast %parallel_loop3A_229 : i32 to index
        %parallel_loop3A_231 = arith.constant 16 : index
        %parallel_loop3A_232 = tpu.vector_load %arg9[%parallel_loop3A_230, %parallel_loop3A_231] {strides = array<i32>} : memref<128x128xf32, #tpu.memory_space<vmem>>, vector<1x16xf32>,
        %parallel_loop3A_233 = vector.shape_cast %parallel_loop3A_232 : vector<1x16xf32> to vector<16xf32>
        %parallel_loop3A_234 = arith.addf %parallel_loop3A_227, %parallel_loop3A_233 : vector<16xf32>
        %parallel_loop3A_235 = arith.constant 2 : i32
        %parallel_loop3A_236 = arith.addi %parallel_loop3A_193, %parallel_loop3A_235 : i32
        %parallel_loop3A_237 = arith.index_cast %parallel_loop3A_236 : i32 to index
        %parallel_loop3A_238 = arith.constant 16 : index
        %parallel_loop3A_239 = tpu.vector_load %arg9[%parallel_loop3A_237, %parallel_loop3A_238] {strides = array<i32>} : memref<128x128xf32, #tpu.memory_space<vmem>>, vector<1x16xf32>,
        %parallel_loop3A_240 = vector.shape_cast %parallel_loop3A_239 : vector<1x16xf32> to vector<16xf32>
        %parallel_loop3A_241 = arith.addf %parallel_loop3A_234, %parallel_loop3A_240 : vector<16xf32>
        %parallel_loop3A_242 = arith.constant 3 : i32
        %parallel_loop3A_243 = arith.addi %parallel_loop3A_193, %parallel_loop3A_242 : i32
        %parallel_loop3A_244 = arith.index_cast %parallel_loop3A_243 : i32 to index
        %parallel_loop3A_245 = arith.constant 16 : index
        %parallel_loop3A_246 = tpu.vector_load %arg9[%parallel_loop3A_244, %parallel_loop3A_245] {strides = array<i32>} : memref<128x128xf32, #tpu.memory_space<vmem>>, vector<1x16xf32>,
        %parallel_loop3A_247 = vector.shape_cast %parallel_loop3A_246 : vector<1x16xf32> to vector<16xf32>
        %parallel_loop3A_248 = arith.addf %parallel_loop3A_241, %parallel_loop3A_247 : vector<16xf32>
        %parallel_loop3A_249 = arith.index_cast %parallel_loop3A_191 : i32 to index
        %parallel_loop3A_250 = arith.constant 16 : index
        %parallel_loop3A_251 = tpu.vector_load %arg13[%parallel_loop3A_249, %parallel_loop3A_250] {strides = array<i32>} : memref<32x128xf32, #tpu.memory_space<vmem>>, vector<1x16xf32>,
        %parallel_loop3A_252 = vector.shape_cast %parallel_loop3A_251 : vector<1x16xf32> to vector<16xf32>
        %parallel_loop3A_253 = vector.shape_cast %parallel_loop3A_248 : vector<16xf32> to vector<1x16xf32>
        tpu.vector_store %arg13[%parallel_loop3A_249, %parallel_loop3A_250], %parallel_loop3A_253 {strides = array<i32>} : memref<32x128xf32, #tpu.memory_space<vmem>>, vector<1x16xf32>,
        %parallel_loop3A_254 = arith.index_cast %parallel_loop3A_193 : i32 to index
        %parallel_loop3A_255 = arith.constant 32 : index
        %parallel_loop3A_256 = tpu.vector_load %arg9[%parallel_loop3A_254, %parallel_loop3A_255] {strides = array<i32>} : memref<128x128xf32, #tpu.memory_space<vmem>>, vector<1x16xf32>,
        %parallel_loop3A_257 = vector.shape_cast %parallel_loop3A_256 : vector<1x16xf32> to vector<16xf32>
        %parallel_loop3A_258 = arith.constant 1 : i32
        %parallel_loop3A_259 = arith.addi %parallel_loop3A_193, %parallel_loop3A_258 : i32
        %parallel_loop3A_260 = arith.index_cast %parallel_loop3A_259 : i32 to index
        %parallel_loop3A_261 = arith.constant 32 : index
        %parallel_loop3A_262 = tpu.vector_load %arg9[%parallel_loop3A_260, %parallel_loop3A_261] {strides = array<i32>} : memref<128x128xf32, #tpu.memory_space<vmem>>, vector<1x16xf32>,
        %parallel_loop3A_263 = vector.shape_cast %parallel_loop3A_262 : vector<1x16xf32> to vector<16xf32>
        %parallel_loop3A_264 = arith.addf %parallel_loop3A_257, %parallel_loop3A_263 : vector<16xf32>
        %parallel_loop3A_265 = arith.constant 2 : i32
        %parallel_loop3A_266 = arith.addi %parallel_loop3A_193, %parallel_loop3A_265 : i32
        %parallel_loop3A_267 = arith.index_cast %parallel_loop3A_266 : i32 to index
        %parallel_loop3A_268 = arith.constant 32 : index
        %parallel_loop3A_269 = tpu.vector_load %arg9[%parallel_loop3A_267, %parallel_loop3A_268] {strides = array<i32>} : memref<128x128xf32, #tpu.memory_space<vmem>>, vector<1x16xf32>,
        %parallel_loop3A_270 = vector.shape_cast %parallel_loop3A_269 : vector<1x16xf32> to vector<16xf32>
        %parallel_loop3A_271 = arith.addf %parallel_loop3A_264, %parallel_loop3A_270 : vector<16xf32>
        %parallel_loop3A_272 = arith.constant 3 : i32
        %parallel_loop3A_273 = arith.addi %parallel_loop3A_193, %parallel_loop3A_272 : i32
        %parallel_loop3A_274 = arith.index_cast %parallel_loop3A_273 : i32 to index
        %parallel_loop3A_275 = arith.constant 32 : index
        %parallel_loop3A_276 = tpu.vector_load %arg9[%parallel_loop3A_274, %parallel_loop3A_275] {strides = array<i32>} : memref<128x128xf32, #tpu.memory_space<vmem>>, vector<1x16xf32>,
        %parallel_loop3A_277 = vector.shape_cast %parallel_loop3A_276 : vector<1x16xf32> to vector<16xf32>
        %parallel_loop3A_278 = arith.addf %parallel_loop3A_271, %parallel_loop3A_277 : vector<16xf32>
        %parallel_loop3A_279 = arith.index_cast %parallel_loop3A_191 : i32 to index
        %parallel_loop3A_280 = arith.constant 32 : index
        %parallel_loop3A_281 = tpu.vector_load %arg13[%parallel_loop3A_279, %parallel_loop3A_280] {strides = array<i32>} : memref<32x128xf32, #tpu.memory_space<vmem>>, vector<1x16xf32>,
        %parallel_loop3A_282 = vector.shape_cast %parallel_loop3A_281 : vector<1x16xf32> to vector<16xf32>
        %parallel_loop3A_283 = vector.shape_cast %parallel_loop3A_278 : vector<16xf32> to vector<1x16xf32>
        tpu.vector_store %arg13[%parallel_loop3A_279, %parallel_loop3A_280], %parallel_loop3A_283 {strides = array<i32>} : memref<32x128xf32, #tpu.memory_space<vmem>>, vector<1x16xf32>,
        %parallel_loop3A_284 = arith.index_cast %parallel_loop3A_193 : i32 to index
        %parallel_loop3A_285 = arith.constant 48 : index
        %parallel_loop3A_286 = tpu.vector_load %arg9[%parallel_loop3A_284, %parallel_loop3A_285] {strides = array<i32>} : memref<128x128xf32, #tpu.memory_space<vmem>>, vector<1x16xf32>,
        %parallel_loop3A_287 = vector.shape_cast %parallel_loop3A_286 : vector<1x16xf32> to vector<16xf32>
        %parallel_loop3A_288 = arith.constant 1 : i32
        %parallel_loop3A_289 = arith.addi %parallel_loop3A_193, %parallel_loop3A_288 : i32
        %parallel_loop3A_290 = arith.index_cast %parallel_loop3A_289 : i32 to index
        %parallel_loop3A_291 = arith.constant 48 : index
        %parallel_loop3A_292 = tpu.vector_load %arg9[%parallel_loop3A_290, %parallel_loop3A_291] {strides = array<i32>} : memref<128x128xf32, #tpu.memory_space<vmem>>, vector<1x16xf32>,
        %parallel_loop3A_293 = vector.shape_cast %parallel_loop3A_292 : vector<1x16xf32> to vector<16xf32>
        %parallel_loop3A_294 = arith.addf %parallel_loop3A_287, %parallel_loop3A_293 : vector<16xf32>
        %parallel_loop3A_295 = arith.constant 2 : i32
        %parallel_loop3A_296 = arith.addi %parallel_loop3A_193, %parallel_loop3A_295 : i32
        %parallel_loop3A_297 = arith.index_cast %parallel_loop3A_296 : i32 to index
        %parallel_loop3A_298 = arith.constant 48 : index
        %parallel_loop3A_299 = tpu.vector_load %arg9[%parallel_loop3A_297, %parallel_loop3A_298] {strides = array<i32>} : memref<128x128xf32, #tpu.memory_space<vmem>>, vector<1x16xf32>,
        %parallel_loop3A_300 = vector.shape_cast %parallel_loop3A_299 : vector<1x16xf32> to vector<16xf32>
        %parallel_loop3A_301 = arith.addf %parallel_loop3A_294, %parallel_loop3A_300 : vector<16xf32>
        %parallel_loop3A_302 = arith.constant 3 : i32
        %parallel_loop3A_303 = arith.addi %parallel_loop3A_193, %parallel_loop3A_302 : i32
        %parallel_loop3A_304 = arith.index_cast %parallel_loop3A_303 : i32 to index
        %parallel_loop3A_305 = arith.constant 48 : index
        %parallel_loop3A_306 = tpu.vector_load %arg9[%parallel_loop3A_304, %parallel_loop3A_305] {strides = array<i32>} : memref<128x128xf32, #tpu.memory_space<vmem>>, vector<1x16xf32>,
        %parallel_loop3A_307 = vector.shape_cast %parallel_loop3A_306 : vector<1x16xf32> to vector<16xf32>
        %parallel_loop3A_308 = arith.addf %parallel_loop3A_301, %parallel_loop3A_307 : vector<16xf32>
        %parallel_loop3A_309 = arith.index_cast %parallel_loop3A_191 : i32 to index
        %parallel_loop3A_310 = arith.constant 48 : index
        %parallel_loop3A_311 = tpu.vector_load %arg13[%parallel_loop3A_309, %parallel_loop3A_310] {strides = array<i32>} : memref<32x128xf32, #tpu.memory_space<vmem>>, vector<1x16xf32>,
        %parallel_loop3A_312 = vector.shape_cast %parallel_loop3A_311 : vector<1x16xf32> to vector<16xf32>
        %parallel_loop3A_313 = vector.shape_cast %parallel_loop3A_308 : vector<16xf32> to vector<1x16xf32>
        tpu.vector_store %arg13[%parallel_loop3A_309, %parallel_loop3A_310], %parallel_loop3A_313 {strides = array<i32>} : memref<32x128xf32, #tpu.memory_space<vmem>>, vector<1x16xf32>,
        %parallel_loop3A_314 = arith.index_cast %parallel_loop3A_193 : i32 to index
        %parallel_loop3A_315 = arith.constant 64 : index
        %parallel_loop3A_316 = tpu.vector_load %arg9[%parallel_loop3A_314, %parallel_loop3A_315] {strides = array<i32>} : memref<128x128xf32, #tpu.memory_space<vmem>>, vector<1x16xf32>,
        %parallel_loop3A_317 = vector.shape_cast %parallel_loop3A_316 : vector<1x16xf32> to vector<16xf32>
        %parallel_loop3A_318 = arith.constant 1 : i32
        %parallel_loop3A_319 = arith.addi %parallel_loop3A_193, %parallel_loop3A_318 : i32
        %parallel_loop3A_320 = arith.index_cast %parallel_loop3A_319 : i32 to index
        %parallel_loop3A_321 = arith.constant 64 : index
        %parallel_loop3A_322 = tpu.vector_load %arg9[%parallel_loop3A_320, %parallel_loop3A_321] {strides = array<i32>} : memref<128x128xf32, #tpu.memory_space<vmem>>, vector<1x16xf32>,
        %parallel_loop3A_323 = vector.shape_cast %parallel_loop3A_322 : vector<1x16xf32> to vector<16xf32>
        %parallel_loop3A_324 = arith.addf %parallel_loop3A_317, %parallel_loop3A_323 : vector<16xf32>
        %parallel_loop3A_325 = arith.constant 2 : i32
        %parallel_loop3A_326 = arith.addi %parallel_loop3A_193, %parallel_loop3A_325 : i32
        %parallel_loop3A_327 = arith.index_cast %parallel_loop3A_326 : i32 to index
        %parallel_loop3A_328 = arith.constant 64 : index
        %parallel_loop3A_329 = tpu.vector_load %arg9[%parallel_loop3A_327, %parallel_loop3A_328] {strides = array<i32>} : memref<128x128xf32, #tpu.memory_space<vmem>>, vector<1x16xf32>,
        %parallel_loop3A_330 = vector.shape_cast %parallel_loop3A_329 : vector<1x16xf32> to vector<16xf32>
        %parallel_loop3A_331 = arith.addf %parallel_loop3A_324, %parallel_loop3A_330 : vector<16xf32>
        %parallel_loop3A_332 = arith.constant 3 : i32
        %parallel_loop3A_333 = arith.addi %parallel_loop3A_193, %parallel_loop3A_332 : i32
        %parallel_loop3A_334 = arith.index_cast %parallel_loop3A_333 : i32 to index
        %parallel_loop3A_335 = arith.constant 64 : index
        %parallel_loop3A_336 = tpu.vector_load %arg9[%parallel_loop3A_334, %parallel_loop3A_335] {strides = array<i32>} : memref<128x128xf32, #tpu.memory_space<vmem>>, vector<1x16xf32>,
        %parallel_loop3A_337 = vector.shape_cast %parallel_loop3A_336 : vector<1x16xf32> to vector<16xf32>
        %parallel_loop3A_338 = arith.addf %parallel_loop3A_331, %parallel_loop3A_337 : vector<16xf32>
        %parallel_loop3A_339 = arith.index_cast %parallel_loop3A_191 : i32 to index
        %parallel_loop3A_340 = arith.constant 64 : index
        %parallel_loop3A_341 = tpu.vector_load %arg13[%parallel_loop3A_339, %parallel_loop3A_340] {strides = array<i32>} : memref<32x128xf32, #tpu.memory_space<vmem>>, vector<1x16xf32>,
        %parallel_loop3A_342 = vector.shape_cast %parallel_loop3A_341 : vector<1x16xf32> to vector<16xf32>
        %parallel_loop3A_343 = vector.shape_cast %parallel_loop3A_338 : vector<16xf32> to vector<1x16xf32>
        tpu.vector_store %arg13[%parallel_loop3A_339, %parallel_loop3A_340], %parallel_loop3A_343 {strides = array<i32>} : memref<32x128xf32, #tpu.memory_space<vmem>>, vector<1x16xf32>,
        %parallel_loop3A_344 = arith.index_cast %parallel_loop3A_193 : i32 to index
        %parallel_loop3A_345 = arith.constant 80 : index
        %parallel_loop3A_346 = tpu.vector_load %arg9[%parallel_loop3A_344, %parallel_loop3A_345] {strides = array<i32>} : memref<128x128xf32, #tpu.memory_space<vmem>>, vector<1x16xf32>,
        %parallel_loop3A_347 = vector.shape_cast %parallel_loop3A_346 : vector<1x16xf32> to vector<16xf32>
        %parallel_loop3A_348 = arith.constant 1 : i32
        %parallel_loop3A_349 = arith.addi %parallel_loop3A_193, %parallel_loop3A_348 : i32
        %parallel_loop3A_350 = arith.index_cast %parallel_loop3A_349 : i32 to index
        %parallel_loop3A_351 = arith.constant 80 : index
        %parallel_loop3A_352 = tpu.vector_load %arg9[%parallel_loop3A_350, %parallel_loop3A_351] {strides = array<i32>} : memref<128x128xf32, #tpu.memory_space<vmem>>, vector<1x16xf32>,
        %parallel_loop3A_353 = vector.shape_cast %parallel_loop3A_352 : vector<1x16xf32> to vector<16xf32>
        %parallel_loop3A_354 = arith.addf %parallel_loop3A_347, %parallel_loop3A_353 : vector<16xf32>
        %parallel_loop3A_355 = arith.constant 2 : i32
        %parallel_loop3A_356 = arith.addi %parallel_loop3A_193, %parallel_loop3A_355 : i32
        %parallel_loop3A_357 = arith.index_cast %parallel_loop3A_356 : i32 to index
        %parallel_loop3A_358 = arith.constant 80 : index
        %parallel_loop3A_359 = tpu.vector_load %arg9[%parallel_loop3A_357, %parallel_loop3A_358] {strides = array<i32>} : memref<128x128xf32, #tpu.memory_space<vmem>>, vector<1x16xf32>,
        %parallel_loop3A_360 = vector.shape_cast %parallel_loop3A_359 : vector<1x16xf32> to vector<16xf32>
        %parallel_loop3A_361 = arith.addf %parallel_loop3A_354, %parallel_loop3A_360 : vector<16xf32>
        %parallel_loop3A_362 = arith.constant 3 : i32
        %parallel_loop3A_363 = arith.addi %parallel_loop3A_193, %parallel_loop3A_362 : i32
        %parallel_loop3A_364 = arith.index_cast %parallel_loop3A_363 : i32 to index
        %parallel_loop3A_365 = arith.constant 80 : index
        %parallel_loop3A_366 = tpu.vector_load %arg9[%parallel_loop3A_364, %parallel_loop3A_365] {strides = array<i32>} : memref<128x128xf32, #tpu.memory_space<vmem>>, vector<1x16xf32>,
        %parallel_loop3A_367 = vector.shape_cast %parallel_loop3A_366 : vector<1x16xf32> to vector<16xf32>
        %parallel_loop3A_368 = arith.addf %parallel_loop3A_361, %parallel_loop3A_367 : vector<16xf32>
        %parallel_loop3A_369 = arith.index_cast %parallel_loop3A_191 : i32 to index
        %parallel_loop3A_370 = arith.constant 80 : index
        %parallel_loop3A_371 = tpu.vector_load %arg13[%parallel_loop3A_369, %parallel_loop3A_370] {strides = array<i32>} : memref<32x128xf32, #tpu.memory_space<vmem>>, vector<1x16xf32>,
        %parallel_loop3A_372 = vector.shape_cast %parallel_loop3A_371 : vector<1x16xf32> to vector<16xf32>
        %parallel_loop3A_373 = vector.shape_cast %parallel_loop3A_368 : vector<16xf32> to vector<1x16xf32>
        tpu.vector_store %arg13[%parallel_loop3A_369, %parallel_loop3A_370], %parallel_loop3A_373 {strides = array<i32>} : memref<32x128xf32, #tpu.memory_space<vmem>>, vector<1x16xf32>,
        %parallel_loop3A_374 = arith.index_cast %parallel_loop3A_193 : i32 to index
        %parallel_loop3A_375 = arith.constant 96 : index
        %parallel_loop3A_376 = tpu.vector_load %arg9[%parallel_loop3A_374, %parallel_loop3A_375] {strides = array<i32>} : memref<128x128xf32, #tpu.memory_space<vmem>>, vector<1x16xf32>,
        %parallel_loop3A_377 = vector.shape_cast %parallel_loop3A_376 : vector<1x16xf32> to vector<16xf32>
        %parallel_loop3A_378 = arith.constant 1 : i32
        %parallel_loop3A_379 = arith.addi %parallel_loop3A_193, %parallel_loop3A_378 : i32
        %parallel_loop3A_380 = arith.index_cast %parallel_loop3A_379 : i32 to index
        %parallel_loop3A_381 = arith.constant 96 : index
        %parallel_loop3A_382 = tpu.vector_load %arg9[%parallel_loop3A_380, %parallel_loop3A_381] {strides = array<i32>} : memref<128x128xf32, #tpu.memory_space<vmem>>, vector<1x16xf32>,
        %parallel_loop3A_383 = vector.shape_cast %parallel_loop3A_382 : vector<1x16xf32> to vector<16xf32>
        %parallel_loop3A_384 = arith.addf %parallel_loop3A_377, %parallel_loop3A_383 : vector<16xf32>
        %parallel_loop3A_385 = arith.constant 2 : i32
        %parallel_loop3A_386 = arith.addi %parallel_loop3A_193, %parallel_loop3A_385 : i32
        %parallel_loop3A_387 = arith.index_cast %parallel_loop3A_386 : i32 to index
        %parallel_loop3A_388 = arith.constant 96 : index
        %parallel_loop3A_389 = tpu.vector_load %arg9[%parallel_loop3A_387, %parallel_loop3A_388] {strides = array<i32>} : memref<128x128xf32, #tpu.memory_space<vmem>>, vector<1x16xf32>,
        %parallel_loop3A_390 = vector.shape_cast %parallel_loop3A_389 : vector<1x16xf32> to vector<16xf32>
        %parallel_loop3A_391 = arith.addf %parallel_loop3A_384, %parallel_loop3A_390 : vector<16xf32>
        %parallel_loop3A_392 = arith.constant 3 : i32
        %parallel_loop3A_393 = arith.addi %parallel_loop3A_193, %parallel_loop3A_392 : i32
        %parallel_loop3A_394 = arith.index_cast %parallel_loop3A_393 : i32 to index
        %parallel_loop3A_395 = arith.constant 96 : index
        %parallel_loop3A_396 = tpu.vector_load %arg9[%parallel_loop3A_394, %parallel_loop3A_395] {strides = array<i32>} : memref<128x128xf32, #tpu.memory_space<vmem>>, vector<1x16xf32>,
        %parallel_loop3A_397 = vector.shape_cast %parallel_loop3A_396 : vector<1x16xf32> to vector<16xf32>
        %parallel_loop3A_398 = arith.addf %parallel_loop3A_391, %parallel_loop3A_397 : vector<16xf32>
        %parallel_loop3A_399 = arith.index_cast %parallel_loop3A_191 : i32 to index
        %parallel_loop3A_400 = arith.constant 96 : index
        %parallel_loop3A_401 = tpu.vector_load %arg13[%parallel_loop3A_399, %parallel_loop3A_400] {strides = array<i32>} : memref<32x128xf32, #tpu.memory_space<vmem>>, vector<1x16xf32>,
        %parallel_loop3A_402 = vector.shape_cast %parallel_loop3A_401 : vector<1x16xf32> to vector<16xf32>
        %parallel_loop3A_403 = vector.shape_cast %parallel_loop3A_398 : vector<16xf32> to vector<1x16xf32>
        tpu.vector_store %arg13[%parallel_loop3A_399, %parallel_loop3A_400], %parallel_loop3A_403 {strides = array<i32>} : memref<32x128xf32, #tpu.memory_space<vmem>>, vector<1x16xf32>,
        %parallel_loop3A_404 = arith.index_cast %parallel_loop3A_193 : i32 to index
        %parallel_loop3A_405 = arith.constant 112 : index
        %parallel_loop3A_406 = tpu.vector_load %arg9[%parallel_loop3A_404, %parallel_loop3A_405] {strides = array<i32>} : memref<128x128xf32, #tpu.memory_space<vmem>>, vector<1x16xf32>,
        %parallel_loop3A_407 = vector.shape_cast %parallel_loop3A_406 : vector<1x16xf32> to vector<16xf32>
        %parallel_loop3A_408 = arith.constant 1 : i32
        %parallel_loop3A_409 = arith.addi %parallel_loop3A_193, %parallel_loop3A_408 : i32
        %parallel_loop3A_410 = arith.index_cast %parallel_loop3A_409 : i32 to index
        %parallel_loop3A_411 = arith.constant 112 : index
        %parallel_loop3A_412 = tpu.vector_load %arg9[%parallel_loop3A_410, %parallel_loop3A_411] {strides = array<i32>} : memref<128x128xf32, #tpu.memory_space<vmem>>, vector<1x16xf32>,
        %parallel_loop3A_413 = vector.shape_cast %parallel_loop3A_412 : vector<1x16xf32> to vector<16xf32>
        %parallel_loop3A_414 = arith.addf %parallel_loop3A_407, %parallel_loop3A_413 : vector<16xf32>
        %parallel_loop3A_415 = arith.constant 2 : i32
        %parallel_loop3A_416 = arith.addi %parallel_loop3A_193, %parallel_loop3A_415 : i32
        %parallel_loop3A_417 = arith.index_cast %parallel_loop3A_416 : i32 to index
        %parallel_loop3A_418 = arith.constant 112 : index
        %parallel_loop3A_419 = tpu.vector_load %arg9[%parallel_loop3A_417, %parallel_loop3A_418] {strides = array<i32>} : memref<128x128xf32, #tpu.memory_space<vmem>>, vector<1x16xf32>,
        %parallel_loop3A_420 = vector.shape_cast %parallel_loop3A_419 : vector<1x16xf32> to vector<16xf32>
        %parallel_loop3A_421 = arith.addf %parallel_loop3A_414, %parallel_loop3A_420 : vector<16xf32>
        %parallel_loop3A_422 = arith.constant 3 : i32
        %parallel_loop3A_423 = arith.addi %parallel_loop3A_193, %parallel_loop3A_422 : i32
        %parallel_loop3A_424 = arith.index_cast %parallel_loop3A_423 : i32 to index
        %parallel_loop3A_425 = arith.constant 112 : index
        %parallel_loop3A_426 = tpu.vector_load %arg9[%parallel_loop3A_424, %parallel_loop3A_425] {strides = array<i32>} : memref<128x128xf32, #tpu.memory_space<vmem>>, vector<1x16xf32>,
        %parallel_loop3A_427 = vector.shape_cast %parallel_loop3A_426 : vector<1x16xf32> to vector<16xf32>
        %parallel_loop3A_428 = arith.addf %parallel_loop3A_421, %parallel_loop3A_427 : vector<16xf32>
        %parallel_loop3A_429 = arith.index_cast %parallel_loop3A_191 : i32 to index
        %parallel_loop3A_430 = arith.constant 112 : index
        %parallel_loop3A_431 = tpu.vector_load %arg13[%parallel_loop3A_429, %parallel_loop3A_430] {strides = array<i32>} : memref<32x128xf32, #tpu.memory_space<vmem>>, vector<1x16xf32>,
        %parallel_loop3A_432 = vector.shape_cast %parallel_loop3A_431 : vector<1x16xf32> to vector<16xf32>
        %parallel_loop3A_433 = vector.shape_cast %parallel_loop3A_428 : vector<16xf32> to vector<1x16xf32>
        tpu.vector_store %arg13[%parallel_loop3A_429, %parallel_loop3A_430], %parallel_loop3A_433 {strides = array<i32>} : memref<32x128xf32, #tpu.memory_space<vmem>>, vector<1x16xf32>,
      } {sc.loop_unroll_factor = 8 : i64, sc.parallel_access}
      %add3A_183 = arith.addi %mul3A_2, %add3A_157 : i32
      %mul3A_184 = arith.constant 32 : i32
      %mul3A_185 = arith.muli %add3A_183, %mul3A_184 : i32
      %dma_start3A_186 = arith.constant 0 : i32
      %dma_start3A_187 = tpu.memref_slice %arg4[%mul3A_185, %dma_start3A_186] : memref<151552x128xf32, #tpu.memory_space<hbm>> -> memref<32x128xf32, #tpu.memory_space<hbm>>
      %dma_start3A_188 = arith.constant 0 : i32
      %dma_start3A_189 = tpu.memref_slice %arg4[%mul3A_185, %dma_start3A_188] : memref<151552x128xf32, #tpu.memory_space<hbm>> -> memref<32x128xf32, #tpu.memory_space<hbm>>
      tpu.enqueue_dma source(%arg13 : memref<32x128xf32, #tpu.memory_space<vmem>>) target(%dma_start3A_189 : memref<32x128xf32, #tpu.memory_space<hbm>>) target_semaphore(%arg21 : memref<!tpu.dma_semaphore, #tpu.memory_space<semaphore_mem>>)
      %scan3A_190 = arith.constant 0 : i32
      scf.yield %scan3A_190 : i32
    }
    %scan3A_26 = arith.constant 37 : i32
    %dma_wait3A = arith.constant 0 : i32
    %dma_wait3A_27 = arith.constant 0 : i32
    %dma_wait3A_28 = tpu.memref_slice %arg4[%dma_wait3A, %dma_wait3A_27] : memref<151552x128xf32, #tpu.memory_space<hbm>> -> memref<32x128xf32, #tpu.memory_space<hbm>>
    %dma_wait3A_29 = arith.constant 0 : i32
    %dma_wait3A_30 = arith.constant 0 : i32
    %dma_wait3A_31 = tpu.memref_slice %arg4[%dma_wait3A_29, %dma_wait3A_30] : memref<151552x128xf32, #tpu.memory_space<hbm>> -> memref<32x128xf32, #tpu.memory_space<hbm>>
    tpu.wait_dma2 semaphore(%arg18 : memref<!tpu.dma_semaphore, #tpu.memory_space<semaphore_mem>>) src(%arg10 : memref<32x128xf32, #tpu.memory_space<vmem>>) dst(%dma_wait3A_31 : memref<32x128xf32, #tpu.memory_space<hbm>>)
    %dma_wait3A_32 = arith.constant 0 : i32
    %dma_wait3A_33 = arith.constant 0 : i32
    %dma_wait3A_34 = tpu.memref_slice %arg4[%dma_wait3A_32, %dma_wait3A_33] : memref<151552x128xf32, #tpu.memory_space<hbm>> -> memref<32x128xf32, #tpu.memory_space<hbm>>
    %dma_wait3A_35 = arith.constant 0 : i32
    %dma_wait3A_36 = arith.constant 0 : i32
    %dma_wait3A_37 = tpu.memref_slice %arg4[%dma_wait3A_35, %dma_wait3A_36] : memref<151552x128xf32, #tpu.memory_space<hbm>> -> memref<32x128xf32, #tpu.memory_space<hbm>>
    tpu.wait_dma2 semaphore(%arg19 : memref<!tpu.dma_semaphore, #tpu.memory_space<semaphore_mem>>) src(%arg11 : memref<32x128xf32, #tpu.memory_space<vmem>>) dst(%dma_wait3A_37 : memref<32x128xf32, #tpu.memory_space<hbm>>)
    %dma_wait3A_38 = arith.constant 0 : i32
    %dma_wait3A_39 = arith.constant 0 : i32
    %dma_wait3A_40 = tpu.memref_slice %arg4[%dma_wait3A_38, %dma_wait3A_39] : memref<151552x128xf32, #tpu.memory_space<hbm>> -> memref<32x128xf32, #tpu.memory_space<hbm>>
    %dma_wait3A_41 = arith.constant 0 : i32
    %dma_wait3A_42 = arith.constant 0 : i32
    %dma_wait3A_43 = tpu.memref_slice %arg4[%dma_wait3A_41, %dma_wait3A_42] : memref<151552x128xf32, #tpu.memory_space<hbm>> -> memref<32x128xf32, #tpu.memory_space<hbm>>
    tpu.wait_dma2 semaphore(%arg20 : memref<!tpu.dma_semaphore, #tpu.memory_space<semaphore_mem>>) src(%arg12 : memref<32x128xf32, #tpu.memory_space<vmem>>) dst(%dma_wait3A_43 : memref<32x128xf32, #tpu.memory_space<hbm>>)
    %dma_wait3A_44 = arith.constant 0 : i32
    %dma_wait3A_45 = arith.constant 0 : i32
    %dma_wait3A_46 = tpu.memref_slice %arg4[%dma_wait3A_44, %dma_wait3A_45] : memref<151552x128xf32, #tpu.memory_space<hbm>> -> memref<32x128xf32, #tpu.memory_space<hbm>>
    %dma_wait3A_47 = arith.constant 0 : i32
    %dma_wait3A_48 = arith.constant 0 : i32
    %dma_wait3A_49 = tpu.memref_slice %arg4[%dma_wait3A_47, %dma_wait3A_48] : memref<151552x128xf32, #tpu.memory_space<hbm>> -> memref<32x128xf32, #tpu.memory_space<hbm>>
    tpu.wait_dma2 semaphore(%arg21 : memref<!tpu.dma_semaphore, #tpu.memory_space<semaphore_mem>>) src(%arg13 : memref<32x128xf32, #tpu.memory_space<vmem>>) dst(%dma_wait3A_49 : memref<32x128xf32, #tpu.memory_space<hbm>>)
    return
  }
}

module attributes {stable_mosaic.version = 14 : i64} {
  func.func @_node_kernel(%arg0: i32, %arg1: memref<5000x6xf32, #tpu.memory_space<vmem>>, %arg2: memref<5000x1xf32, #tpu.memory_space<vmem>>, %arg3: memref<3x128xf32, #tpu.memory_space<vmem>>, %arg4: memref<1x128xf32, #tpu.memory_space<vmem>>, %arg5: memref<128x128xf32, #tpu.memory_space<vmem>>, %arg6: memref<1x128xf32, #tpu.memory_space<vmem>>, %arg7: memref<1x128xf32, #tpu.memory_space<vmem>>, %arg8: memref<1x128xf32, #tpu.memory_space<vmem>>, %arg9: memref<5000x128xf32, #tpu.memory_space<vmem>>, %arg10: memref<1x1xf32, #tpu.memory_space<vmem>>) attributes {dimension_semantics = [#tpu.dimension_semantics<arbitrary>], iteration_bounds = array<i64: 10>, scalar_prefetch = 0 : i64, scratch_operands = 0 : i64, tpu.core_type = #tpu.core_type<tc>, window_params = [{transform_indices = @transform_0, window_bounds = array<i64: 5000, 6>}, {transform_indices = @transform_1, window_bounds = array<i64: 5000, 1>}, {pipeline_mode = #tpu.pipeline_mode<synchronous>, transform_indices = @transform_2, window_bounds = array<i64: 3, 128>}, {pipeline_mode = #tpu.pipeline_mode<synchronous>, transform_indices = @transform_3, window_bounds = array<i64: 1, 128>}, {pipeline_mode = #tpu.pipeline_mode<synchronous>, transform_indices = @transform_4, window_bounds = array<i64: 128, 128>}, {pipeline_mode = #tpu.pipeline_mode<synchronous>, transform_indices = @transform_5, window_bounds = array<i64: 1, 128>}, {pipeline_mode = #tpu.pipeline_mode<synchronous>, transform_indices = @transform_6, window_bounds = array<i64: 1, 128>}, {pipeline_mode = #tpu.pipeline_mode<synchronous>, transform_indices = @transform_7, window_bounds = array<i64: 1, 128>}, {transform_indices = @transform_8, window_bounds = array<i64: 5000, 128>}, {pipeline_mode = #tpu.pipeline_mode<synchronous>, transform_indices = @transform_9, window_bounds = array<i64: 1, 1>}]} {
    %get3A = arith.constant 0 : index
    %get3A_0 = arith.constant 0 : index
    %get3A_1 = vector.load %arg1[%get3A, %get3A_0] : memref<5000x6xf32, #tpu.memory_space<vmem>>, vector<5000x6xf32>
    %slice3A = vector.extract_strided_slice %get3A_1 {offsets = [0, 0], sizes = [5000, 3], strides = [1, 1]} : vector<5000x6xf32> to vector<5000x3xf32>
    %slice3A_2 = vector.extract_strided_slice %get3A_1 {offsets = [0, 3], sizes = [5000, 3], strides = [1, 1]} : vector<5000x6xf32> to vector<5000x3xf32>
    %get3A_3 = arith.constant 0 : index
    %get3A_4 = arith.constant 0 : index
    %get3A_5 = vector.load %arg2[%get3A_3, %get3A_4] : memref<5000x1xf32, #tpu.memory_space<vmem>>, vector<5000x1xf32>
    %get3A_6 = arith.constant 0 : index
    %get3A_7 = arith.constant 0 : index
    %get3A_8 = vector.load %arg3[%get3A_6, %get3A_7] : memref<3x128xf32, #tpu.memory_space<vmem>>, vector<3x128xf32>
    %slice3A_9 = vector.extract_strided_slice %slice3A {offsets = [0, 0], sizes = [5000, 1], strides = [1, 1]} : vector<5000x3xf32> to vector<5000x1xf32>
    %slice3A_10 = vector.extract_strided_slice %get3A_8 {offsets = [0, 0], sizes = [1, 128], strides = [1, 1]} : vector<3x128xf32> to vector<1x128xf32>
    %mul3A = vector.broadcast %slice3A_9 : vector<5000x1xf32> to vector<5000x128xf32>
    %mul3A_11 = vector.broadcast %slice3A_10 : vector<1x128xf32> to vector<5000x128xf32>
    %mul3A_12 = arith.mulf %mul3A, %mul3A_11 : vector<5000x128xf32>
    %slice3A_13 = vector.extract_strided_slice %slice3A {offsets = [0, 1], sizes = [5000, 1], strides = [1, 1]} : vector<5000x3xf32> to vector<5000x1xf32>
    %slice3A_14 = vector.extract_strided_slice %get3A_8 {offsets = [1, 0], sizes = [1, 128], strides = [1, 1]} : vector<3x128xf32> to vector<1x128xf32>
    %mul3A_15 = vector.broadcast %slice3A_13 : vector<5000x1xf32> to vector<5000x128xf32>
    %mul3A_16 = vector.broadcast %slice3A_14 : vector<1x128xf32> to vector<5000x128xf32>
    %mul3A_17 = arith.mulf %mul3A_15, %mul3A_16 : vector<5000x128xf32>
    %add3A = arith.addf %mul3A_12, %mul3A_17 : vector<5000x128xf32>
    %slice3A_18 = vector.extract_strided_slice %slice3A {offsets = [0, 2], sizes = [5000, 1], strides = [1, 1]} : vector<5000x3xf32> to vector<5000x1xf32>
    %slice3A_19 = vector.extract_strided_slice %get3A_8 {offsets = [2, 0], sizes = [1, 128], strides = [1, 1]} : vector<3x128xf32> to vector<1x128xf32>
    %mul3A_20 = vector.broadcast %slice3A_18 : vector<5000x1xf32> to vector<5000x128xf32>
    %mul3A_21 = vector.broadcast %slice3A_19 : vector<1x128xf32> to vector<5000x128xf32>
    %mul3A_22 = arith.mulf %mul3A_20, %mul3A_21 : vector<5000x128xf32>
    %add3A_23 = arith.addf %add3A, %mul3A_22 : vector<5000x128xf32>
    %get3A_24 = arith.constant 0 : index
    %get3A_25 = arith.constant 0 : index
    %get3A_26 = vector.load %arg4[%get3A_24, %get3A_25] : memref<1x128xf32, #tpu.memory_space<vmem>>, vector<1x128xf32>
    %add3A_27 = vector.broadcast %get3A_26 : vector<1x128xf32> to vector<5000x128xf32>
    %add3A_28 = arith.addf %add3A_23, %add3A_27 : vector<5000x128xf32>
    %max3A = arith.constant 0.000000e+00 : f32
    %max3A_29 = vector.broadcast %max3A : f32 to vector<5000x128xf32>
    %max3A_30 = arith.maximumf %add3A_28, %max3A_29 : vector<5000x128xf32>
    %get3A_31 = arith.constant 0 : index
    %get3A_32 = arith.constant 0 : index
    %get3A_33 = vector.load %arg5[%get3A_31, %get3A_32] : memref<128x128xf32, #tpu.memory_space<vmem>>, vector<128x128xf32>
    %dot_general3A = arith.constant dense<0.000000e+00> : vector<5000x128xf32>
    %dot_general3A_34 = tpu.matmul %max3A_30, %get3A_33, %dot_general3A {dimension_numbers = #tpu.dot_dimension_numbers<[1], [0], [0], [1], [0, 0, 1, 1], [], []>, transpose_lhs_hint = false} : vector<5000x128xf32>, vector<128x128xf32>, vector<5000x128xf32> -> vector<5000x128xf32>
    %get3A_35 = arith.constant 0 : index
    %get3A_36 = arith.constant 0 : index
    %get3A_37 = vector.load %arg6[%get3A_35, %get3A_36] : memref<1x128xf32, #tpu.memory_space<vmem>>, vector<1x128xf32>
    %add3A_38 = vector.broadcast %get3A_37 : vector<1x128xf32> to vector<5000x128xf32>
    %add3A_39 = arith.addf %dot_general3A_34, %add3A_38 : vector<5000x128xf32>
    %reduce_sum3A = arith.constant dense<0.000000e+00> : vector<5000xf32>
    %reduce_sum3A_40 = vector.multi_reduction <add>, %add3A_39, %reduce_sum3A [1] : vector<5000x128xf32> to vector<5000xf32>
    %broadcast_in_dim3A = vector.shape_cast %reduce_sum3A_40 : vector<5000xf32> to vector<5000x1xf32>
    %div3A = arith.constant 1.280000e+02 : f32
    %div3A_41 = vector.broadcast %div3A : f32 to vector<5000x1xf32>
    %div3A_42 = arith.divf %broadcast_in_dim3A, %div3A_41 : vector<5000x1xf32>
    %sub3A = vector.broadcast %div3A_42 : vector<5000x1xf32> to vector<5000x128xf32>
    %sub3A_43 = arith.subf %add3A_39, %sub3A : vector<5000x128xf32>
    %integer_pow3A = arith.mulf %sub3A_43, %sub3A_43 : vector<5000x128xf32>
    %reduce_sum3A_44 = arith.constant dense<0.000000e+00> : vector<5000xf32>
    %reduce_sum3A_45 = vector.multi_reduction <add>, %integer_pow3A, %reduce_sum3A_44 [1] : vector<5000x128xf32> to vector<5000xf32>
    %broadcast_in_dim3A_46 = vector.shape_cast %reduce_sum3A_45 : vector<5000xf32> to vector<5000x1xf32>
    %div3A_47 = arith.constant 1.280000e+02 : f32
    %div3A_48 = vector.broadcast %div3A_47 : f32 to vector<5000x1xf32>
    %div3A_49 = arith.divf %broadcast_in_dim3A_46, %div3A_48 : vector<5000x1xf32>
    %sub3A_50 = vector.broadcast %div3A_42 : vector<5000x1xf32> to vector<5000x128xf32>
    %sub3A_51 = arith.subf %add3A_39, %sub3A_50 : vector<5000x128xf32>
    %add3A_52 = arith.constant 9.99999974E-6 : f32
    %add3A_53 = vector.broadcast %add3A_52 : f32 to vector<5000x1xf32>
    %add3A_54 = arith.addf %div3A_49, %add3A_53 : vector<5000x1xf32>
    %sqrt3A = math.sqrt %add3A_54 : vector<5000x1xf32>
    %div3A_55 = vector.broadcast %sqrt3A : vector<5000x1xf32> to vector<5000x128xf32>
    %div3A_56 = arith.divf %sub3A_51, %div3A_55 : vector<5000x128xf32>
    %get3A_57 = arith.constant 0 : index
    %get3A_58 = arith.constant 0 : index
    %get3A_59 = vector.load %arg7[%get3A_57, %get3A_58] : memref<1x128xf32, #tpu.memory_space<vmem>>, vector<1x128xf32>
    %mul3A_60 = vector.broadcast %get3A_59 : vector<1x128xf32> to vector<5000x128xf32>
    %mul3A_61 = arith.mulf %div3A_56, %mul3A_60 : vector<5000x128xf32>
    %get3A_62 = arith.constant 0 : index
    %get3A_63 = arith.constant 0 : index
    %get3A_64 = vector.load %arg8[%get3A_62, %get3A_63] : memref<1x128xf32, #tpu.memory_space<vmem>>, vector<1x128xf32>
    %add3A_65 = vector.broadcast %get3A_64 : vector<1x128xf32> to vector<5000x128xf32>
    %add3A_66 = arith.addf %mul3A_61, %add3A_65 : vector<5000x128xf32>
    %swap3A = arith.constant 0 : index
    %swap3A_67 = arith.constant 0 : index
    %swap3A_68 = vector.load %arg9[%swap3A, %swap3A_67] : memref<5000x128xf32, #tpu.memory_space<vmem>>, vector<5000x128xf32>
    tpu.vector_store %arg9[%swap3A, %swap3A_67], %add3A_66 {strides = array<i32>} : memref<5000x128xf32, #tpu.memory_space<vmem>>, vector<5000x128xf32>,
    %mul3A_69 = arith.mulf %slice3A_2, %slice3A_2 : vector<5000x3xf32>
    %reduce_sum3A_70 = arith.constant dense<0.000000e+00> : vector<5000xf32>
    %reduce_sum3A_71 = vector.multi_reduction <add>, %mul3A_69, %reduce_sum3A_70 [1] : vector<5000x3xf32> to vector<5000xf32>
    %broadcast_in_dim3A_72 = vector.shape_cast %reduce_sum3A_71 : vector<5000xf32> to vector<5000x1xf32>
    %mul3A_73 = arith.mulf %get3A_5, %broadcast_in_dim3A_72 : vector<5000x1xf32>
    %reduce_sum3A_74 = vector.shape_cast %mul3A_73 : vector<5000x1xf32> to vector<1x5000x1xf32>
    %reduce_sum3A_75 = arith.constant dense<0.000000e+00> : vector<1xf32>
    %reduce_sum3A_76 = vector.multi_reduction <add>, %reduce_sum3A_74, %reduce_sum3A_75 [1, 2] : vector<1x5000x1xf32> to vector<1xf32>
    %reduce_sum3A_77 = vector.shape_cast %reduce_sum3A_76 : vector<1xf32> to vector<1x1x1xf32>
    %reduce_sum3A_78 = vector.extract %reduce_sum3A_77[0, 0, 0] : f32 from vector<1x1x1xf32>
    %broadcast_in_dim3A_79 = vector.broadcast %reduce_sum3A_78 : f32 to vector<1x1xf32>
    %mul3A_80 = arith.constant 5.000000e-01 : f32
    %mul3A_81 = vector.broadcast %mul3A_80 : f32 to vector<1x1xf32>
    %mul3A_82 = arith.mulf %mul3A_81, %broadcast_in_dim3A_79 : vector<1x1xf32>
    %eq3A = arith.constant 0 : i32
    %eq3A_83 = arith.cmpi eq, %arg0, %eq3A : i32
    %convert_element_type3A = arith.extui %eq3A_83 : i1 to i32
    %cond3A = arith.constant 0 : i32
    %cond3A_84 = arith.cmpi ne, %convert_element_type3A, %cond3A : i32
    scf.if %cond3A_84 {
      %broadcast_in_dim3A_92 = arith.constant 0.000000e+00 : f32
      %broadcast_in_dim3A_93 = vector.broadcast %broadcast_in_dim3A_92 : f32 to vector<1x1xf32>
      %swap3A_94 = arith.constant 0 : index
      %swap3A_95 = arith.constant 0 : index
      %swap3A_96 = vector.load %arg10[%swap3A_94, %swap3A_95] : memref<1x1xf32, #tpu.memory_space<vmem>>, vector<1x1xf32>
      tpu.vector_store %arg10[%swap3A_94, %swap3A_95], %broadcast_in_dim3A_93 {strides = array<i32>} : memref<1x1xf32, #tpu.memory_space<vmem>>, vector<1x1xf32>,
    } else {
    }
    %get3A_85 = arith.constant 0 : index
    %get3A_86 = arith.constant 0 : index
    %get3A_87 = vector.load %arg10[%get3A_85, %get3A_86] : memref<1x1xf32, #tpu.memory_space<vmem>>, vector<1x1xf32>
    %add3A_88 = arith.addf %get3A_87, %mul3A_82 : vector<1x1xf32>
    %swap3A_89 = arith.constant 0 : index
    %swap3A_90 = arith.constant 0 : index
    %swap3A_91 = vector.load %arg10[%swap3A_89, %swap3A_90] : memref<1x1xf32, #tpu.memory_space<vmem>>, vector<1x1xf32>
    tpu.vector_store %arg10[%swap3A_89, %swap3A_90], %add3A_88 {strides = array<i32>} : memref<1x1xf32, #tpu.memory_space<vmem>>, vector<1x1xf32>,
    return
  }
  func.func @transform_0(%arg0: i32) -> (i32, i32) {
    %c0_i32 = arith.constant 0 : i32
    %c0_i32_0 = arith.constant 0 : i32
    return %arg0, %c0_i32 : i32, i32
  }
  func.func @transform_1(%arg0: i32) -> (i32, i32) {
    %c0_i32 = arith.constant 0 : i32
    %c0_i32_0 = arith.constant 0 : i32
    return %arg0, %c0_i32 : i32, i32
  }
  func.func @transform_2(%arg0: i32) -> (i32, i32) {
    %c0_i32 = arith.constant 0 : i32
    %c0_i32_0 = arith.constant 0 : i32
    %c0_i32_1 = arith.constant 0 : i32
    return %c0_i32, %c0_i32_0 : i32, i32
  }
  func.func @transform_3(%arg0: i32) -> (i32, i32) {
    %c0_i32 = arith.constant 0 : i32
    %c0_i32_0 = arith.constant 0 : i32
    %c0_i32_1 = arith.constant 0 : i32
    return %c0_i32, %c0_i32_0 : i32, i32
  }
  func.func @transform_4(%arg0: i32) -> (i32, i32) {
    %c0_i32 = arith.constant 0 : i32
    %c0_i32_0 = arith.constant 0 : i32
    %c0_i32_1 = arith.constant 0 : i32
    return %c0_i32, %c0_i32_0 : i32, i32
  }
  func.func @transform_5(%arg0: i32) -> (i32, i32) {
    %c0_i32 = arith.constant 0 : i32
    %c0_i32_0 = arith.constant 0 : i32
    %c0_i32_1 = arith.constant 0 : i32
    return %c0_i32, %c0_i32_0 : i32, i32
  }
  func.func @transform_6(%arg0: i32) -> (i32, i32) {
    %c0_i32 = arith.constant 0 : i32
    %c0_i32_0 = arith.constant 0 : i32
    %c0_i32_1 = arith.constant 0 : i32
    return %c0_i32, %c0_i32_0 : i32, i32
  }
  func.func @transform_7(%arg0: i32) -> (i32, i32) {
    %c0_i32 = arith.constant 0 : i32
    %c0_i32_0 = arith.constant 0 : i32
    %c0_i32_1 = arith.constant 0 : i32
    return %c0_i32, %c0_i32_0 : i32, i32
  }
  func.func @transform_8(%arg0: i32) -> (i32, i32) {
    %c0_i32 = arith.constant 0 : i32
    %c0_i32_0 = arith.constant 0 : i32
    return %arg0, %c0_i32 : i32, i32
  }
  func.func @transform_9(%arg0: i32) -> (i32, i32) {
    %c0_i32 = arith.constant 0 : i32
    %c0_i32_0 = arith.constant 0 : i32
    %c0_i32_1 = arith.constant 0 : i32
    return %c0_i32, %c0_i32_0 : i32, i32
  }
}

module attributes {stable_mosaic.version = 14 : i64} {
  func.func @_elem_kernel(%arg0: i32, %arg1: memref<2048x128xf32, #tpu.memory_space<vmem>>, %arg2: memref<2048x1xf32, #tpu.memory_space<vmem>>, %arg3: memref<128x128xf32, #tpu.memory_space<vmem>>, %arg4: memref<1x128xf32, #tpu.memory_space<vmem>>, %arg5: memref<1x128xf32, #tpu.memory_space<vmem>>, %arg6: memref<128x1xf32, #tpu.memory_space<vmem>>, %arg7: memref<1x1xf32, #tpu.memory_space<vmem>>, %arg8: memref<1x1xf32, #tpu.memory_space<vmem>>, %arg9: memref<1x1xf32, #tpu.memory_space<vmem>>, %arg10: memref<1x1xf32, #tpu.memory_space<vmem>>) attributes {dimension_semantics = [#tpu.dimension_semantics<arbitrary>], iteration_bounds = array<i64: 74>, scalar_prefetch = 0 : i64, scratch_operands = 0 : i64, tpu.core_type = #tpu.core_type<tc>, window_params = [{transform_indices = @transform_0, window_bounds = array<i64: 2048, 128>}, {transform_indices = @transform_1, window_bounds = array<i64: 2048, 1>}, {pipeline_mode = #tpu.pipeline_mode<synchronous>, transform_indices = @transform_2, window_bounds = array<i64: 128, 128>}, {pipeline_mode = #tpu.pipeline_mode<synchronous>, transform_indices = @transform_3, window_bounds = array<i64: 1, 128>}, {pipeline_mode = #tpu.pipeline_mode<synchronous>, transform_indices = @transform_4, window_bounds = array<i64: 1, 128>}, {pipeline_mode = #tpu.pipeline_mode<synchronous>, transform_indices = @transform_5, window_bounds = array<i64: 128, 1>}, {pipeline_mode = #tpu.pipeline_mode<synchronous>, transform_indices = @transform_6, window_bounds = array<i64: 1, 1>}, {pipeline_mode = #tpu.pipeline_mode<synchronous>, transform_indices = @transform_7, window_bounds = array<i64: 1, 1>}, {pipeline_mode = #tpu.pipeline_mode<synchronous>, transform_indices = @transform_8, window_bounds = array<i64: 1, 1>}, {pipeline_mode = #tpu.pipeline_mode<synchronous>, transform_indices = @transform_9, window_bounds = array<i64: 1, 1>}]} {
    %get3A = arith.constant 0 : index
    %get3A_0 = arith.constant 0 : index
    %get3A_1 = vector.load %arg1[%get3A, %get3A_0] : memref<2048x128xf32, #tpu.memory_space<vmem>>, vector<2048x128xf32>
    %get3A_2 = arith.constant 0 : index
    %get3A_3 = arith.constant 0 : index
    %get3A_4 = vector.load %arg2[%get3A_2, %get3A_3] : memref<2048x1xf32, #tpu.memory_space<vmem>>, vector<2048x1xf32>
    %get3A_5 = arith.constant 0 : index
    %get3A_6 = arith.constant 0 : index
    %get3A_7 = vector.load %arg3[%get3A_5, %get3A_6] : memref<128x128xf32, #tpu.memory_space<vmem>>, vector<128x128xf32>
    %dot_general3A = arith.constant dense<0.000000e+00> : vector<2048x128xf32>
    %dot_general3A_8 = tpu.matmul %get3A_1, %get3A_7, %dot_general3A {dimension_numbers = #tpu.dot_dimension_numbers<[1], [0], [0], [1], [0, 0, 1, 1], [], []>, transpose_lhs_hint = false} : vector<2048x128xf32>, vector<128x128xf32>, vector<2048x128xf32> -> vector<2048x128xf32>
    %get3A_9 = arith.constant 0 : index
    %get3A_10 = arith.constant 0 : index
    %get3A_11 = vector.load %arg4[%get3A_9, %get3A_10] : memref<1x128xf32, #tpu.memory_space<vmem>>, vector<1x128xf32>
    %mul3A = vector.broadcast %get3A_4 : vector<2048x1xf32> to vector<2048x128xf32>
    %mul3A_12 = vector.broadcast %get3A_11 : vector<1x128xf32> to vector<2048x128xf32>
    %mul3A_13 = arith.mulf %mul3A, %mul3A_12 : vector<2048x128xf32>
    %add3A = arith.addf %dot_general3A_8, %mul3A_13 : vector<2048x128xf32>
    %get3A_14 = arith.constant 0 : index
    %get3A_15 = arith.constant 0 : index
    %get3A_16 = vector.load %arg5[%get3A_14, %get3A_15] : memref<1x128xf32, #tpu.memory_space<vmem>>, vector<1x128xf32>
    %add3A_17 = vector.broadcast %get3A_16 : vector<1x128xf32> to vector<2048x128xf32>
    %add3A_18 = arith.addf %add3A, %add3A_17 : vector<2048x128xf32>
    %max3A = arith.constant 0.000000e+00 : f32
    %max3A_19 = vector.broadcast %max3A : f32 to vector<2048x128xf32>
    %max3A_20 = arith.maximumf %add3A_18, %max3A_19 : vector<2048x128xf32>
    %get3A_21 = arith.constant 0 : index
    %get3A_22 = arith.constant 0 : index
    %get3A_23 = vector.load %arg6[%get3A_21, %get3A_22] : memref<128x1xf32, #tpu.memory_space<vmem>>, vector<128x1xf32>
    %dot_general3A_24 = arith.constant dense<0.000000e+00> : vector<2048x1xf32>
    %dot_general3A_25 = tpu.matmul %max3A_20, %get3A_23, %dot_general3A_24 {dimension_numbers = #tpu.dot_dimension_numbers<[1], [0], [0], [1], [0, 0, 1, 1], [], []>, transpose_lhs_hint = false} : vector<2048x128xf32>, vector<128x1xf32>, vector<2048x1xf32> -> vector<2048x1xf32>
    %get3A_26 = arith.constant 0 : index
    %get3A_27 = arith.constant 0 : index
    %get3A_28 = vector.load %arg7[%get3A_26, %get3A_27] : memref<1x1xf32, #tpu.memory_space<vmem>>, vector<1x1xf32>
    %add3A_29 = vector.broadcast %get3A_28 : vector<1x1xf32> to vector<2048x1xf32>
    %add3A_30 = arith.addf %dot_general3A_25, %add3A_29 : vector<2048x1xf32>
    %reduce_sum3A = arith.constant dense<0.000000e+00> : vector<2048xf32>
    %reduce_sum3A_31 = vector.multi_reduction <add>, %add3A_30, %reduce_sum3A [1] : vector<2048x1xf32> to vector<2048xf32>
    %broadcast_in_dim3A = vector.shape_cast %reduce_sum3A_31 : vector<2048xf32> to vector<2048x1xf32>
    %div3A = arith.constant 1.000000e+00 : f32
    %div3A_32 = vector.broadcast %div3A : f32 to vector<2048x1xf32>
    %div3A_33 = arith.divf %broadcast_in_dim3A, %div3A_32 : vector<2048x1xf32>
    %sub3A = arith.subf %add3A_30, %div3A_33 : vector<2048x1xf32>
    %integer_pow3A = arith.mulf %sub3A, %sub3A : vector<2048x1xf32>
    %reduce_sum3A_34 = arith.constant dense<0.000000e+00> : vector<2048xf32>
    %reduce_sum3A_35 = vector.multi_reduction <add>, %integer_pow3A, %reduce_sum3A_34 [1] : vector<2048x1xf32> to vector<2048xf32>
    %broadcast_in_dim3A_36 = vector.shape_cast %reduce_sum3A_35 : vector<2048xf32> to vector<2048x1xf32>
    %div3A_37 = arith.constant 1.000000e+00 : f32
    %div3A_38 = vector.broadcast %div3A_37 : f32 to vector<2048x1xf32>
    %div3A_39 = arith.divf %broadcast_in_dim3A_36, %div3A_38 : vector<2048x1xf32>
    %sub3A_40 = arith.subf %add3A_30, %div3A_33 : vector<2048x1xf32>
    %add3A_41 = arith.constant 9.99999974E-6 : f32
    %add3A_42 = vector.broadcast %add3A_41 : f32 to vector<2048x1xf32>
    %add3A_43 = arith.addf %div3A_39, %add3A_42 : vector<2048x1xf32>
    %sqrt3A = math.sqrt %add3A_43 : vector<2048x1xf32>
    %div3A_44 = arith.divf %sub3A_40, %sqrt3A : vector<2048x1xf32>
    %get3A_45 = arith.constant 0 : index
    %get3A_46 = arith.constant 0 : index
    %get3A_47 = vector.load %arg8[%get3A_45, %get3A_46] : memref<1x1xf32, #tpu.memory_space<vmem>>, vector<1x1xf32>
    %mul3A_48 = vector.broadcast %get3A_47 : vector<1x1xf32> to vector<2048x1xf32>
    %mul3A_49 = arith.mulf %div3A_44, %mul3A_48 : vector<2048x1xf32>
    %get3A_50 = arith.constant 0 : index
    %get3A_51 = arith.constant 0 : index
    %get3A_52 = vector.load %arg9[%get3A_50, %get3A_51] : memref<1x1xf32, #tpu.memory_space<vmem>>, vector<1x1xf32>
    %add3A_53 = vector.broadcast %get3A_52 : vector<1x1xf32> to vector<2048x1xf32>
    %add3A_54 = arith.addf %mul3A_49, %add3A_53 : vector<2048x1xf32>
    %reduce_sum3A_55 = vector.shape_cast %add3A_54 : vector<2048x1xf32> to vector<1x2048x1xf32>
    %reduce_sum3A_56 = arith.constant dense<0.000000e+00> : vector<1xf32>
    %reduce_sum3A_57 = vector.multi_reduction <add>, %reduce_sum3A_55, %reduce_sum3A_56 [1, 2] : vector<1x2048x1xf32> to vector<1xf32>
    %reduce_sum3A_58 = vector.shape_cast %reduce_sum3A_57 : vector<1xf32> to vector<1x1x1xf32>
    %reduce_sum3A_59 = vector.extract %reduce_sum3A_58[0, 0, 0] : f32 from vector<1x1x1xf32>
    %broadcast_in_dim3A_60 = vector.broadcast %reduce_sum3A_59 : f32 to vector<1x1xf32>
    %eq3A = arith.constant 0 : i32
    %eq3A_61 = arith.cmpi eq, %arg0, %eq3A : i32
    %convert_element_type3A = arith.extui %eq3A_61 : i1 to i32
    %cond3A = arith.constant 0 : i32
    %cond3A_62 = arith.cmpi ne, %convert_element_type3A, %cond3A : i32
    scf.if %cond3A_62 {
      %broadcast_in_dim3A_69 = arith.constant 0.000000e+00 : f32
      %broadcast_in_dim3A_70 = vector.broadcast %broadcast_in_dim3A_69 : f32 to vector<1x1xf32>
      %swap3A_71 = arith.constant 0 : index
      %swap3A_72 = arith.constant 0 : index
      %swap3A_73 = vector.load %arg10[%swap3A_71, %swap3A_72] : memref<1x1xf32, #tpu.memory_space<vmem>>, vector<1x1xf32>
      tpu.vector_store %arg10[%swap3A_71, %swap3A_72], %broadcast_in_dim3A_70 {strides = array<i32>} : memref<1x1xf32, #tpu.memory_space<vmem>>, vector<1x1xf32>,
    } else {
    }
    %get3A_63 = arith.constant 0 : index
    %get3A_64 = arith.constant 0 : index
    %get3A_65 = vector.load %arg10[%get3A_63, %get3A_64] : memref<1x1xf32, #tpu.memory_space<vmem>>, vector<1x1xf32>
    %add3A_66 = arith.addf %get3A_65, %broadcast_in_dim3A_60 : vector<1x1xf32>
    %swap3A = arith.constant 0 : index
    %swap3A_67 = arith.constant 0 : index
    %swap3A_68 = vector.load %arg10[%swap3A, %swap3A_67] : memref<1x1xf32, #tpu.memory_space<vmem>>, vector<1x1xf32>
    tpu.vector_store %arg10[%swap3A, %swap3A_67], %add3A_66 {strides = array<i32>} : memref<1x1xf32, #tpu.memory_space<vmem>>, vector<1x1xf32>,
    return
  }
  func.func @transform_0(%arg0: i32) -> (i32, i32) {
    %c0_i32 = arith.constant 0 : i32
    %c0_i32_0 = arith.constant 0 : i32
    return %arg0, %c0_i32 : i32, i32
  }
  func.func @transform_1(%arg0: i32) -> (i32, i32) {
    %c0_i32 = arith.constant 0 : i32
    %c0_i32_0 = arith.constant 0 : i32
    return %arg0, %c0_i32 : i32, i32
  }
  func.func @transform_2(%arg0: i32) -> (i32, i32) {
    %c0_i32 = arith.constant 0 : i32
    %c0_i32_0 = arith.constant 0 : i32
    %c0_i32_1 = arith.constant 0 : i32
    return %c0_i32, %c0_i32_0 : i32, i32
  }
  func.func @transform_3(%arg0: i32) -> (i32, i32) {
    %c0_i32 = arith.constant 0 : i32
    %c0_i32_0 = arith.constant 0 : i32
    %c0_i32_1 = arith.constant 0 : i32
    return %c0_i32, %c0_i32_0 : i32, i32
  }
  func.func @transform_4(%arg0: i32) -> (i32, i32) {
    %c0_i32 = arith.constant 0 : i32
    %c0_i32_0 = arith.constant 0 : i32
    %c0_i32_1 = arith.constant 0 : i32
    return %c0_i32, %c0_i32_0 : i32, i32
  }
  func.func @transform_5(%arg0: i32) -> (i32, i32) {
    %c0_i32 = arith.constant 0 : i32
    %c0_i32_0 = arith.constant 0 : i32
    %c0_i32_1 = arith.constant 0 : i32
    return %c0_i32, %c0_i32_0 : i32, i32
  }
  func.func @transform_6(%arg0: i32) -> (i32, i32) {
    %c0_i32 = arith.constant 0 : i32
    %c0_i32_0 = arith.constant 0 : i32
    %c0_i32_1 = arith.constant 0 : i32
    return %c0_i32, %c0_i32_0 : i32, i32
  }
  func.func @transform_7(%arg0: i32) -> (i32, i32) {
    %c0_i32 = arith.constant 0 : i32
    %c0_i32_0 = arith.constant 0 : i32
    %c0_i32_1 = arith.constant 0 : i32
    return %c0_i32, %c0_i32_0 : i32, i32
  }
  func.func @transform_8(%arg0: i32) -> (i32, i32) {
    %c0_i32 = arith.constant 0 : i32
    %c0_i32_0 = arith.constant 0 : i32
    %c0_i32_1 = arith.constant 0 : i32
    return %c0_i32, %c0_i32_0 : i32, i32
  }
  func.func @transform_9(%arg0: i32) -> (i32, i32) {
    %c0_i32 = arith.constant 0 : i32
    %c0_i32_0 = arith.constant 0 : i32
    %c0_i32_1 = arith.constant 0 : i32
    return %c0_i32, %c0_i32_0 : i32, i32
  }
}

</mosaic_0001>

<sc_bundles>
// kernel: kernel.5.cloned.1.call-start
scs
__scs_entry_jumppad:
0x0: {  	(pc) =	sbr.rel $0x88, $3  }
0x1: {  	(tag) =	ssettag $0x0;
	lr =	simm.s32 $0x1  }
0x2: {  	[smem:$0x3F91] =	sst lr;
	_ =	strace $0xD0000000  }
0x3: {  	_ = 	snop  }
0x4: {  	_ = 	snop  }
0x5: {  	_ = 	snop  }
0x6: {  	_ = 	snop  }
0x7: {  	_ = 	snop  }
__scs_overlays_trampoline_lowered:
0x8: {  	[smem:$0x3FA0] =	sst s0  }
0x9: {  	[smem:$0x3FA1] =	sst s1  }
0xa: {  	[smem:$0x3FA2] =	sst s2  }
0xb: {  	[smem:$0x3FA3] =	sst s3  }
0xc: {  	[smem:$0x3FA4] =	sst s4  }
0xd: {  	[smem:$0x3FA5] =	sst s5  }
0xe: {  	[smem:$0x3FA6] =	sst s6  }
0xf: {  	[smem:$0x3FA7] =	sst s7  }
0x10: {  	[smem:$0x3FA8] =	sst s8  }
0x11: {  	[smem:$0x3FA9] =	sst s9;
	s0 =	simm.s32 @!p0 $0x0  }
0x12: {  	s1 =	sld [smem:$0x3F8F];
	s0 =	simm.s32 @p0 $0x1  }
0x13: {  	[smem:$0x3FAA] =	sst s0;
	s0 =	simm.s32 @!p1 $0x0  }
0x14: {  	s2 =	sld [smem:$0x3F8E];
	s0 =	simm.s32 @p1 $0x1  }
0x15: {  	[smem:$0x3FAB] =	sst s0;
	s0 =	simm.s32 @!p2 $0x0  }
0x16: {  	s3 =	sld [smem:$0x3FDB];
	s0 =	simm.s32 @p2 $0x1  }
0x17: {  	s4 =	simm.s32 $0x1BF5;
	[smem:$0x3FAD] =	sst s0  }
0x18: {  	s0 =	sld [smem:$0x3F90];
	_ =	swait.ge [sflag:s4], $0x0  }
0x19: {  	s7 =	sld [smem:$0x3F91]  }
0x1a: {  	s8 =	sadd.s32 $0xFFFFE003, lr  }
0x1b: {  	s9 =	sadd.s32 $0xFFFFFEF7, lr;
	s5 =	simm.s32 $0xFFFFFFFF;
	p2 =	slt.u32 s8, $0xFFFFF086  }
0x1c: {  	p1 =	slt.u32 s9, $0xF7A;
	s5 =	simm.s32 @!p2 $0x0  }
0x1d: {  	s5 =	simm.s32 @p1 $0x1;
	p0 =	seq.s32 s7, s2  }
0x1e: {  	s7 =	smul.u32 @!p0 $0xF7A, s2;
	p2 =	seq.s32 @!p0 s5, $0x0  }
0x1f: {  	s9 =	smul.u32 $0xF7A, s1;
	s8 =	simm.s32 @!p0 $0x1BF5;
	p2 =	por !p2, p0  }
0x20: {  	[sflag:s8] =	ssyncset.s32 @!p0 $0xFFFFF086;
	s6 =	sadd.s32 @!p0 s3, s7;
	s7 =	simm.s32 @!p0 $0x108  }
0x21: {  	s3 =	sadd.s32 s3, s9;
	s6 =	sadd.s32 @!p0 $0x88, s6;
	s7 =	simm.s32 @p2 $0x1082  }
0x22: {  	[simem:s7], [sflag:s8] =	dma.local @!p0 [hbm:s6], $0xF7A  }
0x23: {  	s9 =	sor.u32 $0xD0000000, s2;
	s6 =	simm.s32 $0x108;
	_ =	swait.ge @!p0 [sflag:s8], $0x0  }
0x24: {  	s3 =	sadd.s32 $0x88, s3;
	s6 =	simm.s32 @!p1 $0x1082;
	[sflag:s4] =	ssyncset.s32 $0xFFFFF086  }
0x25: {  	[simem:s6], [sflag:s4] =	dma.local [hbm:s3], $0xF7A  }
0x26: {  	[smem:$0x3F91] =	sst s1;
	(tag) =	ssettag s2;
	_ =	strace s9  }
0x27: {  	s1 =	sld [smem:$0x3FA1]  }
0x28: {  	s2 =	sld [smem:$0x3FA2]  }
0x29: {  	s4 =	sld [smem:$0x3FA4]  }
0x2a: {  	p0 =	seq.s32 s5, $0x0;
	s5 =	sld [smem:$0x3FA5]  }
0x2b: {  	s6 =	sld [smem:$0x3FA6]  }
0x2c: {  	s7 =	sld [smem:$0x3FA7]  }
0x2d: {  	s3 =	simm.s32 $0x108;
	s8 =	sld [smem:$0x3FA8]  }
0x2e: {  	s3 =	simm.s32 @!p0 $0x1082;
	s9 =	sld [smem:$0x3FA9]  }
0x2f: {  	lr =	sadd.s32 s0, s3;
	s0 =	sld [smem:$0x3FA0]  }
0x30: {  	s3 =	sld [smem:$0x3FA3]  }
0x31: {  	[smem:$0x3FAC] =	sst s10  }
0x32: {  	s10 =	sld [smem:$0x3FAA];
	_ =	sdelay $0x3  }
0x33: {  	p0 =	seq.s32 s10, $0x1;
	s10 =	sld [smem:$0x3FAC];
	_ =	sdelay $0x3  }
0x34: {  	[smem:$0x3FAC] =	sst s10  }
0x35: {  	s10 =	sld [smem:$0x3FAB];
	_ =	sdelay $0x3  }
0x36: {  	p1 =	seq.s32 s10, $0x1;
	s10 =	sld [smem:$0x3FAC];
	_ =	sdelay $0x3  }
0x37: {  	[smem:$0x3FAC] =	sst s10  }
0x38: {  	s10 =	sld [smem:$0x3FAD]  }
0x39: {  	_ = 	snop;
	(pc) =	sbr.ind lr, $3  }
0x3a: {  	_ = 	snop  }
0x3b: {  	_ = 	snop  }
0x3c: {  	p2 =	seq.s32 s10, $0x1;
	s10 =	sld [smem:$0x3FAC]  }
0x3d: {  	_ =	shalt  }
0x3e: {  	_ =	shalt  }
0x3f: {  	_ =	shalt  }
0x40: {  	_ =	shalt  }
0x41: {  	_ =	shalt  }
0x42: {  	_ =	shalt  }
0x43: {  	_ =	shalt  }
0x44: {  	_ =	shalt  }
0x45: {  	_ =	shalt  }
0x46: {  	_ =	shalt  }
0x47: {  	_ =	shalt  }
0x48: {  	_ =	shalt  }
0x49: {  	_ =	shalt  }
0x4a: {  	_ =	shalt  }
0x4b: {  	_ =	shalt  }
0x4c: {  	_ =	shalt  }
0x4d: {  	_ =	shalt  }
0x4e: {  	_ =	shalt  }
0x4f: {  	_ =	shalt  }
0x50: {  	_ =	shalt  }
0x51: {  	_ =	shalt  }
0x52: {  	_ =	shalt  }
0x53: {  	_ =	shalt  }
0x54: {  	_ =	shalt  }
0x55: {  	_ =	shalt  }
0x56: {  	_ =	shalt  }
0x57: {  	_ =	shalt  }
0x58: {  	_ =	shalt  }
0x59: {  	_ =	shalt  }
0x5a: {  	_ =	shalt  }
0x5b: {  	_ =	shalt  }
0x5c: {  	_ =	shalt  }
0x5d: {  	_ =	shalt  }
0x5e: {  	_ =	shalt  }
0x5f: {  	_ =	shalt  }
0x60: {  	_ =	shalt  }
0x61: {  	_ =	shalt  }
0x62: {  	_ =	shalt  }
0x63: {  	_ =	shalt  }
0x64: {  	_ =	shalt  }
0x65: {  	_ =	shalt  }
0x66: {  	_ =	shalt  }
0x67: {  	_ =	shalt  }
0x68: {  	_ =	shalt  }
0x69: {  	_ =	shalt  }
0x6a: {  	_ =	shalt  }
0x6b: {  	_ =	shalt  }
0x6c: {  	_ =	shalt  }
0x6d: {  	_ =	shalt  }
0x6e: {  	_ =	shalt  }
0x6f: {  	_ =	shalt  }
0x70: {  	_ =	shalt  }
0x71: {  	_ =	shalt  }
0x72: {  	_ =	shalt  }
0x73: {  	_ =	shalt  }
0x74: {  	_ =	shalt  }
0x75: {  	_ =	shalt  }
0x76: {  	_ =	shalt  }
0x77: {  	_ =	shalt  }
0x78: {  	_ =	shalt  }
0x79: {  	_ =	shalt  }
0x7a: {  	_ =	shalt  }
0x7b: {  	_ =	shalt  }
0x7c: {  	_ =	shalt  }
0x7d: {  	_ =	shalt  }
0x7e: {  	_ =	shalt  }
0x7f: {  	_ =	shalt  }
0x80: {  	_ =	shalt  }
0x81: {  	_ =	shalt  }
0x82: {  	_ =	shalt  }
0x83: {  	_ =	shalt  }
0x84: {  	_ =	shalt  }
0x85: {  	_ =	shalt  }
0x86: {  	_ =	shalt  }
0x87: {  	_ =	shalt  }
.Lfunc_end0:
.L_simem_size_0:
called_computation_lowered:
.L_overlay_start_0:
0x88: {  	s2 =	sld [smem:$0x3FD9]  }
0x89: {  	s3 =	sld [smem:$0x3FFE];
	_ =	sdelay $0x1  }
0x8a: {  	s1 =	srdreg.scid  }
0x8b: {  	s0 =	sand.u32 $0x1, s1  }
0x8c: {  	s16 =	sshll.u32 s0, $0xA;
	s2 =	sadd.s32 s3, s2  }
0x8d: {  	s2 =	sadd.s32 s2, s16  }
0x8e: {  	[smem:$0x3FB8] =	sst s2  }
0x8f: {  	_ = 	snop  }
0x90: {  	(tm) =	ssettm $0x1  }
0x91: {  	s17 =	sld [smem:$0x3FFB];
	_ =	sdelay $0x3  }
0x92: {  	_ =	strace s17  }
0x93: {  	s2 =	sld [smem:$0x3FFC];
	_ =	sdelay $0x3  }
0x94: {  	_ =	strace s2  }
0x95: {  	s2 =	sld [smem:$0x3FFD];
	_ =	sdelay $0x3  }
0x96: {  	_ =	strace s2  }
0x97: {  	_ =	strace $0x8FFFFFFF  }
0x98: {  	s18 =	sld [smem:$0x3FDB];
	_ =	sdelay $0x1  }
0x99: {  	s19 =	simm.s32 $_scs_section_size  }
0x9a: {  	s4 =	simm.s32 $_size__tile_overlayer_lowered;
	s5 =	simm.s32 $_tile_overlayer_lowered  }
0x9b: {  	s22 =	simm.s32 $0x1BFF;
	s21 =	sshll.u32 s5, $0x1;
	s2 =	sadd.s32 s19, s18  }
0x9c: {  	s6 =	simm.s32 $0x0;
	s20 =	sshll.u32 s4, $0x1;
	s4 =	sadd.s32 s21, s2  }
0x9d: {  	[timem:s6], [sflag:s22] =	dma.local [hbm:s4], s20  }
0x9e: {  	_ =	swait.ge [sflag:s22], s20  }
0x9f: {  	s3 =	ssub.s32 $0x0, s20;
	[sflag:s22] =	ssyncset.done $0x0  }
0xa0: {  	[sflag:s22] =	ssyncadd.s32 s3;
	_ =	sdelay $0x1  }
0xa1: {  	s23 =	simm.s32 $0x1B8B  }
0xa2: {  	_ =	swait.ge [sflag:s23], $0x1  }
0xa3: {  	[sflag:s23] =	ssyncset.done $0x0  }
0xa4: {  	s25 =	simm.s32 $0x1B8E;
	s24 =	sld [smem:$0x3FFE];
	[sflag:s23] =	ssyncadd.s32 $0xFFFFFFFF  }
0xa5: {  	s26 =	simm.s32 $execute0_lowered;
	[smem:$0x3FD2] =	sst s25  }
0xa6: {  	s4 =	sshll.u32 s26, $0x1;
	_ =	strace $0x80000046;
	[dreg:$0x1] =	wrdreg $0xFFFFFFFF  }
0xa7: {  	s28 =	simm.s32 $_size_execute0_lowered;
	s2 =	sadd.s32 s2, s4;
	[dreg:$0x0] =	wrdreg $0x0  }
0xa8: {  	s4 =	sshll.u32 s28, $0x1;
	[dreg:$0x2] =	wrdreg s2  }
0xa9: {  	[dreg:$0x3] =	wrdreg s4  }
0xaa: {  	[dreg:$0x4] =	wrdreg $0xC0  }
0xab: {  	_ =	task [dreg:s6], $0x5FFFF  }
0xac: {  	[dreg:$0x1] =	wrdreg $0xFFFFFFFF  }
0xad: {  	[dreg:$0x0] =	wrdreg $0x60  }
0xae: {  	[dreg:$0x2] =	wrdreg s24  }
0xaf: {  	[dreg:$0x3] =	wrdreg $0x9  }
0xb0: {  	_ =	task.clear_ibuf [dreg:s6], $0x4FFFF;
	_ =	strace $0x90000046  }
0xb1: {  	s29 =	simm.s32 $0x9;
	_ =	strace $0x80000048  }
0xb2: {  	_ =	swait.ge [sflag:s29], $0x1  }
0xb3: {  	[sflag:s29] =	ssyncadd.s32 $0xFFFFFFFF  }
0xb4: {  	_ =	strace $0x90000048  }
0xb5: {  	_ =	sfence  }
0xb6: {  	s30 =	sld [smem:$0x0];
	_ =	sdelay $0x2  }
0xb7: {  	s31 =	sshll.u32 s1, $0xD;
	s1 =	sshrl.u32 s1, $0x2  }
0xb8: {  	s3 =	sand.u32 $0x4000, s31;
	s1 =	sadd.s32 s1, s30  }
0xb9: {  	s0 =	sor.u32 s3, s0;
	s1 =	sshll.u32 s1, $0x11  }
0xba: {  	s0 =	sor.u32 s1, s0  }
0xbb: {  	s0 =	sadd.s32 $0x8F2B, s0  }
0xbc: {  	[sflag:s0] =	ssyncadd.remote.s32 $0x1  }
0xbd: {  	_ =	sfence.sel $0xFFFF  }
0xbe: {  	[dreg:$0x0] =	wrdreg $0xFFFFFFFF;
	(pc) =	sbr.abs _section_cstart, $3  }
0xbf: {  	[dreg:$0x1] =	wrdreg $0xFFFFFFFF  }
0xc0: {  	_ =	task.clear_ibuf [dreg:s6], $0x2FFFF;
	_ =	strace $0x9FFFFFFF  }
0xc1: {  	(tm) =	ssettm $0x7FFFFFFF  }
tec
execute0_lowered:
.L_overlay_start_1:
0x0: {  	(tag) =	ssettag $0x1  }
0x1: {  	s0 =	rddreg [dreg:$0x0]  }
0x2: {  	s1 =	srdreg.scid;
	s3 =	stileid.u32  }
0x3: {  	s2 =	simm.s32 $0x0;
	s11 =	simm.s32 $0x80;
	s17 =	simm.s32 $0x1  }
0x4: {  	s19 =	simm.s32 $0x2;
	s20 =	simm.s32 $0x6;
	s22 =	simm.s32 $0x3  }
0x5: {  	s23 =	simm.s32 $0x7;
	s25 =	simm.s32 $0x4;
	s26 =	simm.s32 $0x8  }
0x6: {  	s28 =	simm.s32 $0x17A00;
	s1 =	sand.u32 $0x1, s1;
	s3 =	sshll.u32 s3, $0x1  }
0x7: {  	[smem:$0x7FF] =	sst s2;
	s4 =	sor.u32 s1, s3;
	s1 =	ssub.s32 $0x2, s1  }
0x8: {  	_ =	strace $0x80000047;
	s5 =	smul.u32 $0x940, s4;
	s6 =	sshrl.u32 s1, $0x1  }
0x9: {  	s3 =	sadd.s32 $0x19B200, s0;
	s4 =	smul.u32 $0x94, s4;
	s30 =	ssub.s32 s1, s6  }
0xa: {  	s7 =	sadd.s32 s5, s0;
	s5 =	sadd.s32 $0x25E800, s0;
	s0 =	smax.u32 s30, $0x1  }
0xb: {  	s1 =	simm.s32 $0x0;
	s31 =	sadd.s32 $0x188A00, s7;
	[dreg:$0x3] =	wrdreg s0  }
0xc: {  	s8 =	sor.u32 $0x2, s4;
	s7 =	sor.u32 $0x1, s4;
	[dreg:$0x2] =	wrdreg s31  }
.LBB2_1:
0xd: {  	[dreg:$0x4] =	wrdreg s1  }
0xe: {  	s0 =	rddreg [dreg:$0x2];
	s18 =	simm.s32 $0x9  }
0xf: {  	[tilespmem:s2], [sflag:$0x9] =	stream.linear.gather [hbm4b:s0+s2], $0x4A00, $0x38;
	[tilespmem:$0x18A00] =	vst v63  }
0x10: {  	_ =	swait.ge [sflag:s18], $0x4A00  }
0x11: {  	[sflag:s18] =	ssyncset.done $0x0  }
0x12: {  	s21 =	simm.s32 $0x4A00;
	[sflag:s18] =	ssyncadd.s32 $0xFFFFB600  }
0x13: {  	[tilespmem:s21], [sflag:$0x1] =	stream.indirect.gather [hbm4b:s3+s11], $0x80, s2, s11, $0xb8;
	[tilespmem:$0x18A00] =	vst v63  }
0x14: {  	s24 =	simm.s32 $0x8A00  }
0x15: {  	[tilespmem:s24], [sflag:$0x2] =	stream.indirect.gather [hbm4b:s3+s11], $0x80, s11, s11, $0xb8;
	[tilespmem:$0x18A00] =	vst v63  }
0x16: {  	s29 =	simm.s32 $0x100;
	s30 =	simm.s32 $0xCA00;
	s31 =	simm.s32 $0x0  }
0x17: {  	[tilespmem:s30], [sflag:$0x3] =	stream.indirect.gather [hbm4b:s3+s11], $0x80, s29, s11, $0xb8;
	[tilespmem:$0x18A00] =	vst v63  }
.LBB2_2:
0x18: {  	s0 =	sshllo.u32 s31, $0x2  }
0x19: {  	s1 =	sshll.u32 s0, $0x7  }
0x1a: {  	s6 =	simm.s32 $0x10A00;
	s1 =	sand.u32 $0x3FFFFF80, s1  }
0x1b: {  	[tilespmem:s6], [sflag:$0x4] =	stream.indirect.gather [hbm4b:s3+s11], $0x80, s1, s11, $0xb8;
	[tilespmem:$0x18A00] =	vst v63  }
0x1c: {  	_ =	swait.ge [sflag:s17], $0x4000  }
0x1d: {  	p0 =	seq.s32 s31, $0x0;
	[sflag:s17] =	ssyncset.done $0x0  }
0x1e: {  	s6 =	simm.s32 @!p0 $0x5;
	[sflag:s17] =	ssyncadd.s32 $0xFFFFC000  }
0x1f: {  	_ =	swait.ge @!p0 [sflag:s6], $0x1000  }
0x20: {  	[sflag:s6] =	ssyncset.done @!p0 $0x0  }
0x21: {  	s14 =	simm.s32 $0x0;
	s1 =	sshll.u32 s31, $0x2;
	[sflag:s6] =	ssyncadd.s32 @!p0 $0xFFFFF000  }
.LBB2_3:
0x22: {  	s6 =	sshll.u32 s14, $0x9  }
0x23: {  	s12 =	sand.u32 $0x3FFFFE00, s6  }
0x24: {  	v0 =	vld [tilespmem:s12+$0x4A00]  }
0x25: {  	v1 =	vld [tilespmem:s12+$0x4A80];
	_ =	sdelay $0x1  }
0x26: {  	v2 =	vld [tilespmem:s12+$0x4B00];
	_ =	sdelay $0x1  }
0x27: {  	v3 =	vld [tilespmem:s12+$0x4B80]  }
0x28: {  	v0 =	vadd.f32 v1, v0;
	_ =	sdelay $0x1  }
0x29: {  	v0 =	vadd.f32 v2, v0;
	_ =	sdelay $0x1  }
0x2a: {  	s18 =	sshll.u32 s14, $0x7;
	v0 =	vadd.f32 v3, v0  }
0x2b: {  	s6 =	sand.u32 $0x3FFFFF80, s18  }
0x2c: {  	[tilespmem:s6+$0x14A00] =	vst v0  }
0x2d: {  	v0 =	vld [tilespmem:s12+$0x4A10]  }
0x2e: {  	v21 =	vld [tilespmem:s12+$0x4A90];
	_ =	sdelay $0x1  }
0x2f: {  	v22 =	vld [tilespmem:s12+$0x4B10];
	_ =	sdelay $0x1  }
0x30: {  	v23 =	vld [tilespmem:s12+$0x4B90]  }
0x31: {  	v0 =	vadd.f32 v21, v0;
	_ =	sdelay $0x1  }
0x32: {  	v0 =	vadd.f32 v22, v0;
	_ =	sdelay $0x1  }
0x33: {  	v0 =	vadd.f32 v23, v0;
	_ =	sdelay $0x1  }
0x34: {  	[tilespmem:s6+$0x14A10] =	vst v0  }
0x35: {  	v0 =	vld [tilespmem:s12+$0x4A20]  }
0x36: {  	v24 =	vld [tilespmem:s12+$0x4AA0];
	_ =	sdelay $0x1  }
0x37: {  	v25 =	vld [tilespmem:s12+$0x4B20];
	_ =	sdelay $0x1  }
0x38: {  	v26 =	vld [tilespmem:s12+$0x4BA0]  }
0x39: {  	v0 =	vadd.f32 v24, v0;
	_ =	sdelay $0x1  }
0x3a: {  	v0 =	vadd.f32 v25, v0;
	_ =	sdelay $0x1  }
0x3b: {  	v0 =	vadd.f32 v26, v0;
	_ =	sdelay $0x1  }
0x3c: {  	[tilespmem:s6+$0x14A20] =	vst v0  }
0x3d: {  	v0 =	vld [tilespmem:s12+$0x4A30]  }
0x3e: {  	v27 =	vld [tilespmem:s12+$0x4AB0];
	_ =	sdelay $0x1  }
0x3f: {  	v28 =	vld [tilespmem:s12+$0x4B30];
	_ =	sdelay $0x1  }
0x40: {  	v29 =	vld [tilespmem:s12+$0x4BB0]  }
0x41: {  	v0 =	vadd.f32 v27, v0  }
0x42: {  	s9 =	sor.u32 $0x1, s14  }
0x43: {  	s10 =	sshll.u32 s9, $0x9;
	v0 =	vadd.f32 v28, v0  }
0x44: {  	s13 =	sand.u32 $0x3FFFFE00, s10  }
0x45: {  	v32 =	vld [tilespmem:s13+$0x4A00];
	v0 =	vadd.f32 v29, v0  }
0x46: {  	v4 =	vld [tilespmem:s13+$0x4A80]  }
0x47: {  	v6 =	vld [tilespmem:s13+$0x4B00];
	[tilespmem:s6+$0x14A30] =	vst v0  }
0x48: {  	v0 =	vld [tilespmem:s12+$0x4A40]  }
0x49: {  	v30 =	vld [tilespmem:s12+$0x4AC0]  }
0x4a: {  	v33 =	vld [tilespmem:s13+$0x4B80]  }
0x4b: {  	v31 =	vld [tilespmem:s12+$0x4B40]  }
0x4c: {  	v34 =	vadd.f32 v4, v32  }
0x4d: {  	v5 =	vld [tilespmem:s12+$0x4BC0]  }
0x4e: {  	v2 =	vadd.f32 v6, v34;
	v0 =	vadd.f32 v30, v0;
	_ =	sdelay $0x1  }
0x4f: {  	s9 =	sshll.u32 s9, $0x7;
	v35 =	vadd.f32 v33, v2;
	v0 =	vadd.f32 v31, v0  }
0x50: {  	s9 =	sand.u32 $0x3FFFFF80, s9  }
0x51: {  	[tilespmem:s9+$0x14A00] =	vst v35;
	v0 =	vadd.f32 v5, v0  }
0x52: {  	v38 =	vld [tilespmem:s13+$0x4A90]  }
0x53: {  	[tilespmem:s6+$0x14A40] =	vst v0;
	v0 =	vld [tilespmem:s13+$0x4A10];
	_ =	sdelay $0x1  }
0x54: {  	v40 =	vld [tilespmem:s13+$0x4B10];
	_ =	sdelay $0x1  }
0x55: {  	s21 =	sor.u32 $0x2, s14;
	v42 =	vld [tilespmem:s13+$0x4B90]  }
0x56: {  	s15 =	sshll.u32 s21, $0x9;
	v0 =	vadd.f32 v38, v0  }
0x57: {  	s18 =	sor.u32 $0x3, s14;
	s15 =	sand.u32 $0x3FFFFE00, s15  }
0x58: {  	s16 =	sshll.u32 s18, $0x9;
	v46 =	vld [tilespmem:s15+$0x4A00];
	v0 =	vadd.f32 v40, v0  }
0x59: {  	v47 =	vld [tilespmem:s15+$0x4A80];
	s16 =	sand.u32 $0x3FFFFE00, s16  }
0x5a: {  	v61 =	vld [tilespmem:s16+$0x4A00];
	v0 =	vadd.f32 v42, v0  }
0x5b: {  	v63 =	vld [tilespmem:s16+$0x4A80]  }
0x5c: {  	v12 =	vld [tilespmem:s16+$0x4B00];
	[tilespmem:s9+$0x14A10] =	vst v0  }
0x5d: {  	v0 =	vld [tilespmem:s13+$0x4A20]  }
0x5e: {  	v43 =	vld [tilespmem:s13+$0x4AA0]  }
0x5f: {  	v14 =	vld [tilespmem:s16+$0x4B80]  }
0x60: {  	v6 =	vadd.f32 v63, v61;
	v44 =	vld [tilespmem:s13+$0x4B20]  }
0x61: {  	v48 =	vld [tilespmem:s15+$0x4B00]  }
0x62: {  	v4 =	vadd.f32 v12, v6;
	v45 =	vld [tilespmem:s13+$0x4BA0]  }
0x63: {  	v36 =	vld [tilespmem:s12+$0x4A50];
	v0 =	vadd.f32 v43, v0  }
0x64: {  	s18 =	sshll.u32 s18, $0x7;
	v3 =	vadd.f32 v14, v4;
	v37 =	vld [tilespmem:s12+$0x4AD0]  }
0x65: {  	v49 =	vld [tilespmem:s15+$0x4B80];
	s29 =	sand.u32 $0x3FFFFF80, s18;
	v0 =	vadd.f32 v44, v0  }
0x66: {  	[tilespmem:s29+$0x14A00] =	vst v3;
	v39 =	vld [tilespmem:s12+$0x4B50]  }
0x67: {  	v50 =	vadd.f32 v47, v46;
	v10 =	vld [tilespmem:s16+$0x4A10];
	v0 =	vadd.f32 v45, v0  }
0x68: {  	v41 =	vld [tilespmem:s12+$0x4BD0]  }
0x69: {  	v52 =	vadd.f32 v48, v50;
	v20 =	vld [tilespmem:s16+$0x4A90];
	v1 =	vadd.f32 v37, v36;
	[tilespmem:s9+$0x14A20] =	vst v0  }
0x6a: {  	v53 =	vld [tilespmem:s13+$0x4A30]  }
0x6b: {  	s10 =	sshll.u32 s21, $0x7;
	v1 =	vadd.f32 v39, v1;
	v0 =	vadd.f32 v49, v52;
	v54 =	vld [tilespmem:s13+$0x4AB0]  }
0x6c: {  	s10 =	sand.u32 $0x3FFFFF80, s10;
	v55 =	vld [tilespmem:s13+$0x4B30]  }
0x6d: {  	v1 =	vadd.f32 v41, v1;
	v56 =	vld [tilespmem:s13+$0x4BB0];
	[tilespmem:s10+$0x14A00] =	vst v0  }
0x6e: {  	v57 =	vld [tilespmem:s15+$0x4A10]  }
0x6f: {  	[tilespmem:s6+$0x14A50] =	vst v1;
	v58 =	vld [tilespmem:s15+$0x4A90]  }
0x70: {  	v1 =	vld [tilespmem:s12+$0x4A60];
	v2 =	vadd.f32 v54, v53  }
0x71: {  	v59 =	vld [tilespmem:s15+$0x4B10]  }
0x72: {  	v7 =	vld [tilespmem:s12+$0x4AE0];
	v2 =	vadd.f32 v55, v2  }
0x73: {  	v60 =	vld [tilespmem:s15+$0x4B90]  }
0x74: {  	v21 =	vld [tilespmem:s16+$0x4B10];
	v62 =	vadd.f32 v58, v57;
	v2 =	vadd.f32 v56, v2  }
0x75: {  	v8 =	vld [tilespmem:s12+$0x4B60]  }
0x76: {  	v51 =	vld [tilespmem:s12+$0x4BE0];
	v11 =	vadd.f32 v59, v62;
	[tilespmem:s9+$0x14A30] =	vst v2  }
0x77: {  	v13 =	vld [tilespmem:s13+$0x4A40]  }
0x78: {  	v1 =	vadd.f32 v7, v1;
	v2 =	vadd.f32 v60, v11;
	v15 =	vld [tilespmem:s13+$0x4AC0]  }
0x79: {  	v16 =	vld [tilespmem:s13+$0x4B40]  }
0x7a: {  	v1 =	vadd.f32 v8, v1;
	v9 =	vld [tilespmem:s13+$0x4BC0];
	[tilespmem:s10+$0x14A10] =	vst v2  }
0x7b: {  	v2 =	vld [tilespmem:s15+$0x4A20]  }
0x7c: {  	v1 =	vadd.f32 v51, v1;
	v17 =	vld [tilespmem:s15+$0x4AA0]  }
0x7d: {  	v22 =	vld [tilespmem:s16+$0x4B90];
	v5 =	vadd.f32 v15, v13  }
0x7e: {  	[tilespmem:s6+$0x14A60] =	vst v1;
	v18 =	vld [tilespmem:s15+$0x4B20]  }
0x7f: {  	v0 =	vld [tilespmem:s12+$0x4A70];
	v5 =	vadd.f32 v16, v5  }
0x80: {  	v19 =	vld [tilespmem:s15+$0x4BA0]  }
0x81: {  	v1 =	vld [tilespmem:s12+$0x4AF0];
	v2 =	vadd.f32 v17, v2;
	v5 =	vadd.f32 v9, v5  }
0x82: {  	v3 =	vld [tilespmem:s12+$0x4B70]  }
0x83: {  	v6 =	vadd.f32 v20, v10;
	v4 =	vadd.f32 v18, v2;
	v2 =	vld [tilespmem:s12+$0x4BF0];
	[tilespmem:s9+$0x14A40] =	vst v5  }
0x84: {  	v23 =	vld [tilespmem:s13+$0x4A50]  }
0x85: {  	v6 =	vadd.f32 v21, v6;
	v4 =	vadd.f32 v19, v4;
	v24 =	vld [tilespmem:s13+$0x4AD0]  }
0x86: {  	v26 =	vld [tilespmem:s13+$0x4B50]  }
0x87: {  	v5 =	vadd.f32 v22, v6;
	v14 =	vld [tilespmem:s13+$0x4BD0];
	[tilespmem:s10+$0x14A20] =	vst v4  }
0x88: {  	v4 =	vld [tilespmem:s15+$0x4A30]  }
0x89: {  	[tilespmem:s29+$0x14A10] =	vst v5;
	v25 =	vld [tilespmem:s15+$0x4AB0]  }
0x8a: {  	v5 =	vld [tilespmem:s16+$0x4A20]  }
0x8b: {  	v28 =	vld [tilespmem:s16+$0x4AA0]  }
0x8c: {  	s24 =	sor.u32 $0x4, s14;
	v27 =	vld [tilespmem:s15+$0x4B30]  }
0x8d: {  	s30 =	sshll.u32 s24, $0x9;
	v11 =	vld [tilespmem:s15+$0x4BB0];
	v8 =	vadd.f32 v24, v23  }
0x8e: {  	s12 =	sand.u32 $0x3FFFFE00, s30;
	v12 =	vld [tilespmem:s16+$0x4B20]  }
0x8f: {  	v13 =	vld [tilespmem:s12+$0x4A00];
	v4 =	vadd.f32 v25, v4;
	v37 =	vadd.f32 v26, v8  }
0x90: {  	v29 =	vld [tilespmem:s16+$0x4BA0];
	v5 =	vadd.f32 v28, v5  }
0x91: {  	v30 =	vld [tilespmem:s12+$0x4A80];
	v4 =	vadd.f32 v27, v4;
	v6 =	vadd.f32 v14, v37  }
0x92: {  	v31 =	vld [tilespmem:s12+$0x4B00]  }
0x93: {  	v33 =	vld [tilespmem:s12+$0x4B80];
	v5 =	vadd.f32 v12, v5;
	v4 =	vadd.f32 v11, v4;
	[tilespmem:s9+$0x14A50] =	vst v6  }
0x94: {  	v43 =	vld [tilespmem:s13+$0x4A60]  }
0x95: {  	v5 =	vadd.f32 v29, v5;
	v45 =	vld [tilespmem:s13+$0x4AE0];
	[tilespmem:s10+$0x14A30] =	vst v4  }
0x96: {  	v32 =	vld [tilespmem:s15+$0x4A40]  }
0x97: {  	v34 =	vadd.f32 v30, v13;
	[tilespmem:s29+$0x14A20] =	vst v5;
	v15 =	vld [tilespmem:s15+$0x4AC0]  }
0x98: {  	v5 =	vld [tilespmem:s16+$0x4A30]  }
0x99: {  	v4 =	vadd.f32 v31, v34;
	v38 =	vld [tilespmem:s16+$0x4AB0]  }
0x9a: {  	v35 =	vld [tilespmem:s15+$0x4B40]  }
0x9b: {  	s18 =	sshll.u32 s24, $0x7;
	v39 =	vld [tilespmem:s16+$0x4B30];
	v4 =	vadd.f32 v33, v4  }
0x9c: {  	s30 =	sand.u32 $0x3FFFFF80, s18;
	v36 =	vld [tilespmem:s15+$0x4BC0]  }
0x9d: {  	v40 =	vld [tilespmem:s16+$0x4BB0];
	[tilespmem:s30+$0x14A00] =	vst v4;
	v41 =	vadd.f32 v15, v32  }
0x9e: {  	v4 =	vld [tilespmem:s12+$0x4A10];
	v5 =	vadd.f32 v38, v5  }
0x9f: {  	v42 =	vld [tilespmem:s12+$0x4A90];
	v6 =	vadd.f32 v35, v41  }
0xa0: {  	v47 =	vld [tilespmem:s13+$0x4B60];
	v5 =	vadd.f32 v39, v5  }
0xa1: {  	v44 =	vld [tilespmem:s12+$0x4B10];
	v6 =	vadd.f32 v36, v6  }
0xa2: {  	v48 =	vld [tilespmem:s13+$0x4BE0];
	v5 =	vadd.f32 v40, v5  }
0xa3: {  	v46 =	vld [tilespmem:s12+$0x4B90];
	[tilespmem:s10+$0x14A40] =	vst v6  }
0xa4: {  	v4 =	vadd.f32 v42, v4;
	[tilespmem:s29+$0x14A30] =	vst v5;
	v6 =	vld [tilespmem:s15+$0x4A50]  }
0xa5: {  	v5 =	vld [tilespmem:s16+$0x4A40]  }
0xa6: {  	v4 =	vadd.f32 v44, v4;
	v49 =	vld [tilespmem:s16+$0x4AC0]  }
0xa7: {  	v50 =	vld [tilespmem:s16+$0x4B40]  }
0xa8: {  	v51 =	vld [tilespmem:s16+$0x4BC0];
	v4 =	vadd.f32 v46, v4  }
0xa9: {  	v55 =	vld [tilespmem:s15+$0x4AD0]  }
0xaa: {  	v11 =	vadd.f32 v45, v43;
	v57 =	vld [tilespmem:s15+$0x4B50];
	[tilespmem:s30+$0x14A10] =	vst v4  }
0xab: {  	v52 =	vld [tilespmem:s12+$0x4A20]  }
0xac: {  	v53 =	vadd.f32 v47, v11;
	v54 =	vld [tilespmem:s12+$0x4AA0];
	v5 =	vadd.f32 v49, v5  }
0xad: {  	v59 =	vld [tilespmem:s15+$0x4BD0]  }
0xae: {  	v4 =	vadd.f32 v48, v53;
	v56 =	vld [tilespmem:s12+$0x4B20];
	v5 =	vadd.f32 v50, v5  }
0xaf: {  	v6 =	vadd.f32 v55, v6  }
0xb0: {  	v58 =	vld [tilespmem:s12+$0x4BA0];
	[tilespmem:s9+$0x14A60] =	vst v4;
	v12 =	vadd.f32 v51, v5  }
0xb1: {  	v4 =	vld [tilespmem:s13+$0x4A70];
	v6 =	vadd.f32 v57, v6;
	v10 =	vadd.f32 v54, v52  }
0xb2: {  	v5 =	vld [tilespmem:s13+$0x4AF0];
	[tilespmem:s29+$0x14A40] =	vst v12  }
0xb3: {  	v6 =	vadd.f32 v59, v6;
	v7 =	vadd.f32 v56, v10;
	v60 =	vld [tilespmem:s16+$0x4A50]  }
0xb4: {  	v61 =	vld [tilespmem:s16+$0x4AD0]  }
0xb5: {  	[tilespmem:s10+$0x14A50] =	vst v6;
	v6 =	vld [tilespmem:s13+$0x4B70];
	v7 =	vadd.f32 v58, v7  }
0xb6: {  	v62 =	vld [tilespmem:s16+$0x4B50]  }
0xb7: {  	v63 =	vld [tilespmem:s16+$0x4BD0];
	[tilespmem:s30+$0x14A20] =	vst v7  }
0xb8: {  	v7 =	vld [tilespmem:s12+$0x4A30]  }
0xb9: {  	v16 =	vld [tilespmem:s12+$0x4AB0];
	v18 =	vadd.f32 v61, v60  }
0xba: {  	v17 =	vld [tilespmem:s15+$0x4A60]  }
0xbb: {  	v19 =	vld [tilespmem:s12+$0x4B30];
	v9 =	vadd.f32 v62, v18  }
0xbc: {  	v20 =	vld [tilespmem:s15+$0x4AE0]  }
0xbd: {  	v21 =	vld [tilespmem:s12+$0x4BB0];
	v9 =	vadd.f32 v63, v9  }
0xbe: {  	v22 =	vld [tilespmem:s15+$0x4B60];
	v7 =	vadd.f32 v16, v7  }
0xbf: {  	v23 =	vld [tilespmem:s15+$0x4BE0];
	[tilespmem:s29+$0x14A50] =	vst v9  }
0xc0: {  	v7 =	vadd.f32 v19, v7;
	v24 =	vld [tilespmem:s16+$0x4A60]  }
0xc1: {  	v25 =	vadd.f32 v20, v17;
	v26 =	vld [tilespmem:s16+$0x4AE0]  }
0xc2: {  	v27 =	vld [tilespmem:s16+$0x4B60];
	v7 =	vadd.f32 v21, v7  }
0xc3: {  	v9 =	vadd.f32 v22, v25;
	v28 =	vld [tilespmem:s16+$0x4BE0]  }
0xc4: {  	[tilespmem:s30+$0x14A30] =	vst v7;
	v7 =	vld [tilespmem:s13+$0x4BF0]  }
0xc5: {  	v9 =	vadd.f32 v23, v9;
	v29 =	vld [tilespmem:s12+$0x4A40]  }
0xc6: {  	v16 =	vld [tilespmem:s12+$0x4AC0]  }
0xc7: {  	[tilespmem:s10+$0x14A60] =	vst v9;
	v30 =	vld [tilespmem:s12+$0x4B40]  }
0xc8: {  	v11 =	vld [tilespmem:s15+$0x4A70];
	v8 =	vadd.f32 v26, v24  }
0xc9: {  	s18 =	sor.u32 $0x6, s14;
	v31 =	vld [tilespmem:s12+$0x4BC0]  }
0xca: {  	s24 =	sshll.u32 s18, $0x9;
	v12 =	vld [tilespmem:s15+$0x4AF0];
	v8 =	vadd.f32 v27, v8  }
0xcb: {  	s13 =	sand.u32 $0x3FFFFE00, s24;
	v10 =	vld [tilespmem:s15+$0x4B70]  }
0xcc: {  	v33 =	vld [tilespmem:s13+$0x4A00];
	v14 =	vadd.f32 v28, v8  }
0xcd: {  	v24 =	vld [tilespmem:s13+$0x4A80];
	v15 =	vadd.f32 v16, v29  }
0xce: {  	v8 =	vld [tilespmem:s15+$0x4BF0];
	[tilespmem:s29+$0x14A60] =	vst v14  }
0xcf: {  	s15 =	sor.u32 $0x5, s14;
	v9 =	vadd.f32 v30, v15;
	v14 =	vld [tilespmem:s16+$0x4A70]  }
0xd0: {  	s21 =	sshll.u32 s15, $0x9;
	v15 =	vld [tilespmem:s16+$0x4AF0]  }
0xd1: {  	s21 =	sand.u32 $0x3FFFFE00, s21;
	v13 =	vld [tilespmem:s16+$0x4B70];
	v32 =	vadd.f32 v31, v9  }
0xd2: {  	v20 =	vld [tilespmem:s21+$0x4A00]  }
0xd3: {  	v21 =	vld [tilespmem:s21+$0x4A80];
	[tilespmem:s30+$0x14A40] =	vst v32  }
0xd4: {  	v16 =	vld [tilespmem:s12+$0x4A50]  }
0xd5: {  	v17 =	vld [tilespmem:s12+$0x4AD0]  }
0xd6: {  	v22 =	vld [tilespmem:s21+$0x4B00]  }
0xd7: {  	v18 =	vld [tilespmem:s12+$0x4B50]  }
0xd8: {  	v23 =	vld [tilespmem:s21+$0x4B80]  }
0xd9: {  	s24 =	sor.u32 $0x7, s14;
	v19 =	vld [tilespmem:s12+$0x4BD0]  }
0xda: {  	v9 =	vld [tilespmem:s16+$0x4BF0];
	s16 =	sshll.u32 s24, $0x9;
	v16 =	vadd.f32 v17, v16  }
0xdb: {  	v35 =	vld [tilespmem:s13+$0x4B00];
	s16 =	sand.u32 $0x3FFFFE00, s16;
	v34 =	vadd.f32 v21, v20  }
0xdc: {  	v36 =	vld [tilespmem:s16+$0x4A00];
	v16 =	vadd.f32 v18, v16  }
0xdd: {  	v37 =	vld [tilespmem:s16+$0x4A80];
	v18 =	vadd.f32 v22, v34  }
0xde: {  	v38 =	vld [tilespmem:s13+$0x4B80];
	v16 =	vadd.f32 v19, v16  }
0xdf: {  	s15 =	sshll.u32 s15, $0x7;
	v40 =	vld [tilespmem:s16+$0x4B00];
	v17 =	vadd.f32 v24, v33;
	v39 =	vadd.f32 v23, v18  }
0xe0: {  	s15 =	sand.u32 $0x3FFFFF80, s15;
	v42 =	vld [tilespmem:s16+$0x4B80];
	[tilespmem:s30+$0x14A50] =	vst v16  }
0xe1: {  	v41 =	vadd.f32 v35, v17;
	[tilespmem:s15+$0x14A00] =	vst v39;
	v23 =	vld [tilespmem:s12+$0x4A60]  }
0xe2: {  	v19 =	vadd.f32 v37, v36;
	v43 =	vld [tilespmem:s21+$0x4A10]  }
0xe3: {  	s18 =	sshll.u32 s18, $0x7;
	v16 =	vadd.f32 v38, v41;
	v44 =	vld [tilespmem:s21+$0x4A90]  }
0xe4: {  	s18 =	sand.u32 $0x3FFFFF80, s18;
	v18 =	vadd.f32 v40, v19;
	v45 =	vld [tilespmem:s21+$0x4B10]  }
0xe5: {  	v46 =	vld [tilespmem:s21+$0x4B90];
	[tilespmem:s18+$0x14A00] =	vst v16  }
0xe6: {  	s24 =	sshll.u32 s24, $0x7;
	v17 =	vadd.f32 v42, v18;
	v16 =	vld [tilespmem:s13+$0x4A10]  }
0xe7: {  	s24 =	sand.u32 $0x3FFFFF80, s24;
	v47 =	vld [tilespmem:s13+$0x4A90]  }
0xe8: {  	v48 =	vld [tilespmem:s13+$0x4B10];
	[tilespmem:s24+$0x14A00] =	vst v17;
	v20 =	vadd.f32 v44, v43  }
0xe9: {  	v17 =	vld [tilespmem:s16+$0x4A10]  }
0xea: {  	v49 =	vld [tilespmem:s16+$0x4A90];
	v20 =	vadd.f32 v45, v20  }
0xeb: {  	v50 =	vld [tilespmem:s13+$0x4B90]  }
0xec: {  	v51 =	vld [tilespmem:s16+$0x4B10];
	v16 =	vadd.f32 v47, v16;
	v19 =	vadd.f32 v46, v20  }
0xed: {  	v52 =	vld [tilespmem:s12+$0x4AE0]  }
0xee: {  	v53 =	vld [tilespmem:s16+$0x4B90];
	v16 =	vadd.f32 v48, v16;
	[tilespmem:s15+$0x14A10] =	vst v19  }
0xef: {  	v17 =	vadd.f32 v49, v17;
	v54 =	vld [tilespmem:s21+$0x4A20]  }
0xf0: {  	v16 =	vadd.f32 v50, v16;
	v55 =	vld [tilespmem:s21+$0x4AA0]  }
0xf1: {  	v17 =	vadd.f32 v51, v17;
	v56 =	vld [tilespmem:s21+$0x4B20]  }
0xf2: {  	v57 =	vld [tilespmem:s21+$0x4BA0];
	[tilespmem:s18+$0x14A10] =	vst v16  }
0xf3: {  	v17 =	vadd.f32 v53, v17;
	v16 =	vld [tilespmem:s13+$0x4A20]  }
0xf4: {  	v58 =	vld [tilespmem:s13+$0x4AA0]  }
0xf5: {  	v59 =	vld [tilespmem:s13+$0x4B20];
	[tilespmem:s24+$0x14A10] =	vst v17;
	v21 =	vadd.f32 v55, v54  }
0xf6: {  	v17 =	vld [tilespmem:s16+$0x4A20]  }
0xf7: {  	v60 =	vld [tilespmem:s16+$0x4AA0];
	v21 =	vadd.f32 v56, v21  }
0xf8: {  	v25 =	vld [tilespmem:s13+$0x4BA0]  }
0xf9: {  	v61 =	vld [tilespmem:s16+$0x4B20];
	v16 =	vadd.f32 v58, v16;
	v18 =	vadd.f32 v57, v21  }
0xfa: {  	v62 =	vld [tilespmem:s12+$0x4B60]  }
0xfb: {  	v63 =	vld [tilespmem:s16+$0x4BA0];
	v16 =	vadd.f32 v59, v16;
	[tilespmem:s15+$0x14A20] =	vst v18  }
0xfc: {  	v17 =	vadd.f32 v60, v17;
	v28 =	vld [tilespmem:s21+$0x4A30]  }
0xfd: {  	v16 =	vadd.f32 v25, v16;
	v29 =	vld [tilespmem:s21+$0x4AB0]  }
0xfe: {  	v17 =	vadd.f32 v61, v17;
	v30 =	vld [tilespmem:s21+$0x4B30]  }
0xff: {  	v31 =	vld [tilespmem:s21+$0x4BB0];
	[tilespmem:s18+$0x14A20] =	vst v16  }
0x100: {  	v17 =	vadd.f32 v63, v17;
	v16 =	vld [tilespmem:s13+$0x4A30]  }
0x101: {  	v32 =	vld [tilespmem:s13+$0x4AB0]  }
0x102: {  	v33 =	vld [tilespmem:s13+$0x4B30];
	[tilespmem:s24+$0x14A20] =	vst v17;
	v22 =	vadd.f32 v29, v28  }
0x103: {  	v17 =	vld [tilespmem:s16+$0x4A30]  }
0x104: {  	v34 =	vld [tilespmem:s16+$0x4AB0];
	v22 =	vadd.f32 v30, v22  }
0x105: {  	v26 =	vld [tilespmem:s13+$0x4BB0]  }
0x106: {  	v35 =	vld [tilespmem:s16+$0x4B30];
	v16 =	vadd.f32 v32, v16;
	v19 =	vadd.f32 v31, v22  }
0x107: {  	v36 =	vld [tilespmem:s12+$0x4BE0]  }
0x108: {  	v37 =	vld [tilespmem:s16+$0x4BB0];
	v16 =	vadd.f32 v33, v16;
	[tilespmem:s15+$0x14A30] =	vst v19  }
0x109: {  	v17 =	vadd.f32 v34, v17;
	v38 =	vld [tilespmem:s21+$0x4A40]  }
0x10a: {  	v16 =	vadd.f32 v26, v16;
	v39 =	vld [tilespmem:s21+$0x4AC0]  }
0x10b: {  	v17 =	vadd.f32 v35, v17;
	v40 =	vld [tilespmem:s21+$0x4B40]  }
0x10c: {  	v41 =	vld [tilespmem:s21+$0x4BC0];
	[tilespmem:s18+$0x14A30] =	vst v16  }
0x10d: {  	v17 =	vadd.f32 v37, v17;
	v43 =	vld [tilespmem:s13+$0x4A40]  }
0x10e: {  	v42 =	vadd.f32 v52, v23;
	v44 =	vld [tilespmem:s13+$0x4AC0]  }
0x10f: {  	v46 =	vld [tilespmem:s13+$0x4B40];
	[tilespmem:s24+$0x14A30] =	vst v17;
	v45 =	vadd.f32 v39, v38  }
0x110: {  	v16 =	vadd.f32 v62, v42;
	v17 =	vld [tilespmem:s16+$0x4A40]  }
0x111: {  	v47 =	vld [tilespmem:s16+$0x4AC0];
	v21 =	vadd.f32 v40, v45  }
0x112: {  	v48 =	vld [tilespmem:s13+$0x4BC0];
	v16 =	vadd.f32 v36, v16  }
0x113: {  	v51 =	vld [tilespmem:s16+$0x4B40];
	v50 =	vadd.f32 v44, v43;
	v49 =	vadd.f32 v41, v21  }
0x114: {  	v53 =	vld [tilespmem:s16+$0x4BC0];
	[tilespmem:s30+$0x14A60] =	vst v16  }
0x115: {  	v20 =	vld [tilespmem:s12+$0x4A70];
	v52 =	vadd.f32 v46, v50;
	[tilespmem:s15+$0x14A40] =	vst v49  }
0x116: {  	v17 =	vadd.f32 v47, v17;
	v54 =	vld [tilespmem:s21+$0x4A50]  }
0x117: {  	v16 =	vadd.f32 v48, v52;
	v55 =	vld [tilespmem:s21+$0x4AD0]  }
0x118: {  	v17 =	vadd.f32 v51, v17;
	v56 =	vld [tilespmem:s21+$0x4B50]  }
0x119: {  	v57 =	vld [tilespmem:s21+$0x4BD0];
	[tilespmem:s18+$0x14A40] =	vst v16  }
0x11a: {  	v17 =	vadd.f32 v53, v17;
	v16 =	vld [tilespmem:s13+$0x4A50]  }
0x11b: {  	v58 =	vld [tilespmem:s13+$0x4AD0]  }
0x11c: {  	v59 =	vld [tilespmem:s13+$0x4B50];
	[tilespmem:s24+$0x14A40] =	vst v17;
	v21 =	vadd.f32 v55, v54  }
0x11d: {  	v17 =	vld [tilespmem:s16+$0x4A50]  }
0x11e: {  	v60 =	vld [tilespmem:s16+$0x4AD0];
	v21 =	vadd.f32 v56, v21  }
0x11f: {  	v61 =	vld [tilespmem:s13+$0x4BD0]  }
0x120: {  	v62 =	vld [tilespmem:s16+$0x4B50];
	v16 =	vadd.f32 v58, v16;
	v19 =	vadd.f32 v57, v21  }
0x121: {  	v63 =	vld [tilespmem:s12+$0x4AF0]  }
0x122: {  	v29 =	vld [tilespmem:s16+$0x4BD0];
	v16 =	vadd.f32 v59, v16;
	[tilespmem:s15+$0x14A50] =	vst v19  }
0x123: {  	v17 =	vadd.f32 v60, v17;
	v30 =	vld [tilespmem:s21+$0x4A60]  }
0x124: {  	v16 =	vadd.f32 v61, v16;
	v31 =	vld [tilespmem:s21+$0x4AE0]  }
0x125: {  	v17 =	vadd.f32 v62, v17;
	v32 =	vld [tilespmem:s21+$0x4B60]  }
0x126: {  	v33 =	vld [tilespmem:s21+$0x4BE0];
	[tilespmem:s18+$0x14A50] =	vst v16  }
0x127: {  	v17 =	vadd.f32 v29, v17;
	v16 =	vld [tilespmem:s13+$0x4A60]  }
0x128: {  	v34 =	vld [tilespmem:s13+$0x4AE0]  }
0x129: {  	v35 =	vld [tilespmem:s13+$0x4B60];
	[tilespmem:s24+$0x14A50] =	vst v17  }
0x12a: {  	v37 =	vld [tilespmem:s16+$0x4A60];
	v36 =	vadd.f32 v31, v30  }
0x12b: {  	v38 =	vld [tilespmem:s16+$0x4AE0]  }
0x12c: {  	v39 =	vld [tilespmem:s13+$0x4BE0];
	v17 =	vadd.f32 v32, v36  }
0x12d: {  	v40 =	vld [tilespmem:s16+$0x4B60]  }
0x12e: {  	v27 =	vld [tilespmem:s12+$0x4B70];
	v16 =	vadd.f32 v34, v16;
	v17 =	vadd.f32 v33, v17  }
0x12f: {  	v41 =	vld [tilespmem:s16+$0x4BE0]  }
0x130: {  	v42 =	vld [tilespmem:s12+$0x4BF0];
	v16 =	vadd.f32 v35, v16;
	v43 =	vadd.f32 v38, v37;
	[tilespmem:s15+$0x14A60] =	vst v17  }
0x131: {  	v44 =	vld [tilespmem:s21+$0x4A70]  }
0x132: {  	v16 =	vadd.f32 v39, v16;
	v17 =	vadd.f32 v40, v43;
	v45 =	vld [tilespmem:s21+$0x4AF0]  }
0x133: {  	v46 =	vld [tilespmem:s21+$0x4B70]  }
0x134: {  	v0 =	vadd.f32 v1, v0;
	v47 =	vld [tilespmem:s21+$0x4BF0];
	[tilespmem:s18+$0x14A60] =	vst v16;
	v48 =	vadd.f32 v41, v17  }
0x135: {  	v4 =	vadd.f32 v5, v4;
	v49 =	vld [tilespmem:s13+$0x4A70]  }
0x136: {  	v0 =	vadd.f32 v3, v0;
	v52 =	vadd.f32 v15, v14;
	v51 =	vld [tilespmem:s13+$0x4AF0];
	[tilespmem:s24+$0x14A60] =	vst v48  }
0x137: {  	v4 =	vadd.f32 v6, v4;
	v50 =	vadd.f32 v12, v11;
	v53 =	vld [tilespmem:s16+$0x4A70]  }
0x138: {  	v0 =	vadd.f32 v2, v0;
	v6 =	vadd.f32 v13, v52;
	v55 =	vld [tilespmem:s16+$0x4AF0]  }
0x139: {  	v4 =	vadd.f32 v7, v4;
	v54 =	vadd.f32 v10, v50;
	v56 =	vld [tilespmem:s13+$0x4B70]  }
0x13a: {  	v6 =	vadd.f32 v9, v6;
	v57 =	vadd.f32 v63, v20;
	v58 =	vld [tilespmem:s16+$0x4B70]  }
0x13b: {  	v2 =	vadd.f32 v8, v54;
	v59 =	vld [tilespmem:s13+$0x4BF0];
	v60 =	vadd.f32 v45, v44  }
0x13c: {  	[tilespmem:s6+$0x14A70] =	vst v0;
	v8 =	vadd.f32 v27, v57;
	v61 =	vld [tilespmem:s16+$0x4BF0];
	v1 =	vadd.f32 v51, v49  }
0x13d: {  	[tilespmem:s9+$0x14A70] =	vst v4;
	v62 =	vadd.f32 v46, v60;
	v3 =	vadd.f32 v55, v53  }
0x13e: {  	p1 =	slt.u32 s14, $0x18;
	[tilespmem:s29+$0x14A70] =	vst v6;
	v63 =	vadd.f32 v42, v8;
	v1 =	vadd.f32 v56, v1  }
.Ltmp0:
0x13f: {  	[tilespmem:s10+$0x14A70] =	vst v2;
	v4 =	vadd.f32 v47, v62;
	v3 =	vadd.f32 v58, v3;
	(pc) =	sbr.rel @p1 .LBB2_3-.Ltmp0, $4  }
0x140: {  	[tilespmem:s30+$0x14A70] =	vst v63;
	v1 =	vadd.f32 v59, v1  }
0x141: {  	[tilespmem:s15+$0x14A70] =	vst v4;
	v0 =	vadd.f32 v61, v3  }
0x142: {  	s30 =	sadd.s32 $0x8, s14;
	[tilespmem:s18+$0x14A70] =	vst v1  }
0x143: {  	s14 =	smov.u32 s30;
	[tilespmem:s24+$0x14A70] =	vst v0  }
0x144: {  	p1 =	sne.s32 s31, $0x24  }
.Ltmp1:
0x145: {  	_ = 	snop;
	(pc) =	sbr.rel @p1 .LBB2_6-.Ltmp1, $4  }
0x146: {  	s6 =	sadd.s32 s4, s1  }
0x147: {  	s6 =	sshll.u32 s6, $0x9  }
0x148: {  	s9 =	simm.s32 $0x14A00;
	s6 =	sadd.s32 s5, s6  }
0x149: {  	[hbm4b:s6+s2] =	stream.linear.scatter [tilespmem:s9], [sflag:$0x5], $0x1000, $0x38;
	[tilespmem:$0x18A00] =	vst v63  }
.Ltmp2:
0x14a: {  	(pc) =	sbr.rel .LBB2_7-.Ltmp2, $4  }
0x14b: {  	_ = 	snop  }
0x14c: {  	_ =	swait.ge [sflag:s19], $0x4000  }
0x14d: {  	[sflag:s19] =	ssyncset.done $0x0  }
0x14e: {  	[sflag:s19] =	ssyncadd.s32 $0xFFFFC000  }
.LBB2_6:
0x14f: {  	s6 =	sshll.u32 s31, $0x9  }
0x150: {  	s6 =	sand.u32 $0x3FFFFE00, s6  }
.Ltmp3:
0x151: {  	s9 =	simm.s32 $0x4A00;
	s6 =	sadd.s32 $0x200, s6;
	(pc) =	sbr.rel @p0 .LBB2_8-.Ltmp3, $4  }
0x152: {  	[tilespmem:s9], [sflag:$0x1] =	stream.indirect.gather [hbm4b:s3+s11], $0x80, s6, s11, $0xb8;
	[tilespmem:$0x18A00] =	vst v63  }
0x153: {  	_ =	swait.ge [sflag:s19], $0x4000  }
0x154: {  	[sflag:s19] =	ssyncset.done $0x0  }
0x155: {  	[sflag:s19] =	ssyncadd.s32 $0xFFFFC000  }
.LBB2_7:
0x156: {  	_ =	swait.ge [sflag:s20], $0x1000  }
0x157: {  	[sflag:s20] =	ssyncset.done $0x0  }
0x158: {  	[sflag:s20] =	ssyncadd.s32 $0xFFFFF000  }
.LBB2_8:
0x159: {  	s14 =	simm.s32 $0x0  }
.LBB2_9:
0x15a: {  	s6 =	sshll.u32 s14, $0x9  }
0x15b: {  	s12 =	sand.u32 $0x3FFFFE00, s6  }
0x15c: {  	v0 =	vld [tilespmem:s12+$0x8A00]  }
0x15d: {  	v1 =	vld [tilespmem:s12+$0x8A80];
	_ =	sdelay $0x1  }
0x15e: {  	v2 =	vld [tilespmem:s12+$0x8B00];
	_ =	sdelay $0x1  }
0x15f: {  	v3 =	vld [tilespmem:s12+$0x8B80]  }
0x160: {  	v0 =	vadd.f32 v1, v0;
	_ =	sdelay $0x1  }
0x161: {  	v0 =	vadd.f32 v2, v0;
	_ =	sdelay $0x1  }
0x162: {  	s18 =	sshll.u32 s14, $0x7;
	v0 =	vadd.f32 v3, v0  }
0x163: {  	s6 =	sand.u32 $0x3FFFFF80, s18  }
0x164: {  	[tilespmem:s6+$0x15A00] =	vst v0  }
0x165: {  	v0 =	vld [tilespmem:s12+$0x8A10]  }
0x166: {  	v21 =	vld [tilespmem:s12+$0x8A90];
	_ =	sdelay $0x1  }
0x167: {  	v22 =	vld [tilespmem:s12+$0x8B10];
	_ =	sdelay $0x1  }
0x168: {  	v23 =	vld [tilespmem:s12+$0x8B90]  }
0x169: {  	v0 =	vadd.f32 v21, v0;
	_ =	sdelay $0x1  }
0x16a: {  	v0 =	vadd.f32 v22, v0;
	_ =	sdelay $0x1  }
0x16b: {  	v0 =	vadd.f32 v23, v0;
	_ =	sdelay $0x1  }
0x16c: {  	[tilespmem:s6+$0x15A10] =	vst v0  }
0x16d: {  	v0 =	vld [tilespmem:s12+$0x8A20]  }
0x16e: {  	v24 =	vld [tilespmem:s12+$0x8AA0];
	_ =	sdelay $0x1  }
0x16f: {  	v25 =	vld [tilespmem:s12+$0x8B20];
	_ =	sdelay $0x1  }
0x170: {  	v26 =	vld [tilespmem:s12+$0x8BA0]  }
0x171: {  	v0 =	vadd.f32 v24, v0;
	_ =	sdelay $0x1  }
0x172: {  	v0 =	vadd.f32 v25, v0;
	_ =	sdelay $0x1  }
0x173: {  	v0 =	vadd.f32 v26, v0;
	_ =	sdelay $0x1  }
0x174: {  	[tilespmem:s6+$0x15A20] =	vst v0  }
0x175: {  	v0 =	vld [tilespmem:s12+$0x8A30]  }
0x176: {  	v27 =	vld [tilespmem:s12+$0x8AB0];
	_ =	sdelay $0x1  }
0x177: {  	v28 =	vld [tilespmem:s12+$0x8B30];
	_ =	sdelay $0x1  }
0x178: {  	v29 =	vld [tilespmem:s12+$0x8BB0]  }
0x179: {  	v0 =	vadd.f32 v27, v0  }
0x17a: {  	s9 =	sor.u32 $0x1, s14  }
0x17b: {  	s10 =	sshll.u32 s9, $0x9;
	v0 =	vadd.f32 v28, v0  }
0x17c: {  	s13 =	sand.u32 $0x3FFFFE00, s10  }
0x17d: {  	v32 =	vld [tilespmem:s13+$0x8A00];
	v0 =	vadd.f32 v29, v0  }
0x17e: {  	v4 =	vld [tilespmem:s13+$0x8A80]  }
0x17f: {  	v6 =	vld [tilespmem:s13+$0x8B00];
	[tilespmem:s6+$0x15A30] =	vst v0  }
0x180: {  	v0 =	vld [tilespmem:s12+$0x8A40]  }
0x181: {  	v30 =	vld [tilespmem:s12+$0x8AC0]  }
0x182: {  	v33 =	vld [tilespmem:s13+$0x8B80]  }
0x183: {  	v31 =	vld [tilespmem:s12+$0x8B40]  }
0x184: {  	v34 =	vadd.f32 v4, v32  }
0x185: {  	v5 =	vld [tilespmem:s12+$0x8BC0]  }
0x186: {  	v2 =	vadd.f32 v6, v34;
	v0 =	vadd.f32 v30, v0;
	_ =	sdelay $0x1  }
0x187: {  	s9 =	sshll.u32 s9, $0x7;
	v35 =	vadd.f32 v33, v2;
	v0 =	vadd.f32 v31, v0  }
0x188: {  	s9 =	sand.u32 $0x3FFFFF80, s9  }
0x189: {  	[tilespmem:s9+$0x15A00] =	vst v35;
	v0 =	vadd.f32 v5, v0  }
0x18a: {  	v38 =	vld [tilespmem:s13+$0x8A90]  }
0x18b: {  	[tilespmem:s6+$0x15A40] =	vst v0;
	v0 =	vld [tilespmem:s13+$0x8A10];
	_ =	sdelay $0x1  }
0x18c: {  	v40 =	vld [tilespmem:s13+$0x8B10];
	_ =	sdelay $0x1  }
0x18d: {  	s21 =	sor.u32 $0x2, s14;
	v42 =	vld [tilespmem:s13+$0x8B90]  }
0x18e: {  	s15 =	sshll.u32 s21, $0x9;
	v0 =	vadd.f32 v38, v0  }
0x18f: {  	s18 =	sor.u32 $0x3, s14;
	s15 =	sand.u32 $0x3FFFFE00, s15  }
0x190: {  	s16 =	sshll.u32 s18, $0x9;
	v46 =	vld [tilespmem:s15+$0x8A00];
	v0 =	vadd.f32 v40, v0  }
0x191: {  	v47 =	vld [tilespmem:s15+$0x8A80];
	s16 =	sand.u32 $0x3FFFFE00, s16  }
0x192: {  	v61 =	vld [tilespmem:s16+$0x8A00];
	v0 =	vadd.f32 v42, v0  }
0x193: {  	v63 =	vld [tilespmem:s16+$0x8A80]  }
0x194: {  	v12 =	vld [tilespmem:s16+$0x8B00];
	[tilespmem:s9+$0x15A10] =	vst v0  }
0x195: {  	v0 =	vld [tilespmem:s13+$0x8A20]  }
0x196: {  	v43 =	vld [tilespmem:s13+$0x8AA0]  }
0x197: {  	v14 =	vld [tilespmem:s16+$0x8B80]  }
0x198: {  	v6 =	vadd.f32 v63, v61;
	v44 =	vld [tilespmem:s13+$0x8B20]  }
0x199: {  	v48 =	vld [tilespmem:s15+$0x8B00]  }
0x19a: {  	v4 =	vadd.f32 v12, v6;
	v45 =	vld [tilespmem:s13+$0x8BA0]  }
0x19b: {  	v36 =	vld [tilespmem:s12+$0x8A50];
	v0 =	vadd.f32 v43, v0  }
0x19c: {  	s18 =	sshll.u32 s18, $0x7;
	v3 =	vadd.f32 v14, v4;
	v37 =	vld [tilespmem:s12+$0x8AD0]  }
0x19d: {  	v49 =	vld [tilespmem:s15+$0x8B80];
	s29 =	sand.u32 $0x3FFFFF80, s18;
	v0 =	vadd.f32 v44, v0  }
0x19e: {  	[tilespmem:s29+$0x15A00] =	vst v3;
	v39 =	vld [tilespmem:s12+$0x8B50]  }
0x19f: {  	v50 =	vadd.f32 v47, v46;
	v10 =	vld [tilespmem:s16+$0x8A10];
	v0 =	vadd.f32 v45, v0  }
0x1a0: {  	v41 =	vld [tilespmem:s12+$0x8BD0]  }
0x1a1: {  	v52 =	vadd.f32 v48, v50;
	v20 =	vld [tilespmem:s16+$0x8A90];
	v1 =	vadd.f32 v37, v36;
	[tilespmem:s9+$0x15A20] =	vst v0  }
0x1a2: {  	v53 =	vld [tilespmem:s13+$0x8A30]  }
0x1a3: {  	s10 =	sshll.u32 s21, $0x7;
	v1 =	vadd.f32 v39, v1;
	v0 =	vadd.f32 v49, v52;
	v54 =	vld [tilespmem:s13+$0x8AB0]  }
0x1a4: {  	s10 =	sand.u32 $0x3FFFFF80, s10;
	v55 =	vld [tilespmem:s13+$0x8B30]  }
0x1a5: {  	v1 =	vadd.f32 v41, v1;
	v56 =	vld [tilespmem:s13+$0x8BB0];
	[tilespmem:s10+$0x15A00] =	vst v0  }
0x1a6: {  	v57 =	vld [tilespmem:s15+$0x8A10]  }
0x1a7: {  	[tilespmem:s6+$0x15A50] =	vst v1;
	v58 =	vld [tilespmem:s15+$0x8A90]  }
0x1a8: {  	v1 =	vld [tilespmem:s12+$0x8A60];
	v2 =	vadd.f32 v54, v53  }
0x1a9: {  	v59 =	vld [tilespmem:s15+$0x8B10]  }
0x1aa: {  	v7 =	vld [tilespmem:s12+$0x8AE0];
	v2 =	vadd.f32 v55, v2  }
0x1ab: {  	v60 =	vld [tilespmem:s15+$0x8B90]  }
0x1ac: {  	v21 =	vld [tilespmem:s16+$0x8B10];
	v62 =	vadd.f32 v58, v57;
	v2 =	vadd.f32 v56, v2  }
0x1ad: {  	v8 =	vld [tilespmem:s12+$0x8B60]  }
0x1ae: {  	v51 =	vld [tilespmem:s12+$0x8BE0];
	v11 =	vadd.f32 v59, v62;
	[tilespmem:s9+$0x15A30] =	vst v2  }
0x1af: {  	v13 =	vld [tilespmem:s13+$0x8A40]  }
0x1b0: {  	v1 =	vadd.f32 v7, v1;
	v2 =	vadd.f32 v60, v11;
	v15 =	vld [tilespmem:s13+$0x8AC0]  }
0x1b1: {  	v16 =	vld [tilespmem:s13+$0x8B40]  }
0x1b2: {  	v1 =	vadd.f32 v8, v1;
	v9 =	vld [tilespmem:s13+$0x8BC0];
	[tilespmem:s10+$0x15A10] =	vst v2  }
0x1b3: {  	v2 =	vld [tilespmem:s15+$0x8A20]  }
0x1b4: {  	v1 =	vadd.f32 v51, v1;
	v17 =	vld [tilespmem:s15+$0x8AA0]  }
0x1b5: {  	v22 =	vld [tilespmem:s16+$0x8B90];
	v5 =	vadd.f32 v15, v13  }
0x1b6: {  	[tilespmem:s6+$0x15A60] =	vst v1;
	v18 =	vld [tilespmem:s15+$0x8B20]  }
0x1b7: {  	v0 =	vld [tilespmem:s12+$0x8A70];
	v5 =	vadd.f32 v16, v5  }
0x1b8: {  	v19 =	vld [tilespmem:s15+$0x8BA0]  }
0x1b9: {  	v1 =	vld [tilespmem:s12+$0x8AF0];
	v2 =	vadd.f32 v17, v2;
	v5 =	vadd.f32 v9, v5  }
0x1ba: {  	v3 =	vld [tilespmem:s12+$0x8B70]  }
0x1bb: {  	v6 =	vadd.f32 v20, v10;
	v4 =	vadd.f32 v18, v2;
	v2 =	vld [tilespmem:s12+$0x8BF0];
	[tilespmem:s9+$0x15A40] =	vst v5  }
0x1bc: {  	v23 =	vld [tilespmem:s13+$0x8A50]  }
0x1bd: {  	v6 =	vadd.f32 v21, v6;
	v4 =	vadd.f32 v19, v4;
	v24 =	vld [tilespmem:s13+$0x8AD0]  }
0x1be: {  	v26 =	vld [tilespmem:s13+$0x8B50]  }
0x1bf: {  	v5 =	vadd.f32 v22, v6;
	v14 =	vld [tilespmem:s13+$0x8BD0];
	[tilespmem:s10+$0x15A20] =	vst v4  }
0x1c0: {  	v4 =	vld [tilespmem:s15+$0x8A30]  }
0x1c1: {  	[tilespmem:s29+$0x15A10] =	vst v5;
	v25 =	vld [tilespmem:s15+$0x8AB0]  }
0x1c2: {  	v5 =	vld [tilespmem:s16+$0x8A20]  }
0x1c3: {  	v28 =	vld [tilespmem:s16+$0x8AA0]  }
0x1c4: {  	s24 =	sor.u32 $0x4, s14;
	v27 =	vld [tilespmem:s15+$0x8B30]  }
0x1c5: {  	s30 =	sshll.u32 s24, $0x9;
	v11 =	vld [tilespmem:s15+$0x8BB0];
	v8 =	vadd.f32 v24, v23  }
0x1c6: {  	s12 =	sand.u32 $0x3FFFFE00, s30;
	v12 =	vld [tilespmem:s16+$0x8B20]  }
0x1c7: {  	v13 =	vld [tilespmem:s12+$0x8A00];
	v4 =	vadd.f32 v25, v4;
	v37 =	vadd.f32 v26, v8  }
0x1c8: {  	v29 =	vld [tilespmem:s16+$0x8BA0];
	v5 =	vadd.f32 v28, v5  }
0x1c9: {  	v30 =	vld [tilespmem:s12+$0x8A80];
	v4 =	vadd.f32 v27, v4;
	v6 =	vadd.f32 v14, v37  }
0x1ca: {  	v31 =	vld [tilespmem:s12+$0x8B00]  }
0x1cb: {  	v33 =	vld [tilespmem:s12+$0x8B80];
	v5 =	vadd.f32 v12, v5;
	v4 =	vadd.f32 v11, v4;
	[tilespmem:s9+$0x15A50] =	vst v6  }
0x1cc: {  	v43 =	vld [tilespmem:s13+$0x8A60]  }
0x1cd: {  	v5 =	vadd.f32 v29, v5;
	v45 =	vld [tilespmem:s13+$0x8AE0];
	[tilespmem:s10+$0x15A30] =	vst v4  }
0x1ce: {  	v32 =	vld [tilespmem:s15+$0x8A40]  }
0x1cf: {  	v34 =	vadd.f32 v30, v13;
	[tilespmem:s29+$0x15A20] =	vst v5;
	v15 =	vld [tilespmem:s15+$0x8AC0]  }
0x1d0: {  	v5 =	vld [tilespmem:s16+$0x8A30]  }
0x1d1: {  	v4 =	vadd.f32 v31, v34;
	v38 =	vld [tilespmem:s16+$0x8AB0]  }
0x1d2: {  	v35 =	vld [tilespmem:s15+$0x8B40]  }
0x1d3: {  	s18 =	sshll.u32 s24, $0x7;
	v39 =	vld [tilespmem:s16+$0x8B30];
	v4 =	vadd.f32 v33, v4  }
0x1d4: {  	s30 =	sand.u32 $0x3FFFFF80, s18;
	v36 =	vld [tilespmem:s15+$0x8BC0]  }
0x1d5: {  	v40 =	vld [tilespmem:s16+$0x8BB0];
	[tilespmem:s30+$0x15A00] =	vst v4;
	v41 =	vadd.f32 v15, v32  }
0x1d6: {  	v4 =	vld [tilespmem:s12+$0x8A10];
	v5 =	vadd.f32 v38, v5  }
0x1d7: {  	v42 =	vld [tilespmem:s12+$0x8A90];
	v6 =	vadd.f32 v35, v41  }
0x1d8: {  	v47 =	vld [tilespmem:s13+$0x8B60];
	v5 =	vadd.f32 v39, v5  }
0x1d9: {  	v44 =	vld [tilespmem:s12+$0x8B10];
	v6 =	vadd.f32 v36, v6  }
0x1da: {  	v48 =	vld [tilespmem:s13+$0x8BE0];
	v5 =	vadd.f32 v40, v5  }
0x1db: {  	v46 =	vld [tilespmem:s12+$0x8B90];
	[tilespmem:s10+$0x15A40] =	vst v6  }
0x1dc: {  	v4 =	vadd.f32 v42, v4;
	[tilespmem:s29+$0x15A30] =	vst v5;
	v6 =	vld [tilespmem:s15+$0x8A50]  }
0x1dd: {  	v5 =	vld [tilespmem:s16+$0x8A40]  }
0x1de: {  	v4 =	vadd.f32 v44, v4;
	v49 =	vld [tilespmem:s16+$0x8AC0]  }
0x1df: {  	v50 =	vld [tilespmem:s16+$0x8B40]  }
0x1e0: {  	v51 =	vld [tilespmem:s16+$0x8BC0];
	v4 =	vadd.f32 v46, v4  }
0x1e1: {  	v55 =	vld [tilespmem:s15+$0x8AD0]  }
0x1e2: {  	v11 =	vadd.f32 v45, v43;
	v57 =	vld [tilespmem:s15+$0x8B50];
	[tilespmem:s30+$0x15A10] =	vst v4  }
0x1e3: {  	v52 =	vld [tilespmem:s12+$0x8A20]  }
0x1e4: {  	v53 =	vadd.f32 v47, v11;
	v54 =	vld [tilespmem:s12+$0x8AA0];
	v5 =	vadd.f32 v49, v5  }
0x1e5: {  	v59 =	vld [tilespmem:s15+$0x8BD0]  }
0x1e6: {  	v4 =	vadd.f32 v48, v53;
	v56 =	vld [tilespmem:s12+$0x8B20];
	v5 =	vadd.f32 v50, v5  }
0x1e7: {  	v6 =	vadd.f32 v55, v6  }
0x1e8: {  	v58 =	vld [tilespmem:s12+$0x8BA0];
	[tilespmem:s9+$0x15A60] =	vst v4;
	v12 =	vadd.f32 v51, v5  }
0x1e9: {  	v4 =	vld [tilespmem:s13+$0x8A70];
	v6 =	vadd.f32 v57, v6;
	v10 =	vadd.f32 v54, v52  }
0x1ea: {  	v5 =	vld [tilespmem:s13+$0x8AF0];
	[tilespmem:s29+$0x15A40] =	vst v12  }
0x1eb: {  	v6 =	vadd.f32 v59, v6;
	v7 =	vadd.f32 v56, v10;
	v60 =	vld [tilespmem:s16+$0x8A50]  }
0x1ec: {  	v61 =	vld [tilespmem:s16+$0x8AD0]  }
0x1ed: {  	[tilespmem:s10+$0x15A50] =	vst v6;
	v6 =	vld [tilespmem:s13+$0x8B70];
	v7 =	vadd.f32 v58, v7  }
0x1ee: {  	v62 =	vld [tilespmem:s16+$0x8B50]  }
0x1ef: {  	v63 =	vld [tilespmem:s16+$0x8BD0];
	[tilespmem:s30+$0x15A20] =	vst v7  }
0x1f0: {  	v7 =	vld [tilespmem:s12+$0x8A30]  }
0x1f1: {  	v16 =	vld [tilespmem:s12+$0x8AB0];
	v18 =	vadd.f32 v61, v60  }
0x1f2: {  	v17 =	vld [tilespmem:s15+$0x8A60]  }
0x1f3: {  	v19 =	vld [tilespmem:s12+$0x8B30];
	v9 =	vadd.f32 v62, v18  }
0x1f4: {  	v20 =	vld [tilespmem:s15+$0x8AE0]  }
0x1f5: {  	v21 =	vld [tilespmem:s12+$0x8BB0];
	v9 =	vadd.f32 v63, v9  }
0x1f6: {  	v22 =	vld [tilespmem:s15+$0x8B60];
	v7 =	vadd.f32 v16, v7  }
0x1f7: {  	v23 =	vld [tilespmem:s15+$0x8BE0];
	[tilespmem:s29+$0x15A50] =	vst v9  }
0x1f8: {  	v7 =	vadd.f32 v19, v7;
	v24 =	vld [tilespmem:s16+$0x8A60]  }
0x1f9: {  	v25 =	vadd.f32 v20, v17;
	v26 =	vld [tilespmem:s16+$0x8AE0]  }
0x1fa: {  	v27 =	vld [tilespmem:s16+$0x8B60];
	v7 =	vadd.f32 v21, v7  }
0x1fb: {  	v9 =	vadd.f32 v22, v25;
	v28 =	vld [tilespmem:s16+$0x8BE0]  }
0x1fc: {  	[tilespmem:s30+$0x15A30] =	vst v7;
	v7 =	vld [tilespmem:s13+$0x8BF0]  }
0x1fd: {  	v9 =	vadd.f32 v23, v9;
	v29 =	vld [tilespmem:s12+$0x8A40]  }
0x1fe: {  	v16 =	vld [tilespmem:s12+$0x8AC0]  }
0x1ff: {  	[tilespmem:s10+$0x15A60] =	vst v9;
	v30 =	vld [tilespmem:s12+$0x8B40]  }
0x200: {  	v11 =	vld [tilespmem:s15+$0x8A70];
	v8 =	vadd.f32 v26, v24  }
0x201: {  	s18 =	sor.u32 $0x6, s14;
	v31 =	vld [tilespmem:s12+$0x8BC0]  }
0x202: {  	s24 =	sshll.u32 s18, $0x9;
	v12 =	vld [tilespmem:s15+$0x8AF0];
	v8 =	vadd.f32 v27, v8  }
0x203: {  	s13 =	sand.u32 $0x3FFFFE00, s24;
	v10 =	vld [tilespmem:s15+$0x8B70]  }
0x204: {  	v33 =	vld [tilespmem:s13+$0x8A00];
	v14 =	vadd.f32 v28, v8  }
0x205: {  	v24 =	vld [tilespmem:s13+$0x8A80];
	v15 =	vadd.f32 v16, v29  }
0x206: {  	v8 =	vld [tilespmem:s15+$0x8BF0];
	[tilespmem:s29+$0x15A60] =	vst v14  }
0x207: {  	s15 =	sor.u32 $0x5, s14;
	v9 =	vadd.f32 v30, v15;
	v14 =	vld [tilespmem:s16+$0x8A70]  }
0x208: {  	s21 =	sshll.u32 s15, $0x9;
	v15 =	vld [tilespmem:s16+$0x8AF0]  }
0x209: {  	s21 =	sand.u32 $0x3FFFFE00, s21;
	v13 =	vld [tilespmem:s16+$0x8B70];
	v32 =	vadd.f32 v31, v9  }
0x20a: {  	v20 =	vld [tilespmem:s21+$0x8A00]  }
0x20b: {  	v21 =	vld [tilespmem:s21+$0x8A80];
	[tilespmem:s30+$0x15A40] =	vst v32  }
0x20c: {  	v16 =	vld [tilespmem:s12+$0x8A50]  }
0x20d: {  	v17 =	vld [tilespmem:s12+$0x8AD0]  }
0x20e: {  	v22 =	vld [tilespmem:s21+$0x8B00]  }
0x20f: {  	v18 =	vld [tilespmem:s12+$0x8B50]  }
0x210: {  	v23 =	vld [tilespmem:s21+$0x8B80]  }
0x211: {  	s24 =	sor.u32 $0x7, s14;
	v19 =	vld [tilespmem:s12+$0x8BD0]  }
0x212: {  	v9 =	vld [tilespmem:s16+$0x8BF0];
	s16 =	sshll.u32 s24, $0x9;
	v16 =	vadd.f32 v17, v16  }
0x213: {  	v35 =	vld [tilespmem:s13+$0x8B00];
	s16 =	sand.u32 $0x3FFFFE00, s16;
	v34 =	vadd.f32 v21, v20  }
0x214: {  	v36 =	vld [tilespmem:s16+$0x8A00];
	v16 =	vadd.f32 v18, v16  }
0x215: {  	v37 =	vld [tilespmem:s16+$0x8A80];
	v18 =	vadd.f32 v22, v34  }
0x216: {  	v38 =	vld [tilespmem:s13+$0x8B80];
	v16 =	vadd.f32 v19, v16  }
0x217: {  	s15 =	sshll.u32 s15, $0x7;
	v40 =	vld [tilespmem:s16+$0x8B00];
	v17 =	vadd.f32 v24, v33;
	v39 =	vadd.f32 v23, v18  }
0x218: {  	s15 =	sand.u32 $0x3FFFFF80, s15;
	v42 =	vld [tilespmem:s16+$0x8B80];
	[tilespmem:s30+$0x15A50] =	vst v16  }
0x219: {  	v41 =	vadd.f32 v35, v17;
	[tilespmem:s15+$0x15A00] =	vst v39;
	v23 =	vld [tilespmem:s12+$0x8A60]  }
0x21a: {  	v19 =	vadd.f32 v37, v36;
	v43 =	vld [tilespmem:s21+$0x8A10]  }
0x21b: {  	s18 =	sshll.u32 s18, $0x7;
	v16 =	vadd.f32 v38, v41;
	v44 =	vld [tilespmem:s21+$0x8A90]  }
0x21c: {  	s18 =	sand.u32 $0x3FFFFF80, s18;
	v18 =	vadd.f32 v40, v19;
	v45 =	vld [tilespmem:s21+$0x8B10]  }
0x21d: {  	v46 =	vld [tilespmem:s21+$0x8B90];
	[tilespmem:s18+$0x15A00] =	vst v16  }
0x21e: {  	s24 =	sshll.u32 s24, $0x7;
	v17 =	vadd.f32 v42, v18;
	v16 =	vld [tilespmem:s13+$0x8A10]  }
0x21f: {  	s24 =	sand.u32 $0x3FFFFF80, s24;
	v47 =	vld [tilespmem:s13+$0x8A90]  }
0x220: {  	v48 =	vld [tilespmem:s13+$0x8B10];
	[tilespmem:s24+$0x15A00] =	vst v17;
	v20 =	vadd.f32 v44, v43  }
0x221: {  	v17 =	vld [tilespmem:s16+$0x8A10]  }
0x222: {  	v49 =	vld [tilespmem:s16+$0x8A90];
	v20 =	vadd.f32 v45, v20  }
0x223: {  	v50 =	vld [tilespmem:s13+$0x8B90]  }
0x224: {  	v51 =	vld [tilespmem:s16+$0x8B10];
	v16 =	vadd.f32 v47, v16;
	v19 =	vadd.f32 v46, v20  }
0x225: {  	v52 =	vld [tilespmem:s12+$0x8AE0]  }
0x226: {  	v53 =	vld [tilespmem:s16+$0x8B90];
	v16 =	vadd.f32 v48, v16;
	[tilespmem:s15+$0x15A10] =	vst v19  }
0x227: {  	v17 =	vadd.f32 v49, v17;
	v54 =	vld [tilespmem:s21+$0x8A20]  }
0x228: {  	v16 =	vadd.f32 v50, v16;
	v55 =	vld [tilespmem:s21+$0x8AA0]  }
0x229: {  	v17 =	vadd.f32 v51, v17;
	v56 =	vld [tilespmem:s21+$0x8B20]  }
0x22a: {  	v57 =	vld [tilespmem:s21+$0x8BA0];
	[tilespmem:s18+$0x15A10] =	vst v16  }
0x22b: {  	v17 =	vadd.f32 v53, v17;
	v16 =	vld [tilespmem:s13+$0x8A20]  }
0x22c: {  	v58 =	vld [tilespmem:s13+$0x8AA0]  }
0x22d: {  	v59 =	vld [tilespmem:s13+$0x8B20];
	[tilespmem:s24+$0x15A10] =	vst v17;
	v21 =	vadd.f32 v55, v54  }
0x22e: {  	v17 =	vld [tilespmem:s16+$0x8A20]  }
0x22f: {  	v60 =	vld [tilespmem:s16+$0x8AA0];
	v21 =	vadd.f32 v56, v21  }
0x230: {  	v25 =	vld [tilespmem:s13+$0x8BA0]  }
0x231: {  	v61 =	vld [tilespmem:s16+$0x8B20];
	v16 =	vadd.f32 v58, v16;
	v18 =	vadd.f32 v57, v21  }
0x232: {  	v62 =	vld [tilespmem:s12+$0x8B60]  }
0x233: {  	v63 =	vld [tilespmem:s16+$0x8BA0];
	v16 =	vadd.f32 v59, v16;
	[tilespmem:s15+$0x15A20] =	vst v18  }
0x234: {  	v17 =	vadd.f32 v60, v17;
	v28 =	vld [tilespmem:s21+$0x8A30]  }
0x235: {  	v16 =	vadd.f32 v25, v16;
	v29 =	vld [tilespmem:s21+$0x8AB0]  }
0x236: {  	v17 =	vadd.f32 v61, v17;
	v30 =	vld [tilespmem:s21+$0x8B30]  }
0x237: {  	v31 =	vld [tilespmem:s21+$0x8BB0];
	[tilespmem:s18+$0x15A20] =	vst v16  }
0x238: {  	v17 =	vadd.f32 v63, v17;
	v16 =	vld [tilespmem:s13+$0x8A30]  }
0x239: {  	v32 =	vld [tilespmem:s13+$0x8AB0]  }
0x23a: {  	v33 =	vld [tilespmem:s13+$0x8B30];
	[tilespmem:s24+$0x15A20] =	vst v17;
	v22 =	vadd.f32 v29, v28  }
0x23b: {  	v17 =	vld [tilespmem:s16+$0x8A30]  }
0x23c: {  	v34 =	vld [tilespmem:s16+$0x8AB0];
	v22 =	vadd.f32 v30, v22  }
0x23d: {  	v26 =	vld [tilespmem:s13+$0x8BB0]  }
0x23e: {  	v35 =	vld [tilespmem:s16+$0x8B30];
	v16 =	vadd.f32 v32, v16;
	v19 =	vadd.f32 v31, v22  }
0x23f: {  	v36 =	vld [tilespmem:s12+$0x8BE0]  }
0x240: {  	v37 =	vld [tilespmem:s16+$0x8BB0];
	v16 =	vadd.f32 v33, v16;
	[tilespmem:s15+$0x15A30] =	vst v19  }
0x241: {  	v17 =	vadd.f32 v34, v17;
	v38 =	vld [tilespmem:s21+$0x8A40]  }
0x242: {  	v16 =	vadd.f32 v26, v16;
	v39 =	vld [tilespmem:s21+$0x8AC0]  }
0x243: {  	v17 =	vadd.f32 v35, v17;
	v40 =	vld [tilespmem:s21+$0x8B40]  }
0x244: {  	v41 =	vld [tilespmem:s21+$0x8BC0];
	[tilespmem:s18+$0x15A30] =	vst v16  }
0x245: {  	v17 =	vadd.f32 v37, v17;
	v43 =	vld [tilespmem:s13+$0x8A40]  }
0x246: {  	v42 =	vadd.f32 v52, v23;
	v44 =	vld [tilespmem:s13+$0x8AC0]  }
0x247: {  	v46 =	vld [tilespmem:s13+$0x8B40];
	[tilespmem:s24+$0x15A30] =	vst v17;
	v45 =	vadd.f32 v39, v38  }
0x248: {  	v16 =	vadd.f32 v62, v42;
	v17 =	vld [tilespmem:s16+$0x8A40]  }
0x249: {  	v47 =	vld [tilespmem:s16+$0x8AC0];
	v21 =	vadd.f32 v40, v45  }
0x24a: {  	v48 =	vld [tilespmem:s13+$0x8BC0];
	v16 =	vadd.f32 v36, v16  }
0x24b: {  	v51 =	vld [tilespmem:s16+$0x8B40];
	v50 =	vadd.f32 v44, v43;
	v49 =	vadd.f32 v41, v21  }
0x24c: {  	v53 =	vld [tilespmem:s16+$0x8BC0];
	[tilespmem:s30+$0x15A60] =	vst v16  }
0x24d: {  	v20 =	vld [tilespmem:s12+$0x8A70];
	v52 =	vadd.f32 v46, v50;
	[tilespmem:s15+$0x15A40] =	vst v49  }
0x24e: {  	v17 =	vadd.f32 v47, v17;
	v54 =	vld [tilespmem:s21+$0x8A50]  }
0x24f: {  	v16 =	vadd.f32 v48, v52;
	v55 =	vld [tilespmem:s21+$0x8AD0]  }
0x250: {  	v17 =	vadd.f32 v51, v17;
	v56 =	vld [tilespmem:s21+$0x8B50]  }
0x251: {  	v57 =	vld [tilespmem:s21+$0x8BD0];
	[tilespmem:s18+$0x15A40] =	vst v16  }
0x252: {  	v17 =	vadd.f32 v53, v17;
	v16 =	vld [tilespmem:s13+$0x8A50]  }
0x253: {  	v58 =	vld [tilespmem:s13+$0x8AD0]  }
0x254: {  	v59 =	vld [tilespmem:s13+$0x8B50];
	[tilespmem:s24+$0x15A40] =	vst v17;
	v21 =	vadd.f32 v55, v54  }
0x255: {  	v17 =	vld [tilespmem:s16+$0x8A50]  }
0x256: {  	v60 =	vld [tilespmem:s16+$0x8AD0];
	v21 =	vadd.f32 v56, v21  }
0x257: {  	v61 =	vld [tilespmem:s13+$0x8BD0]  }
0x258: {  	v62 =	vld [tilespmem:s16+$0x8B50];
	v16 =	vadd.f32 v58, v16;
	v19 =	vadd.f32 v57, v21  }
0x259: {  	v63 =	vld [tilespmem:s12+$0x8AF0]  }
0x25a: {  	v29 =	vld [tilespmem:s16+$0x8BD0];
	v16 =	vadd.f32 v59, v16;
	[tilespmem:s15+$0x15A50] =	vst v19  }
0x25b: {  	v17 =	vadd.f32 v60, v17;
	v30 =	vld [tilespmem:s21+$0x8A60]  }
0x25c: {  	v16 =	vadd.f32 v61, v16;
	v31 =	vld [tilespmem:s21+$0x8AE0]  }
0x25d: {  	v17 =	vadd.f32 v62, v17;
	v32 =	vld [tilespmem:s21+$0x8B60]  }
0x25e: {  	v33 =	vld [tilespmem:s21+$0x8BE0];
	[tilespmem:s18+$0x15A50] =	vst v16  }
0x25f: {  	v17 =	vadd.f32 v29, v17;
	v16 =	vld [tilespmem:s13+$0x8A60]  }
0x260: {  	v34 =	vld [tilespmem:s13+$0x8AE0]  }
0x261: {  	v35 =	vld [tilespmem:s13+$0x8B60];
	[tilespmem:s24+$0x15A50] =	vst v17  }
0x262: {  	v37 =	vld [tilespmem:s16+$0x8A60];
	v36 =	vadd.f32 v31, v30  }
0x263: {  	v38 =	vld [tilespmem:s16+$0x8AE0]  }
0x264: {  	v39 =	vld [tilespmem:s13+$0x8BE0];
	v17 =	vadd.f32 v32, v36  }
0x265: {  	v40 =	vld [tilespmem:s16+$0x8B60]  }
0x266: {  	v27 =	vld [tilespmem:s12+$0x8B70];
	v16 =	vadd.f32 v34, v16;
	v17 =	vadd.f32 v33, v17  }
0x267: {  	v41 =	vld [tilespmem:s16+$0x8BE0]  }
0x268: {  	v42 =	vld [tilespmem:s12+$0x8BF0];
	v16 =	vadd.f32 v35, v16;
	v43 =	vadd.f32 v38, v37;
	[tilespmem:s15+$0x15A60] =	vst v17  }
0x269: {  	v44 =	vld [tilespmem:s21+$0x8A70]  }
0x26a: {  	v16 =	vadd.f32 v39, v16;
	v17 =	vadd.f32 v40, v43;
	v45 =	vld [tilespmem:s21+$0x8AF0]  }
0x26b: {  	v46 =	vld [tilespmem:s21+$0x8B70]  }
0x26c: {  	v0 =	vadd.f32 v1, v0;
	v47 =	vld [tilespmem:s21+$0x8BF0];
	[tilespmem:s18+$0x15A60] =	vst v16;
	v48 =	vadd.f32 v41, v17  }
0x26d: {  	v4 =	vadd.f32 v5, v4;
	v49 =	vld [tilespmem:s13+$0x8A70]  }
0x26e: {  	v0 =	vadd.f32 v3, v0;
	v52 =	vadd.f32 v15, v14;
	v51 =	vld [tilespmem:s13+$0x8AF0];
	[tilespmem:s24+$0x15A60] =	vst v48  }
0x26f: {  	v4 =	vadd.f32 v6, v4;
	v50 =	vadd.f32 v12, v11;
	v53 =	vld [tilespmem:s16+$0x8A70]  }
0x270: {  	v0 =	vadd.f32 v2, v0;
	v6 =	vadd.f32 v13, v52;
	v55 =	vld [tilespmem:s16+$0x8AF0]  }
0x271: {  	v4 =	vadd.f32 v7, v4;
	v54 =	vadd.f32 v10, v50;
	v56 =	vld [tilespmem:s13+$0x8B70]  }
0x272: {  	v6 =	vadd.f32 v9, v6;
	v57 =	vadd.f32 v63, v20;
	v58 =	vld [tilespmem:s16+$0x8B70]  }
0x273: {  	v2 =	vadd.f32 v8, v54;
	v59 =	vld [tilespmem:s13+$0x8BF0];
	v60 =	vadd.f32 v45, v44  }
0x274: {  	[tilespmem:s6+$0x15A70] =	vst v0;
	v8 =	vadd.f32 v27, v57;
	v61 =	vld [tilespmem:s16+$0x8BF0];
	v1 =	vadd.f32 v51, v49  }
0x275: {  	[tilespmem:s9+$0x15A70] =	vst v4;
	v62 =	vadd.f32 v46, v60;
	v3 =	vadd.f32 v55, v53  }
0x276: {  	p2 =	slt.u32 s14, $0x18;
	[tilespmem:s29+$0x15A70] =	vst v6;
	v63 =	vadd.f32 v42, v8;
	v1 =	vadd.f32 v56, v1  }
.Ltmp4:
0x277: {  	[tilespmem:s10+$0x15A70] =	vst v2;
	v4 =	vadd.f32 v47, v62;
	v3 =	vadd.f32 v58, v3;
	(pc) =	sbr.rel @p2 .LBB2_9-.Ltmp4, $4  }
0x278: {  	[tilespmem:s30+$0x15A70] =	vst v63;
	v1 =	vadd.f32 v59, v1  }
0x279: {  	[tilespmem:s15+$0x15A70] =	vst v4;
	v0 =	vadd.f32 v61, v3  }
0x27a: {  	s30 =	sadd.s32 $0x8, s14;
	[tilespmem:s18+$0x15A70] =	vst v1  }
0x27b: {  	s14 =	smov.u32 s30;
	[tilespmem:s24+$0x15A70] =	vst v0  }
.Ltmp5:
0x27c: {  	s6 =	sadd.s32 s1, s7;
	(pc) =	sbr.rel @p1 .LBB2_12-.Ltmp5, $4  }
0x27d: {  	s6 =	sshll.u32 s6, $0x9  }
0x27e: {  	s6 =	sand.u32 $0x1FFFFA00, s6  }
0x27f: {  	s9 =	simm.s32 $0x15A00;
	s6 =	sadd.s32 s5, s6  }
0x280: {  	[hbm4b:s6+s2] =	stream.linear.scatter [tilespmem:s9], [sflag:$0x6], $0x1000, $0x38;
	[tilespmem:$0x18A00] =	vst v63  }
.Ltmp6:
0x281: {  	(pc) =	sbr.rel .LBB2_13-.Ltmp6, $4  }
0x282: {  	_ = 	snop  }
0x283: {  	_ =	swait.ge [sflag:s22], $0x4000  }
0x284: {  	[sflag:s22] =	ssyncset.done $0x0  }
0x285: {  	[sflag:s22] =	ssyncadd.s32 $0xFFFFC000  }
.LBB2_12:
0x286: {  	s6 =	sshll.u32 s31, $0x9  }
0x287: {  	s6 =	sand.u32 $0x3FFFFE00, s6  }
.Ltmp7:
0x288: {  	s9 =	simm.s32 $0x8A00;
	s6 =	sadd.s32 $0x280, s6;
	(pc) =	sbr.rel @p0 .LBB2_14-.Ltmp7, $4  }
0x289: {  	[tilespmem:s9], [sflag:$0x2] =	stream.indirect.gather [hbm4b:s3+s11], $0x80, s6, s11, $0xb8;
	[tilespmem:$0x18A00] =	vst v63  }
0x28a: {  	_ =	swait.ge [sflag:s22], $0x4000  }
0x28b: {  	[sflag:s22] =	ssyncset.done $0x0  }
0x28c: {  	[sflag:s22] =	ssyncadd.s32 $0xFFFFC000  }
.LBB2_13:
0x28d: {  	_ =	swait.ge [sflag:s23], $0x1000  }
0x28e: {  	[sflag:s23] =	ssyncset.done $0x0  }
0x28f: {  	[sflag:s23] =	ssyncadd.s32 $0xFFFFF000  }
.LBB2_14:
0x290: {  	s14 =	simm.s32 $0x0  }
.LBB2_15:
0x291: {  	s6 =	sshll.u32 s14, $0x9  }
0x292: {  	s12 =	sand.u32 $0x3FFFFE00, s6  }
0x293: {  	v0 =	vld [tilespmem:s12+$0xCA00]  }
0x294: {  	v1 =	vld [tilespmem:s12+$0xCA80];
	_ =	sdelay $0x1  }
0x295: {  	v2 =	vld [tilespmem:s12+$0xCB00];
	_ =	sdelay $0x1  }
0x296: {  	v3 =	vld [tilespmem:s12+$0xCB80]  }
0x297: {  	v0 =	vadd.f32 v1, v0;
	_ =	sdelay $0x1  }
0x298: {  	v0 =	vadd.f32 v2, v0;
	_ =	sdelay $0x1  }
0x299: {  	s18 =	sshll.u32 s14, $0x7;
	v0 =	vadd.f32 v3, v0  }
0x29a: {  	s6 =	sand.u32 $0x3FFFFF80, s18  }
0x29b: {  	[tilespmem:s6+$0x16A00] =	vst v0  }
0x29c: {  	v0 =	vld [tilespmem:s12+$0xCA10]  }
0x29d: {  	v21 =	vld [tilespmem:s12+$0xCA90];
	_ =	sdelay $0x1  }
0x29e: {  	v22 =	vld [tilespmem:s12+$0xCB10];
	_ =	sdelay $0x1  }
0x29f: {  	v23 =	vld [tilespmem:s12+$0xCB90]  }
0x2a0: {  	v0 =	vadd.f32 v21, v0;
	_ =	sdelay $0x1  }
0x2a1: {  	v0 =	vadd.f32 v22, v0;
	_ =	sdelay $0x1  }
0x2a2: {  	v0 =	vadd.f32 v23, v0;
	_ =	sdelay $0x1  }
0x2a3: {  	[tilespmem:s6+$0x16A10] =	vst v0  }
0x2a4: {  	v0 =	vld [tilespmem:s12+$0xCA20]  }
0x2a5: {  	v24 =	vld [tilespmem:s12+$0xCAA0];
	_ =	sdelay $0x1  }
0x2a6: {  	v25 =	vld [tilespmem:s12+$0xCB20];
	_ =	sdelay $0x1  }
0x2a7: {  	v26 =	vld [tilespmem:s12+$0xCBA0]  }
0x2a8: {  	v0 =	vadd.f32 v24, v0;
	_ =	sdelay $0x1  }
0x2a9: {  	v0 =	vadd.f32 v25, v0;
	_ =	sdelay $0x1  }
0x2aa: {  	v0 =	vadd.f32 v26, v0;
	_ =	sdelay $0x1  }
0x2ab: {  	[tilespmem:s6+$0x16A20] =	vst v0  }
0x2ac: {  	v0 =	vld [tilespmem:s12+$0xCA30]  }
0x2ad: {  	v27 =	vld [tilespmem:s12+$0xCAB0];
	_ =	sdelay $0x1  }
0x2ae: {  	v28 =	vld [tilespmem:s12+$0xCB30];
	_ =	sdelay $0x1  }
0x2af: {  	v29 =	vld [tilespmem:s12+$0xCBB0]  }
0x2b0: {  	v0 =	vadd.f32 v27, v0  }
0x2b1: {  	s9 =	sor.u32 $0x1, s14  }
0x2b2: {  	s10 =	sshll.u32 s9, $0x9;
	v0 =	vadd.f32 v28, v0  }
0x2b3: {  	s13 =	sand.u32 $0x3FFFFE00, s10  }
0x2b4: {  	v32 =	vld [tilespmem:s13+$0xCA00];
	v0 =	vadd.f32 v29, v0  }
0x2b5: {  	v4 =	vld [tilespmem:s13+$0xCA80]  }
0x2b6: {  	v6 =	vld [tilespmem:s13+$0xCB00];
	[tilespmem:s6+$0x16A30] =	vst v0  }
0x2b7: {  	v0 =	vld [tilespmem:s12+$0xCA40]  }
0x2b8: {  	v30 =	vld [tilespmem:s12+$0xCAC0]  }
0x2b9: {  	v33 =	vld [tilespmem:s13+$0xCB80]  }
0x2ba: {  	v31 =	vld [tilespmem:s12+$0xCB40]  }
0x2bb: {  	v34 =	vadd.f32 v4, v32  }
0x2bc: {  	v5 =	vld [tilespmem:s12+$0xCBC0]  }
0x2bd: {  	v2 =	vadd.f32 v6, v34;
	v0 =	vadd.f32 v30, v0;
	_ =	sdelay $0x1  }
0x2be: {  	s9 =	sshll.u32 s9, $0x7;
	v35 =	vadd.f32 v33, v2;
	v0 =	vadd.f32 v31, v0  }
0x2bf: {  	s9 =	sand.u32 $0x3FFFFF80, s9  }
0x2c0: {  	[tilespmem:s9+$0x16A00] =	vst v35;
	v0 =	vadd.f32 v5, v0  }
0x2c1: {  	v38 =	vld [tilespmem:s13+$0xCA90]  }
0x2c2: {  	[tilespmem:s6+$0x16A40] =	vst v0;
	v0 =	vld [tilespmem:s13+$0xCA10];
	_ =	sdelay $0x1  }
0x2c3: {  	v40 =	vld [tilespmem:s13+$0xCB10];
	_ =	sdelay $0x1  }
0x2c4: {  	s21 =	sor.u32 $0x2, s14;
	v42 =	vld [tilespmem:s13+$0xCB90]  }
0x2c5: {  	s15 =	sshll.u32 s21, $0x9;
	v0 =	vadd.f32 v38, v0  }
0x2c6: {  	s18 =	sor.u32 $0x3, s14;
	s15 =	sand.u32 $0x3FFFFE00, s15  }
0x2c7: {  	s16 =	sshll.u32 s18, $0x9;
	v46 =	vld [tilespmem:s15+$0xCA00];
	v0 =	vadd.f32 v40, v0  }
0x2c8: {  	v47 =	vld [tilespmem:s15+$0xCA80];
	s16 =	sand.u32 $0x3FFFFE00, s16  }
0x2c9: {  	v61 =	vld [tilespmem:s16+$0xCA00];
	v0 =	vadd.f32 v42, v0  }
0x2ca: {  	v63 =	vld [tilespmem:s16+$0xCA80]  }
0x2cb: {  	v12 =	vld [tilespmem:s16+$0xCB00];
	[tilespmem:s9+$0x16A10] =	vst v0  }
0x2cc: {  	v0 =	vld [tilespmem:s13+$0xCA20]  }
0x2cd: {  	v43 =	vld [tilespmem:s13+$0xCAA0]  }
0x2ce: {  	v14 =	vld [tilespmem:s16+$0xCB80]  }
0x2cf: {  	v6 =	vadd.f32 v63, v61;
	v44 =	vld [tilespmem:s13+$0xCB20]  }
0x2d0: {  	v48 =	vld [tilespmem:s15+$0xCB00]  }
0x2d1: {  	v4 =	vadd.f32 v12, v6;
	v45 =	vld [tilespmem:s13+$0xCBA0]  }
0x2d2: {  	v36 =	vld [tilespmem:s12+$0xCA50];
	v0 =	vadd.f32 v43, v0  }
0x2d3: {  	s18 =	sshll.u32 s18, $0x7;
	v3 =	vadd.f32 v14, v4;
	v37 =	vld [tilespmem:s12+$0xCAD0]  }
0x2d4: {  	v49 =	vld [tilespmem:s15+$0xCB80];
	s29 =	sand.u32 $0x3FFFFF80, s18;
	v0 =	vadd.f32 v44, v0  }
0x2d5: {  	[tilespmem:s29+$0x16A00] =	vst v3;
	v39 =	vld [tilespmem:s12+$0xCB50]  }
0x2d6: {  	v50 =	vadd.f32 v47, v46;
	v10 =	vld [tilespmem:s16+$0xCA10];
	v0 =	vadd.f32 v45, v0  }
0x2d7: {  	v41 =	vld [tilespmem:s12+$0xCBD0]  }
0x2d8: {  	v52 =	vadd.f32 v48, v50;
	v20 =	vld [tilespmem:s16+$0xCA90];
	v1 =	vadd.f32 v37, v36;
	[tilespmem:s9+$0x16A20] =	vst v0  }
0x2d9: {  	v53 =	vld [tilespmem:s13+$0xCA30]  }
0x2da: {  	s10 =	sshll.u32 s21, $0x7;
	v1 =	vadd.f32 v39, v1;
	v0 =	vadd.f32 v49, v52;
	v54 =	vld [tilespmem:s13+$0xCAB0]  }
0x2db: {  	s10 =	sand.u32 $0x3FFFFF80, s10;
	v55 =	vld [tilespmem:s13+$0xCB30]  }
0x2dc: {  	v1 =	vadd.f32 v41, v1;
	v56 =	vld [tilespmem:s13+$0xCBB0];
	[tilespmem:s10+$0x16A00] =	vst v0  }
0x2dd: {  	v57 =	vld [tilespmem:s15+$0xCA10]  }
0x2de: {  	[tilespmem:s6+$0x16A50] =	vst v1;
	v58 =	vld [tilespmem:s15+$0xCA90]  }
0x2df: {  	v1 =	vld [tilespmem:s12+$0xCA60];
	v2 =	vadd.f32 v54, v53  }
0x2e0: {  	v59 =	vld [tilespmem:s15+$0xCB10]  }
0x2e1: {  	v7 =	vld [tilespmem:s12+$0xCAE0];
	v2 =	vadd.f32 v55, v2  }
0x2e2: {  	v60 =	vld [tilespmem:s15+$0xCB90]  }
0x2e3: {  	v21 =	vld [tilespmem:s16+$0xCB10];
	v62 =	vadd.f32 v58, v57;
	v2 =	vadd.f32 v56, v2  }
0x2e4: {  	v8 =	vld [tilespmem:s12+$0xCB60]  }
0x2e5: {  	v51 =	vld [tilespmem:s12+$0xCBE0];
	v11 =	vadd.f32 v59, v62;
	[tilespmem:s9+$0x16A30] =	vst v2  }
0x2e6: {  	v13 =	vld [tilespmem:s13+$0xCA40]  }
0x2e7: {  	v1 =	vadd.f32 v7, v1;
	v2 =	vadd.f32 v60, v11;
	v15 =	vld [tilespmem:s13+$0xCAC0]  }
0x2e8: {  	v16 =	vld [tilespmem:s13+$0xCB40]  }
0x2e9: {  	v1 =	vadd.f32 v8, v1;
	v9 =	vld [tilespmem:s13+$0xCBC0];
	[tilespmem:s10+$0x16A10] =	vst v2  }
0x2ea: {  	v2 =	vld [tilespmem:s15+$0xCA20]  }
0x2eb: {  	v1 =	vadd.f32 v51, v1;
	v17 =	vld [tilespmem:s15+$0xCAA0]  }
0x2ec: {  	v22 =	vld [tilespmem:s16+$0xCB90];
	v5 =	vadd.f32 v15, v13  }
0x2ed: {  	[tilespmem:s6+$0x16A60] =	vst v1;
	v18 =	vld [tilespmem:s15+$0xCB20]  }
0x2ee: {  	v0 =	vld [tilespmem:s12+$0xCA70];
	v5 =	vadd.f32 v16, v5  }
0x2ef: {  	v19 =	vld [tilespmem:s15+$0xCBA0]  }
0x2f0: {  	v1 =	vld [tilespmem:s12+$0xCAF0];
	v2 =	vadd.f32 v17, v2;
	v5 =	vadd.f32 v9, v5  }
0x2f1: {  	v3 =	vld [tilespmem:s12+$0xCB70]  }
0x2f2: {  	v6 =	vadd.f32 v20, v10;
	v4 =	vadd.f32 v18, v2;
	v2 =	vld [tilespmem:s12+$0xCBF0];
	[tilespmem:s9+$0x16A40] =	vst v5  }
0x2f3: {  	v23 =	vld [tilespmem:s13+$0xCA50]  }
0x2f4: {  	v6 =	vadd.f32 v21, v6;
	v4 =	vadd.f32 v19, v4;
	v24 =	vld [tilespmem:s13+$0xCAD0]  }
0x2f5: {  	v26 =	vld [tilespmem:s13+$0xCB50]  }
0x2f6: {  	v5 =	vadd.f32 v22, v6;
	v14 =	vld [tilespmem:s13+$0xCBD0];
	[tilespmem:s10+$0x16A20] =	vst v4  }
0x2f7: {  	v4 =	vld [tilespmem:s15+$0xCA30]  }
0x2f8: {  	[tilespmem:s29+$0x16A10] =	vst v5;
	v25 =	vld [tilespmem:s15+$0xCAB0]  }
0x2f9: {  	v5 =	vld [tilespmem:s16+$0xCA20]  }
0x2fa: {  	v28 =	vld [tilespmem:s16+$0xCAA0]  }
0x2fb: {  	s24 =	sor.u32 $0x4, s14;
	v27 =	vld [tilespmem:s15+$0xCB30]  }
0x2fc: {  	s30 =	sshll.u32 s24, $0x9;
	v11 =	vld [tilespmem:s15+$0xCBB0];
	v8 =	vadd.f32 v24, v23  }
0x2fd: {  	s12 =	sand.u32 $0x3FFFFE00, s30;
	v12 =	vld [tilespmem:s16+$0xCB20]  }
0x2fe: {  	v13 =	vld [tilespmem:s12+$0xCA00];
	v4 =	vadd.f32 v25, v4;
	v37 =	vadd.f32 v26, v8  }
0x2ff: {  	v29 =	vld [tilespmem:s16+$0xCBA0];
	v5 =	vadd.f32 v28, v5  }
0x300: {  	v30 =	vld [tilespmem:s12+$0xCA80];
	v4 =	vadd.f32 v27, v4;
	v6 =	vadd.f32 v14, v37  }
0x301: {  	v31 =	vld [tilespmem:s12+$0xCB00]  }
0x302: {  	v33 =	vld [tilespmem:s12+$0xCB80];
	v5 =	vadd.f32 v12, v5;
	v4 =	vadd.f32 v11, v4;
	[tilespmem:s9+$0x16A50] =	vst v6  }
0x303: {  	v43 =	vld [tilespmem:s13+$0xCA60]  }
0x304: {  	v5 =	vadd.f32 v29, v5;
	v45 =	vld [tilespmem:s13+$0xCAE0];
	[tilespmem:s10+$0x16A30] =	vst v4  }
0x305: {  	v32 =	vld [tilespmem:s15+$0xCA40]  }
0x306: {  	v34 =	vadd.f32 v30, v13;
	[tilespmem:s29+$0x16A20] =	vst v5;
	v15 =	vld [tilespmem:s15+$0xCAC0]  }
0x307: {  	v5 =	vld [tilespmem:s16+$0xCA30]  }
0x308: {  	v4 =	vadd.f32 v31, v34;
	v38 =	vld [tilespmem:s16+$0xCAB0]  }
0x309: {  	v35 =	vld [tilespmem:s15+$0xCB40]  }
0x30a: {  	s18 =	sshll.u32 s24, $0x7;
	v39 =	vld [tilespmem:s16+$0xCB30];
	v4 =	vadd.f32 v33, v4  }
0x30b: {  	s30 =	sand.u32 $0x3FFFFF80, s18;
	v36 =	vld [tilespmem:s15+$0xCBC0]  }
0x30c: {  	v40 =	vld [tilespmem:s16+$0xCBB0];
	[tilespmem:s30+$0x16A00] =	vst v4;
	v41 =	vadd.f32 v15, v32  }
0x30d: {  	v4 =	vld [tilespmem:s12+$0xCA10];
	v5 =	vadd.f32 v38, v5  }
0x30e: {  	v42 =	vld [tilespmem:s12+$0xCA90];
	v6 =	vadd.f32 v35, v41  }
0x30f: {  	v47 =	vld [tilespmem:s13+$0xCB60];
	v5 =	vadd.f32 v39, v5  }
0x310: {  	v44 =	vld [tilespmem:s12+$0xCB10];
	v6 =	vadd.f32 v36, v6  }
0x311: {  	v48 =	vld [tilespmem:s13+$0xCBE0];
	v5 =	vadd.f32 v40, v5  }
0x312: {  	v46 =	vld [tilespmem:s12+$0xCB90];
	[tilespmem:s10+$0x16A40] =	vst v6  }
0x313: {  	v4 =	vadd.f32 v42, v4;
	[tilespmem:s29+$0x16A30] =	vst v5;
	v6 =	vld [tilespmem:s15+$0xCA50]  }
0x314: {  	v5 =	vld [tilespmem:s16+$0xCA40]  }
0x315: {  	v4 =	vadd.f32 v44, v4;
	v49 =	vld [tilespmem:s16+$0xCAC0]  }
0x316: {  	v50 =	vld [tilespmem:s16+$0xCB40]  }
0x317: {  	v51 =	vld [tilespmem:s16+$0xCBC0];
	v4 =	vadd.f32 v46, v4  }
0x318: {  	v55 =	vld [tilespmem:s15+$0xCAD0]  }
0x319: {  	v11 =	vadd.f32 v45, v43;
	v57 =	vld [tilespmem:s15+$0xCB50];
	[tilespmem:s30+$0x16A10] =	vst v4  }
0x31a: {  	v52 =	vld [tilespmem:s12+$0xCA20]  }
0x31b: {  	v53 =	vadd.f32 v47, v11;
	v54 =	vld [tilespmem:s12+$0xCAA0];
	v5 =	vadd.f32 v49, v5  }
0x31c: {  	v59 =	vld [tilespmem:s15+$0xCBD0]  }
0x31d: {  	v4 =	vadd.f32 v48, v53;
	v56 =	vld [tilespmem:s12+$0xCB20];
	v5 =	vadd.f32 v50, v5  }
0x31e: {  	v6 =	vadd.f32 v55, v6  }
0x31f: {  	v58 =	vld [tilespmem:s12+$0xCBA0];
	[tilespmem:s9+$0x16A60] =	vst v4;
	v12 =	vadd.f32 v51, v5  }
0x320: {  	v4 =	vld [tilespmem:s13+$0xCA70];
	v6 =	vadd.f32 v57, v6;
	v10 =	vadd.f32 v54, v52  }
0x321: {  	v5 =	vld [tilespmem:s13+$0xCAF0];
	[tilespmem:s29+$0x16A40] =	vst v12  }
0x322: {  	v6 =	vadd.f32 v59, v6;
	v7 =	vadd.f32 v56, v10;
	v60 =	vld [tilespmem:s16+$0xCA50]  }
0x323: {  	v61 =	vld [tilespmem:s16+$0xCAD0]  }
0x324: {  	[tilespmem:s10+$0x16A50] =	vst v6;
	v6 =	vld [tilespmem:s13+$0xCB70];
	v7 =	vadd.f32 v58, v7  }
0x325: {  	v62 =	vld [tilespmem:s16+$0xCB50]  }
0x326: {  	v63 =	vld [tilespmem:s16+$0xCBD0];
	[tilespmem:s30+$0x16A20] =	vst v7  }
0x327: {  	v7 =	vld [tilespmem:s12+$0xCA30]  }
0x328: {  	v16 =	vld [tilespmem:s12+$0xCAB0];
	v18 =	vadd.f32 v61, v60  }
0x329: {  	v17 =	vld [tilespmem:s15+$0xCA60]  }
0x32a: {  	v19 =	vld [tilespmem:s12+$0xCB30];
	v9 =	vadd.f32 v62, v18  }
0x32b: {  	v20 =	vld [tilespmem:s15+$0xCAE0]  }
0x32c: {  	v21 =	vld [tilespmem:s12+$0xCBB0];
	v9 =	vadd.f32 v63, v9  }
0x32d: {  	v22 =	vld [tilespmem:s15+$0xCB60];
	v7 =	vadd.f32 v16, v7  }
0x32e: {  	v23 =	vld [tilespmem:s15+$0xCBE0];
	[tilespmem:s29+$0x16A50] =	vst v9  }
0x32f: {  	v7 =	vadd.f32 v19, v7;
	v24 =	vld [tilespmem:s16+$0xCA60]  }
0x330: {  	v25 =	vadd.f32 v20, v17;
	v26 =	vld [tilespmem:s16+$0xCAE0]  }
0x331: {  	v27 =	vld [tilespmem:s16+$0xCB60];
	v7 =	vadd.f32 v21, v7  }
0x332: {  	v9 =	vadd.f32 v22, v25;
	v28 =	vld [tilespmem:s16+$0xCBE0]  }
0x333: {  	[tilespmem:s30+$0x16A30] =	vst v7;
	v7 =	vld [tilespmem:s13+$0xCBF0]  }
0x334: {  	v9 =	vadd.f32 v23, v9;
	v29 =	vld [tilespmem:s12+$0xCA40]  }
0x335: {  	v16 =	vld [tilespmem:s12+$0xCAC0]  }
0x336: {  	[tilespmem:s10+$0x16A60] =	vst v9;
	v30 =	vld [tilespmem:s12+$0xCB40]  }
0x337: {  	v11 =	vld [tilespmem:s15+$0xCA70];
	v8 =	vadd.f32 v26, v24  }
0x338: {  	s18 =	sor.u32 $0x6, s14;
	v31 =	vld [tilespmem:s12+$0xCBC0]  }
0x339: {  	s24 =	sshll.u32 s18, $0x9;
	v12 =	vld [tilespmem:s15+$0xCAF0];
	v8 =	vadd.f32 v27, v8  }
0x33a: {  	s13 =	sand.u32 $0x3FFFFE00, s24;
	v10 =	vld [tilespmem:s15+$0xCB70]  }
0x33b: {  	v33 =	vld [tilespmem:s13+$0xCA00];
	v14 =	vadd.f32 v28, v8  }
0x33c: {  	v24 =	vld [tilespmem:s13+$0xCA80];
	v15 =	vadd.f32 v16, v29  }
0x33d: {  	v8 =	vld [tilespmem:s15+$0xCBF0];
	[tilespmem:s29+$0x16A60] =	vst v14  }
0x33e: {  	s15 =	sor.u32 $0x5, s14;
	v9 =	vadd.f32 v30, v15;
	v14 =	vld [tilespmem:s16+$0xCA70]  }
0x33f: {  	s21 =	sshll.u32 s15, $0x9;
	v15 =	vld [tilespmem:s16+$0xCAF0]  }
0x340: {  	s21 =	sand.u32 $0x3FFFFE00, s21;
	v13 =	vld [tilespmem:s16+$0xCB70];
	v32 =	vadd.f32 v31, v9  }
0x341: {  	v20 =	vld [tilespmem:s21+$0xCA00]  }
0x342: {  	v21 =	vld [tilespmem:s21+$0xCA80];
	[tilespmem:s30+$0x16A40] =	vst v32  }
0x343: {  	v16 =	vld [tilespmem:s12+$0xCA50]  }
0x344: {  	v17 =	vld [tilespmem:s12+$0xCAD0]  }
0x345: {  	v22 =	vld [tilespmem:s21+$0xCB00]  }
0x346: {  	v18 =	vld [tilespmem:s12+$0xCB50]  }
0x347: {  	v23 =	vld [tilespmem:s21+$0xCB80]  }
0x348: {  	s24 =	sor.u32 $0x7, s14;
	v19 =	vld [tilespmem:s12+$0xCBD0]  }
0x349: {  	v9 =	vld [tilespmem:s16+$0xCBF0];
	s16 =	sshll.u32 s24, $0x9;
	v16 =	vadd.f32 v17, v16  }
0x34a: {  	v35 =	vld [tilespmem:s13+$0xCB00];
	s16 =	sand.u32 $0x3FFFFE00, s16;
	v34 =	vadd.f32 v21, v20  }
0x34b: {  	v36 =	vld [tilespmem:s16+$0xCA00];
	v16 =	vadd.f32 v18, v16  }
0x34c: {  	v37 =	vld [tilespmem:s16+$0xCA80];
	v18 =	vadd.f32 v22, v34  }
0x34d: {  	v38 =	vld [tilespmem:s13+$0xCB80];
	v16 =	vadd.f32 v19, v16  }
0x34e: {  	s15 =	sshll.u32 s15, $0x7;
	v40 =	vld [tilespmem:s16+$0xCB00];
	v17 =	vadd.f32 v24, v33;
	v39 =	vadd.f32 v23, v18  }
0x34f: {  	s15 =	sand.u32 $0x3FFFFF80, s15;
	v42 =	vld [tilespmem:s16+$0xCB80];
	[tilespmem:s30+$0x16A50] =	vst v16  }
0x350: {  	v41 =	vadd.f32 v35, v17;
	[tilespmem:s15+$0x16A00] =	vst v39;
	v23 =	vld [tilespmem:s12+$0xCA60]  }
0x351: {  	v19 =	vadd.f32 v37, v36;
	v43 =	vld [tilespmem:s21+$0xCA10]  }
0x352: {  	s18 =	sshll.u32 s18, $0x7;
	v16 =	vadd.f32 v38, v41;
	v44 =	vld [tilespmem:s21+$0xCA90]  }
0x353: {  	s18 =	sand.u32 $0x3FFFFF80, s18;
	v18 =	vadd.f32 v40, v19;
	v45 =	vld [tilespmem:s21+$0xCB10]  }
0x354: {  	v46 =	vld [tilespmem:s21+$0xCB90];
	[tilespmem:s18+$0x16A00] =	vst v16  }
0x355: {  	s24 =	sshll.u32 s24, $0x7;
	v17 =	vadd.f32 v42, v18;
	v16 =	vld [tilespmem:s13+$0xCA10]  }
0x356: {  	s24 =	sand.u32 $0x3FFFFF80, s24;
	v47 =	vld [tilespmem:s13+$0xCA90]  }
0x357: {  	v48 =	vld [tilespmem:s13+$0xCB10];
	[tilespmem:s24+$0x16A00] =	vst v17;
	v20 =	vadd.f32 v44, v43  }
0x358: {  	v17 =	vld [tilespmem:s16+$0xCA10]  }
0x359: {  	v49 =	vld [tilespmem:s16+$0xCA90];
	v20 =	vadd.f32 v45, v20  }
0x35a: {  	v50 =	vld [tilespmem:s13+$0xCB90]  }
0x35b: {  	v51 =	vld [tilespmem:s16+$0xCB10];
	v16 =	vadd.f32 v47, v16;
	v19 =	vadd.f32 v46, v20  }
0x35c: {  	v52 =	vld [tilespmem:s12+$0xCAE0]  }
0x35d: {  	v53 =	vld [tilespmem:s16+$0xCB90];
	v16 =	vadd.f32 v48, v16;
	[tilespmem:s15+$0x16A10] =	vst v19  }
0x35e: {  	v17 =	vadd.f32 v49, v17;
	v54 =	vld [tilespmem:s21+$0xCA20]  }
0x35f: {  	v16 =	vadd.f32 v50, v16;
	v55 =	vld [tilespmem:s21+$0xCAA0]  }
0x360: {  	v17 =	vadd.f32 v51, v17;
	v56 =	vld [tilespmem:s21+$0xCB20]  }
0x361: {  	v57 =	vld [tilespmem:s21+$0xCBA0];
	[tilespmem:s18+$0x16A10] =	vst v16  }
0x362: {  	v17 =	vadd.f32 v53, v17;
	v16 =	vld [tilespmem:s13+$0xCA20]  }
0x363: {  	v58 =	vld [tilespmem:s13+$0xCAA0]  }
0x364: {  	v59 =	vld [tilespmem:s13+$0xCB20];
	[tilespmem:s24+$0x16A10] =	vst v17;
	v21 =	vadd.f32 v55, v54  }
0x365: {  	v17 =	vld [tilespmem:s16+$0xCA20]  }
0x366: {  	v60 =	vld [tilespmem:s16+$0xCAA0];
	v21 =	vadd.f32 v56, v21  }
0x367: {  	v25 =	vld [tilespmem:s13+$0xCBA0]  }
0x368: {  	v61 =	vld [tilespmem:s16+$0xCB20];
	v16 =	vadd.f32 v58, v16;
	v18 =	vadd.f32 v57, v21  }
0x369: {  	v62 =	vld [tilespmem:s12+$0xCB60]  }
0x36a: {  	v63 =	vld [tilespmem:s16+$0xCBA0];
	v16 =	vadd.f32 v59, v16;
	[tilespmem:s15+$0x16A20] =	vst v18  }
0x36b: {  	v17 =	vadd.f32 v60, v17;
	v28 =	vld [tilespmem:s21+$0xCA30]  }
0x36c: {  	v16 =	vadd.f32 v25, v16;
	v29 =	vld [tilespmem:s21+$0xCAB0]  }
0x36d: {  	v17 =	vadd.f32 v61, v17;
	v30 =	vld [tilespmem:s21+$0xCB30]  }
0x36e: {  	v31 =	vld [tilespmem:s21+$0xCBB0];
	[tilespmem:s18+$0x16A20] =	vst v16  }
0x36f: {  	v17 =	vadd.f32 v63, v17;
	v16 =	vld [tilespmem:s13+$0xCA30]  }
0x370: {  	v32 =	vld [tilespmem:s13+$0xCAB0]  }
0x371: {  	v33 =	vld [tilespmem:s13+$0xCB30];
	[tilespmem:s24+$0x16A20] =	vst v17;
	v22 =	vadd.f32 v29, v28  }
0x372: {  	v17 =	vld [tilespmem:s16+$0xCA30]  }
0x373: {  	v34 =	vld [tilespmem:s16+$0xCAB0];
	v22 =	vadd.f32 v30, v22  }
0x374: {  	v26 =	vld [tilespmem:s13+$0xCBB0]  }
0x375: {  	v35 =	vld [tilespmem:s16+$0xCB30];
	v16 =	vadd.f32 v32, v16;
	v19 =	vadd.f32 v31, v22  }
0x376: {  	v36 =	vld [tilespmem:s12+$0xCBE0]  }
0x377: {  	v37 =	vld [tilespmem:s16+$0xCBB0];
	v16 =	vadd.f32 v33, v16;
	[tilespmem:s15+$0x16A30] =	vst v19  }
0x378: {  	v17 =	vadd.f32 v34, v17;
	v38 =	vld [tilespmem:s21+$0xCA40]  }
0x379: {  	v16 =	vadd.f32 v26, v16;
	v39 =	vld [tilespmem:s21+$0xCAC0]  }
0x37a: {  	v17 =	vadd.f32 v35, v17;
	v40 =	vld [tilespmem:s21+$0xCB40]  }
0x37b: {  	v41 =	vld [tilespmem:s21+$0xCBC0];
	[tilespmem:s18+$0x16A30] =	vst v16  }
0x37c: {  	v17 =	vadd.f32 v37, v17;
	v43 =	vld [tilespmem:s13+$0xCA40]  }
0x37d: {  	v42 =	vadd.f32 v52, v23;
	v44 =	vld [tilespmem:s13+$0xCAC0]  }
0x37e: {  	v46 =	vld [tilespmem:s13+$0xCB40];
	[tilespmem:s24+$0x16A30] =	vst v17;
	v45 =	vadd.f32 v39, v38  }
0x37f: {  	v16 =	vadd.f32 v62, v42;
	v17 =	vld [tilespmem:s16+$0xCA40]  }
0x380: {  	v47 =	vld [tilespmem:s16+$0xCAC0];
	v21 =	vadd.f32 v40, v45  }
0x381: {  	v48 =	vld [tilespmem:s13+$0xCBC0];
	v16 =	vadd.f32 v36, v16  }
0x382: {  	v51 =	vld [tilespmem:s16+$0xCB40];
	v50 =	vadd.f32 v44, v43;
	v49 =	vadd.f32 v41, v21  }
0x383: {  	v53 =	vld [tilespmem:s16+$0xCBC0];
	[tilespmem:s30+$0x16A60] =	vst v16  }
0x384: {  	v20 =	vld [tilespmem:s12+$0xCA70];
	v52 =	vadd.f32 v46, v50;
	[tilespmem:s15+$0x16A40] =	vst v49  }
0x385: {  	v17 =	vadd.f32 v47, v17;
	v54 =	vld [tilespmem:s21+$0xCA50]  }
0x386: {  	v16 =	vadd.f32 v48, v52;
	v55 =	vld [tilespmem:s21+$0xCAD0]  }
0x387: {  	v17 =	vadd.f32 v51, v17;
	v56 =	vld [tilespmem:s21+$0xCB50]  }
0x388: {  	v57 =	vld [tilespmem:s21+$0xCBD0];
	[tilespmem:s18+$0x16A40] =	vst v16  }
0x389: {  	v17 =	vadd.f32 v53, v17;
	v16 =	vld [tilespmem:s13+$0xCA50]  }
0x38a: {  	v58 =	vld [tilespmem:s13+$0xCAD0]  }
0x38b: {  	v59 =	vld [tilespmem:s13+$0xCB50];
	[tilespmem:s24+$0x16A40] =	vst v17;
	v21 =	vadd.f32 v55, v54  }
0x38c: {  	v17 =	vld [tilespmem:s16+$0xCA50]  }
0x38d: {  	v60 =	vld [tilespmem:s16+$0xCAD0];
	v21 =	vadd.f32 v56, v21  }
0x38e: {  	v61 =	vld [tilespmem:s13+$0xCBD0]  }
0x38f: {  	v62 =	vld [tilespmem:s16+$0xCB50];
	v16 =	vadd.f32 v58, v16;
	v19 =	vadd.f32 v57, v21  }
0x390: {  	v63 =	vld [tilespmem:s12+$0xCAF0]  }
0x391: {  	v29 =	vld [tilespmem:s16+$0xCBD0];
	v16 =	vadd.f32 v59, v16;
	[tilespmem:s15+$0x16A50] =	vst v19  }
0x392: {  	v17 =	vadd.f32 v60, v17;
	v30 =	vld [tilespmem:s21+$0xCA60]  }
0x393: {  	v16 =	vadd.f32 v61, v16;
	v31 =	vld [tilespmem:s21+$0xCAE0]  }
0x394: {  	v17 =	vadd.f32 v62, v17;
	v32 =	vld [tilespmem:s21+$0xCB60]  }
0x395: {  	v33 =	vld [tilespmem:s21+$0xCBE0];
	[tilespmem:s18+$0x16A50] =	vst v16  }
0x396: {  	v17 =	vadd.f32 v29, v17;
	v16 =	vld [tilespmem:s13+$0xCA60]  }
0x397: {  	v34 =	vld [tilespmem:s13+$0xCAE0]  }
0x398: {  	v35 =	vld [tilespmem:s13+$0xCB60];
	[tilespmem:s24+$0x16A50] =	vst v17  }
0x399: {  	v37 =	vld [tilespmem:s16+$0xCA60];
	v36 =	vadd.f32 v31, v30  }
0x39a: {  	v38 =	vld [tilespmem:s16+$0xCAE0]  }
0x39b: {  	v39 =	vld [tilespmem:s13+$0xCBE0];
	v17 =	vadd.f32 v32, v36  }
0x39c: {  	v40 =	vld [tilespmem:s16+$0xCB60]  }
0x39d: {  	v27 =	vld [tilespmem:s12+$0xCB70];
	v16 =	vadd.f32 v34, v16;
	v17 =	vadd.f32 v33, v17  }
0x39e: {  	v41 =	vld [tilespmem:s16+$0xCBE0]  }
0x39f: {  	v42 =	vld [tilespmem:s12+$0xCBF0];
	v16 =	vadd.f32 v35, v16;
	v43 =	vadd.f32 v38, v37;
	[tilespmem:s15+$0x16A60] =	vst v17  }
0x3a0: {  	v44 =	vld [tilespmem:s21+$0xCA70]  }
0x3a1: {  	v16 =	vadd.f32 v39, v16;
	v17 =	vadd.f32 v40, v43;
	v45 =	vld [tilespmem:s21+$0xCAF0]  }
0x3a2: {  	v46 =	vld [tilespmem:s21+$0xCB70]  }
0x3a3: {  	v0 =	vadd.f32 v1, v0;
	v47 =	vld [tilespmem:s21+$0xCBF0];
	[tilespmem:s18+$0x16A60] =	vst v16;
	v48 =	vadd.f32 v41, v17  }
0x3a4: {  	v4 =	vadd.f32 v5, v4;
	v49 =	vld [tilespmem:s13+$0xCA70]  }
0x3a5: {  	v0 =	vadd.f32 v3, v0;
	v52 =	vadd.f32 v15, v14;
	v51 =	vld [tilespmem:s13+$0xCAF0];
	[tilespmem:s24+$0x16A60] =	vst v48  }
0x3a6: {  	v4 =	vadd.f32 v6, v4;
	v50 =	vadd.f32 v12, v11;
	v53 =	vld [tilespmem:s16+$0xCA70]  }
0x3a7: {  	v0 =	vadd.f32 v2, v0;
	v6 =	vadd.f32 v13, v52;
	v55 =	vld [tilespmem:s16+$0xCAF0]  }
0x3a8: {  	v4 =	vadd.f32 v7, v4;
	v54 =	vadd.f32 v10, v50;
	v56 =	vld [tilespmem:s13+$0xCB70]  }
0x3a9: {  	v6 =	vadd.f32 v9, v6;
	v57 =	vadd.f32 v63, v20;
	v58 =	vld [tilespmem:s16+$0xCB70]  }
0x3aa: {  	v2 =	vadd.f32 v8, v54;
	v59 =	vld [tilespmem:s13+$0xCBF0];
	v60 =	vadd.f32 v45, v44  }
0x3ab: {  	[tilespmem:s6+$0x16A70] =	vst v0;
	v8 =	vadd.f32 v27, v57;
	v61 =	vld [tilespmem:s16+$0xCBF0];
	v1 =	vadd.f32 v51, v49  }
0x3ac: {  	[tilespmem:s9+$0x16A70] =	vst v4;
	v62 =	vadd.f32 v46, v60;
	v3 =	vadd.f32 v55, v53  }
0x3ad: {  	p2 =	slt.u32 s14, $0x18;
	[tilespmem:s29+$0x16A70] =	vst v6;
	v63 =	vadd.f32 v42, v8;
	v1 =	vadd.f32 v56, v1  }
.Ltmp8:
0x3ae: {  	[tilespmem:s10+$0x16A70] =	vst v2;
	v4 =	vadd.f32 v47, v62;
	v3 =	vadd.f32 v58, v3;
	(pc) =	sbr.rel @p2 .LBB2_15-.Ltmp8, $4  }
0x3af: {  	[tilespmem:s30+$0x16A70] =	vst v63;
	v1 =	vadd.f32 v59, v1  }
0x3b0: {  	[tilespmem:s15+$0x16A70] =	vst v4;
	v0 =	vadd.f32 v61, v3  }
0x3b1: {  	s30 =	sadd.s32 $0x8, s14;
	[tilespmem:s18+$0x16A70] =	vst v1  }
0x3b2: {  	s14 =	smov.u32 s30;
	[tilespmem:s24+$0x16A70] =	vst v0  }
.Ltmp9:
0x3b3: {  	s1 =	sadd.s32 s1, s8;
	(pc) =	sbr.rel @p1 .LBB2_18-.Ltmp9, $4  }
0x3b4: {  	s1 =	sshll.u32 s1, $0x9  }
0x3b5: {  	s1 =	sand.u32 $0x1FFFFC00, s1  }
0x3b6: {  	s6 =	simm.s32 $0x16A00;
	s1 =	sadd.s32 s5, s1  }
0x3b7: {  	[hbm4b:s1+s2] =	stream.linear.scatter [tilespmem:s6], [sflag:$0x7], $0x1000, $0x38;
	[tilespmem:$0x18A00] =	vst v63  }
.Ltmp10:
0x3b8: {  	(pc) =	sbr.rel .LBB2_19-.Ltmp10, $4  }
0x3b9: {  	_ = 	snop  }
0x3ba: {  	_ =	swait.ge [sflag:s25], $0x4000  }
0x3bb: {  	[sflag:s25] =	ssyncset.done $0x0  }
0x3bc: {  	[sflag:s25] =	ssyncadd.s32 $0xFFFFC000  }
.LBB2_18:
0x3bd: {  	s1 =	sshll.u32 s31, $0x9  }
0x3be: {  	s1 =	sand.u32 $0x3FFFFE00, s1  }
.Ltmp11:
0x3bf: {  	s6 =	simm.s32 $0xCA00;
	s1 =	sadd.s32 $0x300, s1;
	(pc) =	sbr.rel @p0 .LBB2_20-.Ltmp11, $4  }
0x3c0: {  	[tilespmem:s6], [sflag:$0x3] =	stream.indirect.gather [hbm4b:s3+s11], $0x80, s1, s11, $0xb8;
	[tilespmem:$0x18A00] =	vst v63  }
0x3c1: {  	_ =	swait.ge [sflag:s25], $0x4000  }
0x3c2: {  	[sflag:s25] =	ssyncset.done $0x0  }
0x3c3: {  	[sflag:s25] =	ssyncadd.s32 $0xFFFFC000  }
.LBB2_19:
0x3c4: {  	_ =	swait.ge [sflag:s26], $0x1000  }
0x3c5: {  	[sflag:s26] =	ssyncset.done $0x0  }
0x3c6: {  	[sflag:s26] =	ssyncadd.s32 $0xFFFFF000  }
.LBB2_20:
0x3c7: {  	s1 =	simm.s32 $0x0  }
.LBB2_21:
0x3c8: {  	s6 =	sshll.u32 s1, $0x9  }
0x3c9: {  	s12 =	sand.u32 $0x3FFFFE00, s6  }
0x3ca: {  	v0 =	vld [tilespmem:s12+$0x10A00]  }
0x3cb: {  	v1 =	vld [tilespmem:s12+$0x10A80];
	_ =	sdelay $0x1  }
0x3cc: {  	v2 =	vld [tilespmem:s12+$0x10B00];
	_ =	sdelay $0x1  }
0x3cd: {  	v3 =	vld [tilespmem:s12+$0x10B80]  }
0x3ce: {  	v0 =	vadd.f32 v1, v0;
	_ =	sdelay $0x1  }
0x3cf: {  	v0 =	vadd.f32 v2, v0;
	_ =	sdelay $0x1  }
0x3d0: {  	s21 =	sshll.u32 s1, $0x7;
	v0 =	vadd.f32 v3, v0  }
0x3d1: {  	s6 =	sand.u32 $0x3FFFFF80, s21  }
0x3d2: {  	[tilespmem:s6+$0x17A00] =	vst v0  }
0x3d3: {  	v0 =	vld [tilespmem:s12+$0x10A10]  }
0x3d4: {  	v21 =	vld [tilespmem:s12+$0x10A90];
	_ =	sdelay $0x1  }
0x3d5: {  	v22 =	vld [tilespmem:s12+$0x10B10];
	_ =	sdelay $0x1  }
0x3d6: {  	v23 =	vld [tilespmem:s12+$0x10B90]  }
0x3d7: {  	v0 =	vadd.f32 v21, v0;
	_ =	sdelay $0x1  }
0x3d8: {  	v0 =	vadd.f32 v22, v0;
	_ =	sdelay $0x1  }
0x3d9: {  	v0 =	vadd.f32 v23, v0;
	_ =	sdelay $0x1  }
0x3da: {  	[tilespmem:s6+$0x17A10] =	vst v0  }
0x3db: {  	v0 =	vld [tilespmem:s12+$0x10A20]  }
0x3dc: {  	v24 =	vld [tilespmem:s12+$0x10AA0];
	_ =	sdelay $0x1  }
0x3dd: {  	v25 =	vld [tilespmem:s12+$0x10B20];
	_ =	sdelay $0x1  }
0x3de: {  	v26 =	vld [tilespmem:s12+$0x10BA0]  }
0x3df: {  	v0 =	vadd.f32 v24, v0;
	_ =	sdelay $0x1  }
0x3e0: {  	v0 =	vadd.f32 v25, v0;
	_ =	sdelay $0x1  }
0x3e1: {  	v0 =	vadd.f32 v26, v0;
	_ =	sdelay $0x1  }
0x3e2: {  	[tilespmem:s6+$0x17A20] =	vst v0  }
0x3e3: {  	v0 =	vld [tilespmem:s12+$0x10A30]  }
0x3e4: {  	v27 =	vld [tilespmem:s12+$0x10AB0];
	_ =	sdelay $0x1  }
0x3e5: {  	v28 =	vld [tilespmem:s12+$0x10B30];
	_ =	sdelay $0x1  }
0x3e6: {  	v29 =	vld [tilespmem:s12+$0x10BB0]  }
0x3e7: {  	v0 =	vadd.f32 v27, v0  }
0x3e8: {  	s9 =	sor.u32 $0x1, s1  }
0x3e9: {  	s10 =	sshll.u32 s9, $0x9;
	v0 =	vadd.f32 v28, v0  }
0x3ea: {  	s13 =	sand.u32 $0x3FFFFE00, s10  }
0x3eb: {  	v32 =	vld [tilespmem:s13+$0x10A00];
	v0 =	vadd.f32 v29, v0  }
0x3ec: {  	v4 =	vld [tilespmem:s13+$0x10A80]  }
0x3ed: {  	v6 =	vld [tilespmem:s13+$0x10B00];
	[tilespmem:s6+$0x17A30] =	vst v0  }
0x3ee: {  	v0 =	vld [tilespmem:s12+$0x10A40]  }
0x3ef: {  	v30 =	vld [tilespmem:s12+$0x10AC0]  }
0x3f0: {  	v33 =	vld [tilespmem:s13+$0x10B80]  }
0x3f1: {  	v31 =	vld [tilespmem:s12+$0x10B40]  }
0x3f2: {  	v34 =	vadd.f32 v4, v32  }
0x3f3: {  	v5 =	vld [tilespmem:s12+$0x10BC0]  }
0x3f4: {  	v2 =	vadd.f32 v6, v34;
	v0 =	vadd.f32 v30, v0;
	_ =	sdelay $0x1  }
0x3f5: {  	s9 =	sshll.u32 s9, $0x7;
	v35 =	vadd.f32 v33, v2;
	v0 =	vadd.f32 v31, v0  }
0x3f6: {  	s9 =	sand.u32 $0x3FFFFF80, s9  }
0x3f7: {  	[tilespmem:s9+$0x17A00] =	vst v35;
	v0 =	vadd.f32 v5, v0  }
0x3f8: {  	v38 =	vld [tilespmem:s13+$0x10A90]  }
0x3f9: {  	[tilespmem:s6+$0x17A40] =	vst v0;
	v0 =	vld [tilespmem:s13+$0x10A10];
	_ =	sdelay $0x1  }
0x3fa: {  	v40 =	vld [tilespmem:s13+$0x10B10];
	_ =	sdelay $0x1  }
0x3fb: {  	s24 =	sor.u32 $0x2, s1;
	v42 =	vld [tilespmem:s13+$0x10B90]  }
0x3fc: {  	s14 =	sshll.u32 s24, $0x9;
	v0 =	vadd.f32 v38, v0  }
0x3fd: {  	s29 =	sor.u32 $0x3, s1;
	s15 =	sand.u32 $0x3FFFFE00, s14  }
0x3fe: {  	s16 =	sshll.u32 s29, $0x9;
	v46 =	vld [tilespmem:s15+$0x10A00];
	v0 =	vadd.f32 v40, v0  }
0x3ff: {  	s16 =	sand.u32 $0x3FFFFE00, s16;
	v47 =	vld [tilespmem:s15+$0x10A80]  }
0x400: {  	v61 =	vld [tilespmem:s16+$0x10A00];
	v0 =	vadd.f32 v42, v0  }
0x401: {  	v63 =	vld [tilespmem:s16+$0x10A80]  }
0x402: {  	v12 =	vld [tilespmem:s16+$0x10B00];
	[tilespmem:s9+$0x17A10] =	vst v0  }
0x403: {  	v0 =	vld [tilespmem:s13+$0x10A20]  }
0x404: {  	v43 =	vld [tilespmem:s13+$0x10AA0]  }
0x405: {  	v14 =	vld [tilespmem:s16+$0x10B80]  }
0x406: {  	v6 =	vadd.f32 v63, v61;
	v44 =	vld [tilespmem:s13+$0x10B20]  }
0x407: {  	v48 =	vld [tilespmem:s15+$0x10B00]  }
0x408: {  	v4 =	vadd.f32 v12, v6;
	v45 =	vld [tilespmem:s13+$0x10BA0]  }
0x409: {  	v36 =	vld [tilespmem:s12+$0x10A50];
	v0 =	vadd.f32 v43, v0  }
0x40a: {  	s14 =	sshll.u32 s29, $0x7;
	v3 =	vadd.f32 v14, v4;
	v37 =	vld [tilespmem:s12+$0x10AD0]  }
0x40b: {  	v49 =	vld [tilespmem:s15+$0x10B80];
	s14 =	sand.u32 $0x3FFFFF80, s14;
	v0 =	vadd.f32 v44, v0  }
0x40c: {  	[tilespmem:s14+$0x17A00] =	vst v3;
	v39 =	vld [tilespmem:s12+$0x10B50]  }
0x40d: {  	v50 =	vadd.f32 v47, v46;
	v10 =	vld [tilespmem:s16+$0x10A10];
	v0 =	vadd.f32 v45, v0  }
0x40e: {  	v41 =	vld [tilespmem:s12+$0x10BD0]  }
0x40f: {  	v52 =	vadd.f32 v48, v50;
	v20 =	vld [tilespmem:s16+$0x10A90];
	v1 =	vadd.f32 v37, v36;
	[tilespmem:s9+$0x17A20] =	vst v0  }
0x410: {  	v53 =	vld [tilespmem:s13+$0x10A30]  }
0x411: {  	s10 =	sshll.u32 s24, $0x7;
	v1 =	vadd.f32 v39, v1;
	v0 =	vadd.f32 v49, v52;
	v54 =	vld [tilespmem:s13+$0x10AB0]  }
0x412: {  	s10 =	sand.u32 $0x3FFFFF80, s10;
	v55 =	vld [tilespmem:s13+$0x10B30]  }
0x413: {  	v1 =	vadd.f32 v41, v1;
	v56 =	vld [tilespmem:s13+$0x10BB0];
	[tilespmem:s10+$0x17A00] =	vst v0  }
0x414: {  	v57 =	vld [tilespmem:s15+$0x10A10]  }
0x415: {  	[tilespmem:s6+$0x17A50] =	vst v1;
	v58 =	vld [tilespmem:s15+$0x10A90]  }
0x416: {  	v1 =	vld [tilespmem:s12+$0x10A60];
	v2 =	vadd.f32 v54, v53  }
0x417: {  	v59 =	vld [tilespmem:s15+$0x10B10]  }
0x418: {  	v7 =	vld [tilespmem:s12+$0x10AE0];
	v2 =	vadd.f32 v55, v2  }
0x419: {  	v60 =	vld [tilespmem:s15+$0x10B90]  }
0x41a: {  	v21 =	vld [tilespmem:s16+$0x10B10];
	v62 =	vadd.f32 v58, v57;
	v2 =	vadd.f32 v56, v2  }
0x41b: {  	v8 =	vld [tilespmem:s12+$0x10B60]  }
0x41c: {  	v51 =	vld [tilespmem:s12+$0x10BE0];
	v11 =	vadd.f32 v59, v62;
	[tilespmem:s9+$0x17A30] =	vst v2  }
0x41d: {  	v13 =	vld [tilespmem:s13+$0x10A40]  }
0x41e: {  	v1 =	vadd.f32 v7, v1;
	v2 =	vadd.f32 v60, v11;
	v15 =	vld [tilespmem:s13+$0x10AC0]  }
0x41f: {  	v16 =	vld [tilespmem:s13+$0x10B40]  }
0x420: {  	v1 =	vadd.f32 v8, v1;
	v9 =	vld [tilespmem:s13+$0x10BC0];
	[tilespmem:s10+$0x17A10] =	vst v2  }
0x421: {  	v2 =	vld [tilespmem:s15+$0x10A20]  }
0x422: {  	v1 =	vadd.f32 v51, v1;
	v17 =	vld [tilespmem:s15+$0x10AA0]  }
0x423: {  	v22 =	vld [tilespmem:s16+$0x10B90];
	v5 =	vadd.f32 v15, v13  }
0x424: {  	[tilespmem:s6+$0x17A60] =	vst v1;
	v18 =	vld [tilespmem:s15+$0x10B20]  }
0x425: {  	v0 =	vld [tilespmem:s12+$0x10A70];
	v5 =	vadd.f32 v16, v5  }
0x426: {  	v19 =	vld [tilespmem:s15+$0x10BA0]  }
0x427: {  	v1 =	vld [tilespmem:s12+$0x10AF0];
	v2 =	vadd.f32 v17, v2;
	v5 =	vadd.f32 v9, v5  }
0x428: {  	v3 =	vld [tilespmem:s12+$0x10B70]  }
0x429: {  	v6 =	vadd.f32 v20, v10;
	v4 =	vadd.f32 v18, v2;
	v2 =	vld [tilespmem:s12+$0x10BF0];
	[tilespmem:s9+$0x17A40] =	vst v5  }
0x42a: {  	v23 =	vld [tilespmem:s13+$0x10A50]  }
0x42b: {  	v6 =	vadd.f32 v21, v6;
	v4 =	vadd.f32 v19, v4;
	v24 =	vld [tilespmem:s13+$0x10AD0]  }
0x42c: {  	v26 =	vld [tilespmem:s13+$0x10B50]  }
0x42d: {  	v5 =	vadd.f32 v22, v6;
	v14 =	vld [tilespmem:s13+$0x10BD0];
	[tilespmem:s10+$0x17A20] =	vst v4  }
0x42e: {  	v4 =	vld [tilespmem:s15+$0x10A30]  }
0x42f: {  	[tilespmem:s14+$0x17A10] =	vst v5;
	v25 =	vld [tilespmem:s15+$0x10AB0]  }
0x430: {  	v5 =	vld [tilespmem:s16+$0x10A20]  }
0x431: {  	v28 =	vld [tilespmem:s16+$0x10AA0]  }
0x432: {  	s18 =	sor.u32 $0x4, s1;
	v27 =	vld [tilespmem:s15+$0x10B30]  }
0x433: {  	s30 =	sshll.u32 s18, $0x9;
	v11 =	vld [tilespmem:s15+$0x10BB0];
	v8 =	vadd.f32 v24, v23  }
0x434: {  	s12 =	sand.u32 $0x3FFFFE00, s30;
	v12 =	vld [tilespmem:s16+$0x10B20]  }
0x435: {  	v13 =	vld [tilespmem:s12+$0x10A00];
	v4 =	vadd.f32 v25, v4;
	v37 =	vadd.f32 v26, v8  }
0x436: {  	v29 =	vld [tilespmem:s16+$0x10BA0];
	v5 =	vadd.f32 v28, v5  }
0x437: {  	v30 =	vld [tilespmem:s12+$0x10A80];
	v4 =	vadd.f32 v27, v4;
	v6 =	vadd.f32 v14, v37  }
0x438: {  	v31 =	vld [tilespmem:s12+$0x10B00]  }
0x439: {  	v33 =	vld [tilespmem:s12+$0x10B80];
	v5 =	vadd.f32 v12, v5;
	v4 =	vadd.f32 v11, v4;
	[tilespmem:s9+$0x17A50] =	vst v6  }
0x43a: {  	v43 =	vld [tilespmem:s13+$0x10A60]  }
0x43b: {  	v5 =	vadd.f32 v29, v5;
	v45 =	vld [tilespmem:s13+$0x10AE0];
	[tilespmem:s10+$0x17A30] =	vst v4  }
0x43c: {  	v32 =	vld [tilespmem:s15+$0x10A40]  }
0x43d: {  	v34 =	vadd.f32 v30, v13;
	[tilespmem:s14+$0x17A20] =	vst v5;
	v15 =	vld [tilespmem:s15+$0x10AC0]  }
0x43e: {  	v5 =	vld [tilespmem:s16+$0x10A30]  }
0x43f: {  	v4 =	vadd.f32 v31, v34;
	v38 =	vld [tilespmem:s16+$0x10AB0]  }
0x440: {  	v35 =	vld [tilespmem:s15+$0x10B40]  }
0x441: {  	s18 =	sshll.u32 s18, $0x7;
	v39 =	vld [tilespmem:s16+$0x10B30];
	v4 =	vadd.f32 v33, v4  }
0x442: {  	s29 =	sand.u32 $0x3FFFFF80, s18;
	v36 =	vld [tilespmem:s15+$0x10BC0]  }
0x443: {  	v40 =	vld [tilespmem:s16+$0x10BB0];
	[tilespmem:s29+$0x17A00] =	vst v4;
	v41 =	vadd.f32 v15, v32  }
0x444: {  	v4 =	vld [tilespmem:s12+$0x10A10];
	v5 =	vadd.f32 v38, v5  }
0x445: {  	v42 =	vld [tilespmem:s12+$0x10A90];
	v6 =	vadd.f32 v35, v41  }
0x446: {  	v47 =	vld [tilespmem:s13+$0x10B60];
	v5 =	vadd.f32 v39, v5  }
0x447: {  	v44 =	vld [tilespmem:s12+$0x10B10];
	v6 =	vadd.f32 v36, v6  }
0x448: {  	v48 =	vld [tilespmem:s13+$0x10BE0];
	v5 =	vadd.f32 v40, v5  }
0x449: {  	v46 =	vld [tilespmem:s12+$0x10B90];
	[tilespmem:s10+$0x17A40] =	vst v6  }
0x44a: {  	v4 =	vadd.f32 v42, v4;
	[tilespmem:s14+$0x17A30] =	vst v5;
	v6 =	vld [tilespmem:s15+$0x10A50]  }
0x44b: {  	v5 =	vld [tilespmem:s16+$0x10A40]  }
0x44c: {  	v4 =	vadd.f32 v44, v4;
	v49 =	vld [tilespmem:s16+$0x10AC0]  }
0x44d: {  	v50 =	vld [tilespmem:s16+$0x10B40]  }
0x44e: {  	v51 =	vld [tilespmem:s16+$0x10BC0];
	v4 =	vadd.f32 v46, v4  }
0x44f: {  	v55 =	vld [tilespmem:s15+$0x10AD0]  }
0x450: {  	v11 =	vadd.f32 v45, v43;
	v57 =	vld [tilespmem:s15+$0x10B50];
	[tilespmem:s29+$0x17A10] =	vst v4  }
0x451: {  	v52 =	vld [tilespmem:s12+$0x10A20]  }
0x452: {  	v53 =	vadd.f32 v47, v11;
	v54 =	vld [tilespmem:s12+$0x10AA0];
	v5 =	vadd.f32 v49, v5  }
0x453: {  	v59 =	vld [tilespmem:s15+$0x10BD0]  }
0x454: {  	v4 =	vadd.f32 v48, v53;
	v56 =	vld [tilespmem:s12+$0x10B20];
	v5 =	vadd.f32 v50, v5  }
0x455: {  	v6 =	vadd.f32 v55, v6  }
0x456: {  	v58 =	vld [tilespmem:s12+$0x10BA0];
	[tilespmem:s9+$0x17A60] =	vst v4;
	v12 =	vadd.f32 v51, v5  }
0x457: {  	v4 =	vld [tilespmem:s13+$0x10A70];
	v6 =	vadd.f32 v57, v6;
	v10 =	vadd.f32 v54, v52  }
0x458: {  	v5 =	vld [tilespmem:s13+$0x10AF0];
	[tilespmem:s14+$0x17A40] =	vst v12  }
0x459: {  	v6 =	vadd.f32 v59, v6;
	v7 =	vadd.f32 v56, v10;
	v60 =	vld [tilespmem:s16+$0x10A50]  }
0x45a: {  	v61 =	vld [tilespmem:s16+$0x10AD0]  }
0x45b: {  	[tilespmem:s10+$0x17A50] =	vst v6;
	v6 =	vld [tilespmem:s13+$0x10B70];
	v7 =	vadd.f32 v58, v7  }
0x45c: {  	v62 =	vld [tilespmem:s16+$0x10B50]  }
0x45d: {  	v63 =	vld [tilespmem:s16+$0x10BD0];
	[tilespmem:s29+$0x17A20] =	vst v7  }
0x45e: {  	v7 =	vld [tilespmem:s12+$0x10A30]  }
0x45f: {  	v16 =	vld [tilespmem:s12+$0x10AB0];
	v18 =	vadd.f32 v61, v60  }
0x460: {  	v17 =	vld [tilespmem:s15+$0x10A60]  }
0x461: {  	v19 =	vld [tilespmem:s12+$0x10B30];
	v9 =	vadd.f32 v62, v18  }
0x462: {  	v20 =	vld [tilespmem:s15+$0x10AE0]  }
0x463: {  	v21 =	vld [tilespmem:s12+$0x10BB0];
	v9 =	vadd.f32 v63, v9  }
0x464: {  	v22 =	vld [tilespmem:s15+$0x10B60];
	v7 =	vadd.f32 v16, v7  }
0x465: {  	v23 =	vld [tilespmem:s15+$0x10BE0];
	[tilespmem:s14+$0x17A50] =	vst v9  }
0x466: {  	v7 =	vadd.f32 v19, v7;
	v24 =	vld [tilespmem:s16+$0x10A60]  }
0x467: {  	v25 =	vadd.f32 v20, v17;
	v26 =	vld [tilespmem:s16+$0x10AE0]  }
0x468: {  	v27 =	vld [tilespmem:s16+$0x10B60];
	v7 =	vadd.f32 v21, v7  }
0x469: {  	v9 =	vadd.f32 v22, v25;
	v28 =	vld [tilespmem:s16+$0x10BE0]  }
0x46a: {  	[tilespmem:s29+$0x17A30] =	vst v7;
	v7 =	vld [tilespmem:s13+$0x10BF0]  }
0x46b: {  	v9 =	vadd.f32 v23, v9;
	v29 =	vld [tilespmem:s12+$0x10A40]  }
0x46c: {  	v16 =	vld [tilespmem:s12+$0x10AC0]  }
0x46d: {  	[tilespmem:s10+$0x17A60] =	vst v9;
	v30 =	vld [tilespmem:s12+$0x10B40]  }
0x46e: {  	v11 =	vld [tilespmem:s15+$0x10A70]  }
0x46f: {  	s18 =	sor.u32 $0x6, s1;
	v31 =	vld [tilespmem:s12+$0x10BC0];
	v8 =	vadd.f32 v26, v24  }
0x470: {  	s24 =	sshll.u32 s18, $0x9;
	v12 =	vld [tilespmem:s15+$0x10AF0]  }
0x471: {  	s13 =	sand.u32 $0x3FFFFE00, s24;
	v10 =	vld [tilespmem:s15+$0x10B70];
	v8 =	vadd.f32 v27, v8  }
0x472: {  	v33 =	vld [tilespmem:s13+$0x10A00]  }
0x473: {  	v35 =	vld [tilespmem:s13+$0x10B00];
	v14 =	vadd.f32 v28, v8;
	v15 =	vadd.f32 v16, v29  }
0x474: {  	v24 =	vld [tilespmem:s13+$0x10A80]  }
0x475: {  	v8 =	vld [tilespmem:s15+$0x10BF0];
	[tilespmem:s14+$0x17A60] =	vst v14;
	v9 =	vadd.f32 v30, v15  }
0x476: {  	s15 =	sor.u32 $0x5, s1;
	v14 =	vld [tilespmem:s16+$0x10A70]  }
0x477: {  	s21 =	sshll.u32 s15, $0x9;
	v15 =	vld [tilespmem:s16+$0x10AF0];
	v32 =	vadd.f32 v31, v9  }
0x478: {  	s21 =	sand.u32 $0x3FFFFE00, s21;
	v13 =	vld [tilespmem:s16+$0x10B70]  }
0x479: {  	v20 =	vld [tilespmem:s21+$0x10A00];
	[tilespmem:s29+$0x17A40] =	vst v32  }
0x47a: {  	v16 =	vld [tilespmem:s12+$0x10A50]  }
0x47b: {  	v17 =	vld [tilespmem:s12+$0x10AD0]  }
0x47c: {  	v21 =	vld [tilespmem:s21+$0x10A80]  }
0x47d: {  	v18 =	vld [tilespmem:s12+$0x10B50]  }
0x47e: {  	v22 =	vld [tilespmem:s21+$0x10B00]  }
0x47f: {  	s24 =	sor.u32 $0x7, s1;
	v19 =	vld [tilespmem:s12+$0x10BD0]  }
0x480: {  	s30 =	sshll.u32 s24, $0x9;
	v23 =	vld [tilespmem:s21+$0x10B80];
	v16 =	vadd.f32 v17, v16  }
0x481: {  	v9 =	vld [tilespmem:s16+$0x10BF0];
	s16 =	sand.u32 $0x3FFFFE00, s30;
	v34 =	vadd.f32 v21, v20  }
0x482: {  	v36 =	vld [tilespmem:s16+$0x10A00];
	v16 =	vadd.f32 v18, v16  }
0x483: {  	v37 =	vld [tilespmem:s16+$0x10A80];
	v18 =	vadd.f32 v22, v34  }
0x484: {  	v38 =	vld [tilespmem:s13+$0x10B80];
	v16 =	vadd.f32 v19, v16  }
0x485: {  	s15 =	sshll.u32 s15, $0x7;
	v40 =	vld [tilespmem:s16+$0x10B00];
	v17 =	vadd.f32 v24, v33;
	v39 =	vadd.f32 v23, v18  }
0x486: {  	s15 =	sand.u32 $0x3FFFFF80, s15;
	v42 =	vld [tilespmem:s16+$0x10B80];
	[tilespmem:s29+$0x17A50] =	vst v16  }
0x487: {  	v41 =	vadd.f32 v35, v17;
	[tilespmem:s15+$0x17A00] =	vst v39;
	v23 =	vld [tilespmem:s12+$0x10A60]  }
0x488: {  	v19 =	vadd.f32 v37, v36;
	v43 =	vld [tilespmem:s21+$0x10A10]  }
0x489: {  	s18 =	sshll.u32 s18, $0x7;
	v16 =	vadd.f32 v38, v41;
	v44 =	vld [tilespmem:s21+$0x10A90]  }
0x48a: {  	s18 =	sand.u32 $0x3FFFFF80, s18;
	v18 =	vadd.f32 v40, v19;
	v45 =	vld [tilespmem:s21+$0x10B10]  }
0x48b: {  	v46 =	vld [tilespmem:s21+$0x10B90];
	[tilespmem:s18+$0x17A00] =	vst v16  }
0x48c: {  	s24 =	sshll.u32 s24, $0x7;
	v17 =	vadd.f32 v42, v18;
	v16 =	vld [tilespmem:s13+$0x10A10]  }
0x48d: {  	s24 =	sand.u32 $0x3FFFFF80, s24;
	v47 =	vld [tilespmem:s13+$0x10A90]  }
0x48e: {  	v48 =	vld [tilespmem:s13+$0x10B10];
	[tilespmem:s24+$0x17A00] =	vst v17;
	v20 =	vadd.f32 v44, v43  }
0x48f: {  	v17 =	vld [tilespmem:s16+$0x10A10]  }
0x490: {  	v49 =	vld [tilespmem:s16+$0x10A90];
	v20 =	vadd.f32 v45, v20  }
0x491: {  	v50 =	vld [tilespmem:s13+$0x10B90]  }
0x492: {  	v51 =	vld [tilespmem:s16+$0x10B10];
	v16 =	vadd.f32 v47, v16;
	v19 =	vadd.f32 v46, v20  }
0x493: {  	v52 =	vld [tilespmem:s12+$0x10AE0]  }
0x494: {  	v53 =	vld [tilespmem:s16+$0x10B90];
	v16 =	vadd.f32 v48, v16;
	[tilespmem:s15+$0x17A10] =	vst v19  }
0x495: {  	v17 =	vadd.f32 v49, v17;
	v54 =	vld [tilespmem:s21+$0x10A20]  }
0x496: {  	v16 =	vadd.f32 v50, v16;
	v55 =	vld [tilespmem:s21+$0x10AA0]  }
0x497: {  	v17 =	vadd.f32 v51, v17;
	v56 =	vld [tilespmem:s21+$0x10B20]  }
0x498: {  	v57 =	vld [tilespmem:s21+$0x10BA0];
	[tilespmem:s18+$0x17A10] =	vst v16  }
0x499: {  	v17 =	vadd.f32 v53, v17;
	v16 =	vld [tilespmem:s13+$0x10A20]  }
0x49a: {  	v58 =	vld [tilespmem:s13+$0x10AA0]  }
0x49b: {  	v59 =	vld [tilespmem:s13+$0x10B20];
	[tilespmem:s24+$0x17A10] =	vst v17;
	v21 =	vadd.f32 v55, v54  }
0x49c: {  	v17 =	vld [tilespmem:s16+$0x10A20]  }
0x49d: {  	v60 =	vld [tilespmem:s16+$0x10AA0];
	v21 =	vadd.f32 v56, v21  }
0x49e: {  	v25 =	vld [tilespmem:s13+$0x10BA0]  }
0x49f: {  	v61 =	vld [tilespmem:s16+$0x10B20];
	v16 =	vadd.f32 v58, v16;
	v18 =	vadd.f32 v57, v21  }
0x4a0: {  	v62 =	vld [tilespmem:s12+$0x10B60]  }
0x4a1: {  	v63 =	vld [tilespmem:s16+$0x10BA0];
	v16 =	vadd.f32 v59, v16;
	[tilespmem:s15+$0x17A20] =	vst v18  }
0x4a2: {  	v17 =	vadd.f32 v60, v17;
	v28 =	vld [tilespmem:s21+$0x10A30]  }
0x4a3: {  	v16 =	vadd.f32 v25, v16;
	v29 =	vld [tilespmem:s21+$0x10AB0]  }
0x4a4: {  	v17 =	vadd.f32 v61, v17;
	v30 =	vld [tilespmem:s21+$0x10B30]  }
0x4a5: {  	v31 =	vld [tilespmem:s21+$0x10BB0];
	[tilespmem:s18+$0x17A20] =	vst v16  }
0x4a6: {  	v17 =	vadd.f32 v63, v17;
	v16 =	vld [tilespmem:s13+$0x10A30]  }
0x4a7: {  	v32 =	vld [tilespmem:s13+$0x10AB0]  }
0x4a8: {  	v33 =	vld [tilespmem:s13+$0x10B30];
	[tilespmem:s24+$0x17A20] =	vst v17;
	v22 =	vadd.f32 v29, v28  }
0x4a9: {  	v17 =	vld [tilespmem:s16+$0x10A30]  }
0x4aa: {  	v34 =	vld [tilespmem:s16+$0x10AB0];
	v22 =	vadd.f32 v30, v22  }
0x4ab: {  	v26 =	vld [tilespmem:s13+$0x10BB0]  }
0x4ac: {  	v35 =	vld [tilespmem:s16+$0x10B30];
	v16 =	vadd.f32 v32, v16;
	v19 =	vadd.f32 v31, v22  }
0x4ad: {  	v36 =	vld [tilespmem:s12+$0x10BE0]  }
0x4ae: {  	v37 =	vld [tilespmem:s16+$0x10BB0];
	v16 =	vadd.f32 v33, v16;
	[tilespmem:s15+$0x17A30] =	vst v19  }
0x4af: {  	v17 =	vadd.f32 v34, v17;
	v38 =	vld [tilespmem:s21+$0x10A40]  }
0x4b0: {  	v16 =	vadd.f32 v26, v16;
	v39 =	vld [tilespmem:s21+$0x10AC0]  }
0x4b1: {  	v17 =	vadd.f32 v35, v17;
	v40 =	vld [tilespmem:s21+$0x10B40]  }
0x4b2: {  	v41 =	vld [tilespmem:s21+$0x10BC0];
	[tilespmem:s18+$0x17A30] =	vst v16  }
0x4b3: {  	v17 =	vadd.f32 v37, v17;
	v43 =	vld [tilespmem:s13+$0x10A40]  }
0x4b4: {  	v42 =	vadd.f32 v52, v23;
	v44 =	vld [tilespmem:s13+$0x10AC0]  }
0x4b5: {  	v46 =	vld [tilespmem:s13+$0x10B40];
	[tilespmem:s24+$0x17A30] =	vst v17;
	v45 =	vadd.f32 v39, v38  }
0x4b6: {  	v16 =	vadd.f32 v62, v42;
	v17 =	vld [tilespmem:s16+$0x10A40]  }
0x4b7: {  	v47 =	vld [tilespmem:s16+$0x10AC0];
	v21 =	vadd.f32 v40, v45  }
0x4b8: {  	v48 =	vld [tilespmem:s13+$0x10BC0];
	v16 =	vadd.f32 v36, v16  }
0x4b9: {  	v51 =	vld [tilespmem:s16+$0x10B40];
	v50 =	vadd.f32 v44, v43;
	v49 =	vadd.f32 v41, v21  }
0x4ba: {  	v53 =	vld [tilespmem:s16+$0x10BC0];
	[tilespmem:s29+$0x17A60] =	vst v16  }
0x4bb: {  	v20 =	vld [tilespmem:s12+$0x10A70];
	v52 =	vadd.f32 v46, v50;
	[tilespmem:s15+$0x17A40] =	vst v49  }
0x4bc: {  	v17 =	vadd.f32 v47, v17;
	v54 =	vld [tilespmem:s21+$0x10A50]  }
0x4bd: {  	v16 =	vadd.f32 v48, v52;
	v55 =	vld [tilespmem:s21+$0x10AD0]  }
0x4be: {  	v17 =	vadd.f32 v51, v17;
	v56 =	vld [tilespmem:s21+$0x10B50]  }
0x4bf: {  	v57 =	vld [tilespmem:s21+$0x10BD0];
	[tilespmem:s18+$0x17A40] =	vst v16  }
0x4c0: {  	v17 =	vadd.f32 v53, v17;
	v16 =	vld [tilespmem:s13+$0x10A50]  }
0x4c1: {  	v58 =	vld [tilespmem:s13+$0x10AD0]  }
0x4c2: {  	v59 =	vld [tilespmem:s13+$0x10B50];
	[tilespmem:s24+$0x17A40] =	vst v17;
	v21 =	vadd.f32 v55, v54  }
0x4c3: {  	v17 =	vld [tilespmem:s16+$0x10A50]  }
0x4c4: {  	v60 =	vld [tilespmem:s16+$0x10AD0];
	v21 =	vadd.f32 v56, v21  }
0x4c5: {  	v61 =	vld [tilespmem:s13+$0x10BD0]  }
0x4c6: {  	v62 =	vld [tilespmem:s16+$0x10B50];
	v16 =	vadd.f32 v58, v16;
	v19 =	vadd.f32 v57, v21  }
0x4c7: {  	v63 =	vld [tilespmem:s12+$0x10AF0]  }
0x4c8: {  	v29 =	vld [tilespmem:s16+$0x10BD0];
	v16 =	vadd.f32 v59, v16;
	[tilespmem:s15+$0x17A50] =	vst v19  }
0x4c9: {  	v17 =	vadd.f32 v60, v17;
	v30 =	vld [tilespmem:s21+$0x10A60]  }
0x4ca: {  	v16 =	vadd.f32 v61, v16;
	v31 =	vld [tilespmem:s21+$0x10AE0]  }
0x4cb: {  	v17 =	vadd.f32 v62, v17;
	v32 =	vld [tilespmem:s21+$0x10B60]  }
0x4cc: {  	v33 =	vld [tilespmem:s21+$0x10BE0];
	[tilespmem:s18+$0x17A50] =	vst v16  }
0x4cd: {  	v17 =	vadd.f32 v29, v17;
	v16 =	vld [tilespmem:s13+$0x10A60]  }
0x4ce: {  	v34 =	vld [tilespmem:s13+$0x10AE0]  }
0x4cf: {  	v35 =	vld [tilespmem:s13+$0x10B60];
	[tilespmem:s24+$0x17A50] =	vst v17  }
0x4d0: {  	v37 =	vld [tilespmem:s16+$0x10A60];
	v36 =	vadd.f32 v31, v30  }
0x4d1: {  	v38 =	vld [tilespmem:s16+$0x10AE0]  }
0x4d2: {  	v39 =	vld [tilespmem:s13+$0x10BE0];
	v17 =	vadd.f32 v32, v36  }
0x4d3: {  	v40 =	vld [tilespmem:s16+$0x10B60]  }
0x4d4: {  	v27 =	vld [tilespmem:s12+$0x10B70];
	v16 =	vadd.f32 v34, v16;
	v17 =	vadd.f32 v33, v17  }
0x4d5: {  	v41 =	vld [tilespmem:s16+$0x10BE0]  }
0x4d6: {  	v42 =	vld [tilespmem:s12+$0x10BF0];
	v16 =	vadd.f32 v35, v16;
	v43 =	vadd.f32 v38, v37;
	[tilespmem:s15+$0x17A60] =	vst v17  }
0x4d7: {  	v44 =	vld [tilespmem:s21+$0x10A70]  }
0x4d8: {  	v16 =	vadd.f32 v39, v16;
	v17 =	vadd.f32 v40, v43;
	v45 =	vld [tilespmem:s21+$0x10AF0]  }
0x4d9: {  	v46 =	vld [tilespmem:s21+$0x10B70]  }
0x4da: {  	v0 =	vadd.f32 v1, v0;
	v47 =	vld [tilespmem:s21+$0x10BF0];
	[tilespmem:s18+$0x17A60] =	vst v16;
	v48 =	vadd.f32 v41, v17  }
0x4db: {  	v4 =	vadd.f32 v5, v4;
	v49 =	vld [tilespmem:s13+$0x10A70]  }
0x4dc: {  	v0 =	vadd.f32 v3, v0;
	v52 =	vadd.f32 v15, v14;
	v51 =	vld [tilespmem:s13+$0x10AF0];
	[tilespmem:s24+$0x17A60] =	vst v48  }
0x4dd: {  	v4 =	vadd.f32 v6, v4;
	v50 =	vadd.f32 v12, v11;
	v53 =	vld [tilespmem:s16+$0x10A70]  }
0x4de: {  	v0 =	vadd.f32 v2, v0;
	v6 =	vadd.f32 v13, v52;
	v55 =	vld [tilespmem:s16+$0x10AF0]  }
0x4df: {  	v4 =	vadd.f32 v7, v4;
	v54 =	vadd.f32 v10, v50;
	v56 =	vld [tilespmem:s13+$0x10B70]  }
0x4e0: {  	v6 =	vadd.f32 v9, v6;
	v57 =	vadd.f32 v63, v20;
	v58 =	vld [tilespmem:s16+$0x10B70]  }
0x4e1: {  	v2 =	vadd.f32 v8, v54;
	v59 =	vld [tilespmem:s13+$0x10BF0];
	v60 =	vadd.f32 v45, v44  }
0x4e2: {  	[tilespmem:s6+$0x17A70] =	vst v0;
	v8 =	vadd.f32 v27, v57;
	v61 =	vld [tilespmem:s16+$0x10BF0];
	v1 =	vadd.f32 v51, v49  }
0x4e3: {  	[tilespmem:s9+$0x17A70] =	vst v4;
	v62 =	vadd.f32 v46, v60;
	v3 =	vadd.f32 v55, v53  }
0x4e4: {  	p0 =	slt.u32 s1, $0x18;
	[tilespmem:s14+$0x17A70] =	vst v6;
	v63 =	vadd.f32 v42, v8;
	v1 =	vadd.f32 v56, v1  }
.Ltmp12:
0x4e5: {  	[tilespmem:s10+$0x17A70] =	vst v2;
	v4 =	vadd.f32 v47, v62;
	v3 =	vadd.f32 v58, v3;
	(pc) =	sbr.rel @p0 .LBB2_21-.Ltmp12, $4  }
0x4e6: {  	[tilespmem:s29+$0x17A70] =	vst v63;
	v1 =	vadd.f32 v59, v1  }
0x4e7: {  	[tilespmem:s15+$0x17A70] =	vst v4;
	v0 =	vadd.f32 v61, v3  }
0x4e8: {  	s30 =	sadd.s32 $0x8, s1;
	[tilespmem:s18+$0x17A70] =	vst v1  }
0x4e9: {  	s1 =	smov.u32 s30;
	[tilespmem:s24+$0x17A70] =	vst v0  }
0x4ea: {  	s31 =	sadd.s32 $0x1, s31  }
0x4eb: {  	p0 =	sne.s32 s31, $0x25  }
.Ltmp13:
0x4ec: {  	s0 =	sadd.s32 s4, s0;
	(pc) =	sbr.rel @p0 .LBB2_2-.Ltmp13, $4  }
0x4ed: {  	s0 =	sshll.u32 s0, $0x9  }
0x4ee: {  	s0 =	sand.u32 $0x1FFFFE00, s0  }
0x4ef: {  	s0 =	sadd.s32 s5, s0  }
0x4f0: {  	[hbm4b:s0+s2] =	stream.linear.scatter [tilespmem:s28], [sflag:$0x8], $0x1000, $0x38;
	[tilespmem:$0x18A00] =	vst v63  }
0x4f1: {  	s0 =	simm.s32 $0x5  }
0x4f2: {  	_ =	swait.ge [sflag:s0], $0x1000  }
0x4f3: {  	[sflag:s0] =	ssyncset.done $0x0  }
0x4f4: {  	[sflag:s0] =	ssyncadd.s32 $0xFFFFF000  }
0x4f5: {  	_ =	swait.ge [sflag:s20], $0x1000  }
0x4f6: {  	[sflag:s20] =	ssyncset.done $0x0  }
0x4f7: {  	[sflag:s20] =	ssyncadd.s32 $0xFFFFF000  }
0x4f8: {  	_ =	swait.ge [sflag:s23], $0x1000  }
0x4f9: {  	[sflag:s23] =	ssyncset.done $0x0  }
0x4fa: {  	[sflag:s23] =	ssyncadd.s32 $0xFFFFF000  }
0x4fb: {  	_ =	swait.ge [sflag:s26], $0x1000  }
0x4fc: {  	s1 =	rddreg [dreg:$0x4]  }
0x4fd: {  	s31 =	rddreg [dreg:$0x3];
	s1 =	sadd.s32 $0x1, s1  }
0x4fe: {  	p0 =	sne.s32 s1, s31  }
.Ltmp14:
0x4ff: {  	_ = 	snop;
	(pc) =	sbr.rel @p0 .LBB2_1-.Ltmp14, $3  }
0x500: {  	_ =	sdelay $0x1  }
0x501: {  	[sflag:s26] =	ssyncset.done $0x0  }
0x502: {  	[sflag:s26] =	ssyncadd.s32 $0xFFFFF000  }
0x503: {  	_ =	sfence.sel $0x180000  }
0x504: {  	[bflag:$0x0] =	sbarrier.arrive $0xFFFF  }
0x505: {  	_ =	strace $0x90000047  }
0x506: {  	s0 =	stileid.u32;
	[bflag:$0x2] =	sbarrier.arrive $0xFFFF  }
0x507: {  	p0 =	sne.s32 s0, $0x0;
	s0 =	rddreg [dreg:$0x1]  }
0x508: {  	s0 =	sadd.s32 @!p0 $0x100000, s0  }
0x509: {  	[sflag:s0] =	ssyncadd.tile.s32 @!p0 $0x1;
	_ =	shalt  }
.Lfunc_end2:
_tile_overlayer_lowered:
.L_overlay_start_2:
0x50a: {  	(tag) =	ssettag $0x2  }
0x50b: {  	s0 =	rddreg [dreg:$0x0];
	s2 =	stileid.u32  }
0x50c: {  	s1 =	rddreg [dreg:$0x1];
	p0 =	sne.s32 s2, $0x0  }
0x50d: {  	s3 =	rddreg [dreg:$0x2];
	[bflag:$0x3] =	sbarrier.arrive $0xFFFF;
	s2 =	simm.s32 @!p0 $0x1C09  }
0x50e: {  	[timem:s3], [sflag:s2] =	dma.local @!p0 [hbm:s0], s1  }
0x50f: {  	s0 =	simm.s32 @!p0 $0x9  }
0x510: {  	_ =	swait.ge @!p0 [sflag:s0], s1  }
0x511: {  	s1 =	ssub.s32 @!p0 $0x0, s1;
	[sflag:s0] =	ssyncset.done @!p0 $0x0  }
0x512: {  	[sflag:s0] =	ssyncadd.s32 @!p0 s1  }
0x513: {  	[bflag:$0x3] =	sbarrier.arrive $0xFFFF  }
0x514: {  	_ =	shalt  }

</sc_bundles>
